<compile_context>
chip_gen: v7x
topology: tpu7x:2x2x1
jax: 0.10.2.dev20260603
libtpu: 0.0.44.dev20260713+nightly
codegen_flags: <defaults>
</compile_context>

<pallas_src>
import functools

import jax
import jax.numpy as jnp
from jax import lax
from jax.experimental import pallas as pl
from jax.experimental.pallas import tpu as pltpu
from jax.experimental.pallas import tpu_sc as plsc

_TOPK = 30
_KPAD = 32
_NEG = -1e30


def _mlp_body(x, W1, b1, W2, b2, Wh, bh, Wt, bt, eh, et):
    h = jnp.maximum(jnp.dot(x[...], W1[...], preferred_element_type=jnp.float32) + b1[...], 0.0)
    h = jnp.maximum(jnp.dot(h, W2[...], preferred_element_type=jnp.float32) + b2[...], 0.0)
    eh[...] = jnp.dot(h, Wh[...], preferred_element_type=jnp.float32) + bh[...]
    et[...] = jnp.dot(h, Wt[...], preferred_element_type=jnp.float32) + bt[...]


def _logits_body(nreal, scale, eh, et, out):
    j = pl.program_id(1)
    cb = out.shape[1]
    l = jax.lax.dot_general(eh[...] * scale, et[...],
                            (((1,), (1,)), ((), ())),
                            preferred_element_type=jnp.float32)
    col = j * cb + jax.lax.broadcasted_iota(jnp.int32, l.shape, 1)
    out[...] = jnp.where(col < nreal, l, _NEG)


def _agg_body(eh, vals, nb, l1W, l1b, l2W, l2b, aW1, ab1, aW2, ab2,
              eh2_out, att_out):
    e = eh[...]
    v = vals[...]
    nbv = nb[...]
    kio = jax.lax.broadcasted_iota(jnp.int32, v.shape, 1)
    kmask = kio < _TOPK
    v = jnp.where(kmask, v, _NEG)
    p = jax.nn.softmax(v, axis=-1)
    s = jnp.sum(nbv, axis=-1)
    arg = (2.0 - p)[:, :, None] * e[:, None, :] + p[:, :, None] * nbv
    g = jnp.sum(jnp.tanh(arg), axis=-1)
    ka = jnp.where(kmask, s * g, _NEG)
    q = jax.nn.softmax(ka, axis=-1)
    eNh = jnp.sum(q[:, :, None] * nbv, axis=1)
    sum_emb = jnp.maximum(
        jnp.dot(e + eNh, l1W[...], preferred_element_type=jnp.float32) + l1b[...], 0.0)
    bi_emb = jnp.maximum(
        jnp.dot(e * eNh, l2W[...], preferred_element_type=jnp.float32) + l2b[...], 0.0)
    eh2 = sum_emb + bi_emb
    pre = jnp.dot(eh2, aW1[...], preferred_element_type=jnp.float32) + ab1[...]
    act = jnp.where(pre > 0, pre, 0.01 * pre)
    a = jnp.dot(act, aW2[...], preferred_element_type=jnp.float32) + ab2[...]
    eh2_out[...] = eh2
    att_out[...] = a


def _merge2(av, ai, bv, bi):
    rbv = lax.rev(bv, (0,))
    rbi = lax.rev(bi, (0,))
    m = av >= rbv
    pv = jnp.where(m, av, rbv)
    pi = jnp.where(m, ai, rbi)
    qv = jnp.where(m, rbv, av)
    qi = jnp.where(m, rbi, ai)
    pv, pi = plsc.sort_key_val(pv, pi, descending=True)
    qv, qi = plsc.sort_key_val(qv, qi, descending=True)
    return pv, pi, qv, qi


def _make_sc_topk(npad):
    info = plsc.get_sparse_core_info()
    nw = info.num_cores * info.num_subcores
    rows_per_w = npad // nw
    ngroups = npad // 128
    mesh = plsc.VectorSubcoreMesh(core_axis_name="c", subcore_axis_name="s")

    @functools.partial(
        pl.kernel, mesh=mesh,
        compiler_params=pltpu.CompilerParams(needs_layout_passes=False),
        out_type=[jax.ShapeDtypeStruct((npad, _KPAD), jnp.float32),
                  jax.ShapeDtypeStruct((npad, _KPAD), jnp.int32)],
        scratch_types=[
            pltpu.VMEM((8, npad), jnp.float32),
            pltpu.VMEM((2, 16), jnp.float32),
            pltpu.VMEM((2, 16), jnp.int32),
            pltpu.VMEM((8, _KPAD), jnp.float32),
            pltpu.VMEM((8, _KPAD), jnp.int32),
            pltpu.SMEM((1,), jnp.float32),
        ],
    )
    def topk_k(logits_hbm, vals_hbm, idx_hbm, rbuf, bv, bi, obv, obi, thr):
        wid = lax.axis_index("s") * info.num_cores + lax.axis_index("c")
        row0 = wid * rows_per_w
        io16 = lax.iota(jnp.int32, 16)

        def row8_body(r8, carry):
            gr0 = row0 + r8 * 8
            pltpu.sync_copy(logits_hbm.at[pl.ds(gr0, 8)], rbuf)

            def row_body(j, c1):
                v0, i0 = plsc.sort_key_val(rbuf[j, pl.ds(0, 16)], io16,
                                           descending=True)
                v1, i1 = plsc.sort_key_val(rbuf[j, pl.ds(16, 16)], io16 + 16,
                                           descending=True)
                hv, hi, lv, li = _merge2(v0, i0, v1, i1)
                for k in range(2, 8):
                    cs, cis = plsc.sort_key_val(rbuf[j, pl.ds(k * 16, 16)],
                                                io16 + k * 16, descending=True)
                    hv, hi, mv, mi = _merge2(cs, cis, hv, hi)
                    lv, li, _, _ = _merge2(mv, mi, lv, li)
                bv[0] = hv
                bi[0] = hi
                bv[1] = lv
                bi[1] = li
                thr[0] = jnp.min(lv)

                def group_body(g, c2):
                    base = g * 128
                    m = rbuf[j, pl.ds(base, 16)]
                    for k in range(1, 8):
                        m = jnp.maximum(m, rbuf[j, pl.ds(base + k * 16, 16)])

                    @pl.when(jnp.max(m) > thr[0])
                    def _slow():
                        for k in range(8):
                            cv = rbuf[j, pl.ds(base + k * 16, 16)]

                            @pl.when(jnp.max(cv) > thr[0])
                            def _merge_chunk():
                                cs, cis = plsc.sort_key_val(
                                    cv, io16 + (base + k * 16),
                                    descending=True)
                                hv2, hi2, mv2, mi2 = _merge2(
                                    cs, cis, bv[0], bi[0])
                                lv2, li2, _, _ = _merge2(
                                    mv2, mi2, bv[1], bi[1])
                                bv[0] = hv2
                                bi[0] = hi2
                                bv[1] = lv2
                                bi[1] = li2
                                thr[0] = jnp.min(lv2)
                    return c2

                lax.fori_loop(1, ngroups, group_body, 0)

                obv[j, pl.ds(0, 16)] = bv[0]
                obv[j, pl.ds(16, 16)] = bv[1]
                obi[j, pl.ds(0, 16)] = bi[0]
                obi[j, pl.ds(16, 16)] = bi[1]
                return c1

            lax.fori_loop(0, 8, row_body, 0)
            pltpu.sync_copy(obv, vals_hbm.at[pl.ds(gr0, 8)])
            pltpu.sync_copy(obi, idx_hbm.at[pl.ds(gr0, 8)])
            return carry

        lax.fori_loop(0, rows_per_w // 8, row8_body, 0)

    return topk_k


def _make_sc_gather(npad, d):
    info = plsc.get_sparse_core_info()
    nw = info.num_cores * info.num_subcores
    total = npad * _KPAD
    per_w = total // nw
    chunk = 128
    nchunks = per_w // chunk

    mesh = plsc.VectorSubcoreMesh(core_axis_name="c", subcore_axis_name="s")

    @functools.partial(
        pl.kernel, mesh=mesh,
        out_type=jax.ShapeDtypeStruct((total, d), jnp.float32),
        scratch_types=[
            pltpu.VMEM((chunk,), jnp.int32),
            pltpu.VMEM((chunk, d), jnp.float32),
            pltpu.SemaphoreType.DMA,
        ],
    )
    def gather_k(et_hbm, idx_hbm, out_hbm, idx_v, rows_v, sem):
        wid = lax.axis_index("s") * info.num_cores + lax.axis_index("c")
        base = wid * per_w

        def body(j, carry):
            off = base + j * chunk
            pltpu.sync_copy(idx_hbm.at[pl.ds(off, chunk)], idx_v)
            pltpu.async_copy(et_hbm.at[idx_v], rows_v, sem).wait()
            pltpu.sync_copy(rows_v, out_hbm.at[pl.ds(off, chunk)])
            return carry

        lax.fori_loop(0, nchunks, body, 0)

    return gather_k


def _readout_body(nreal, att, eh2, out):
    row = jax.lax.broadcasted_iota(jnp.int32, att.shape, 0)
    a = jnp.where(row < nreal, att[...], _NEG)
    m = jnp.max(a)
    ex = jnp.exp(a - m)
    alpha = ex / jnp.sum(ex)
    out[...] = jnp.sum(alpha * eh2[...], axis=0, keepdims=True)


def kernel(x_path, fc_W1, fc_b1, fc_W2, fc_b2, Wh, bh, Wt, bt,
           l1_W, l1_b, l2_W, l2_b, att_W1, att_b1, att_W2, att_b2):
    n, din = x_path.shape
    d = fc_W1.shape[1]
    dh = att_W1.shape[1]
    scale = d ** (-0.5)

    CB = 512
    npad = -(-n // CB) * CB
    RB_MLP = 512
    RB_LG = 256
    RB_AG = 256

    x_p = jnp.pad(x_path, ((0, npad - n), (0, 0)))
    b1 = fc_b1.reshape(1, d)
    b2 = fc_b2.reshape(1, d)
    bh_ = bh.reshape(1, d)
    bt_ = bt.reshape(1, d)

    eh, et = pl.pallas_call(
        _mlp_body,
        grid=(npad // RB_MLP,),
        in_specs=[
            pl.BlockSpec((RB_MLP, din), lambda i: (i, 0)),
            pl.BlockSpec((din, d), lambda i: (0, 0)),
            pl.BlockSpec((1, d), lambda i: (0, 0)),
            pl.BlockSpec((d, d), lambda i: (0, 0)),
            pl.BlockSpec((1, d), lambda i: (0, 0)),
            pl.BlockSpec((d, d), lambda i: (0, 0)),
            pl.BlockSpec((1, d), lambda i: (0, 0)),
            pl.BlockSpec((d, d), lambda i: (0, 0)),
            pl.BlockSpec((1, d), lambda i: (0, 0)),
        ],
        out_specs=[
            pl.BlockSpec((RB_MLP, d), lambda i: (i, 0)),
            pl.BlockSpec((RB_MLP, d), lambda i: (i, 0)),
        ],
        out_shape=[
            jax.ShapeDtypeStruct((npad, d), jnp.float32),
            jax.ShapeDtypeStruct((npad, d), jnp.float32),
        ],
    )(x_p, fc_W1, b1, fc_W2, b2, Wh, bh_, Wt, bt_)

    logits = pl.pallas_call(
        functools.partial(_logits_body, n, scale),
        grid=(npad // RB_LG, npad // CB),
        in_specs=[
            pl.BlockSpec((RB_LG, d), lambda i, j: (i, 0)),
            pl.BlockSpec((CB, d), lambda i, j: (j, 0)),
        ],
        out_specs=pl.BlockSpec((RB_LG, CB), lambda i, j: (i, j)),
        out_shape=jax.ShapeDtypeStruct((npad, npad), jnp.float32),
    )(eh, et)

    vals, idx = _make_sc_topk(npad)(logits)
    idx_flat = idx.reshape(npad * _KPAD)
    nb_flat = _make_sc_gather(npad, d)(et, idx_flat)
    nb = nb_flat.reshape(npad, _KPAD, d)

    l1b = l1_b.reshape(1, d)
    l2b = l2_b.reshape(1, d)
    ab1 = att_b1.reshape(1, dh)
    ab2 = att_b2.reshape(1, 1)

    eh2, att = pl.pallas_call(
        _agg_body,
        grid=(npad // RB_AG,),
        in_specs=[
            pl.BlockSpec((RB_AG, d), lambda i: (i, 0)),
            pl.BlockSpec((RB_AG, _KPAD), lambda i: (i, 0)),
            pl.BlockSpec((RB_AG, _KPAD, d), lambda i: (i, 0, 0)),
            pl.BlockSpec((d, d), lambda i: (0, 0)),
            pl.BlockSpec((1, d), lambda i: (0, 0)),
            pl.BlockSpec((d, d), lambda i: (0, 0)),
            pl.BlockSpec((1, d), lambda i: (0, 0)),
            pl.BlockSpec((d, dh), lambda i: (0, 0)),
            pl.BlockSpec((1, dh), lambda i: (0, 0)),
            pl.BlockSpec((dh, 1), lambda i: (0, 0)),
            pl.BlockSpec((1, 1), lambda i: (0, 0)),
        ],
        out_specs=[
            pl.BlockSpec((RB_AG, d), lambda i: (i, 0)),
            pl.BlockSpec((RB_AG, 1), lambda i: (i, 0)),
        ],
        out_shape=[
            jax.ShapeDtypeStruct((npad, d), jnp.float32),
            jax.ShapeDtypeStruct((npad, 1), jnp.float32),
        ],
    )(eh, vals, nb, l1_W, l1b, l2_W, l2b, att_W1, ab1, att_W2, ab2)

    e_g = pl.pallas_call(
        functools.partial(_readout_body, n),
        in_specs=[
            pl.BlockSpec((npad, 1), lambda: (0, 0)),
            pl.BlockSpec((npad, d), lambda: (0, 0)),
        ],
        out_specs=pl.BlockSpec((1, d), lambda: (0, 0)),
        out_shape=jax.ShapeDtypeStruct((1, d), jnp.float32),
    )(att, eh2)

    return e_g

# --- scband reference (transcript-rebuilt; emitter-appended) ---
"""Pipeline reference for scband-pgbf-surv-78228534329902 (READ-ONLY COPY).

The authoritative reference and input builder live on the scoring server;
editing this copy changes nothing except your own understanding.
"""

import jax, jax.numpy as jnp
import numpy as np

N, DIN, D, TOPK = 10000, 1024, 256, 30

def _init(k, shape):
    return jax.random.normal(k, shape, dtype=jnp.float32) / np.sqrt(shape[0])

def setup_inputs(seed: int = 0) -> dict:
    key = jax.random.key(seed)
    ks = jax.random.split(key, 10)
    return {
        'x_path': jax.random.normal(ks[0], (N, DIN), dtype=jnp.float32),
        'fc_W1': _init(ks[1], (DIN, D)), 'fc_b1': jnp.zeros((D,), jnp.float32),
        'fc_W2': _init(ks[2], (D, D)),   'fc_b2': jnp.zeros((D,), jnp.float32),
        'Wh': _init(ks[3], (D, D)), 'bh': jnp.zeros((D,), jnp.float32),
        'Wt': _init(ks[4], (D, D)), 'bt': jnp.zeros((D,), jnp.float32),
        'l1_W': _init(ks[5], (D, D)), 'l1_b': jnp.zeros((D,), jnp.float32),
        'l2_W': _init(ks[6], (D, D)), 'l2_b': jnp.zeros((D,), jnp.float32),
        'att_W1': _init(ks[7], (D, D // 2)), 'att_b1': jnp.zeros((D // 2,), jnp.float32),
        'att_W2': _init(ks[8], (D // 2, 1)), 'att_b2': jnp.zeros((1,), jnp.float32),
    }

def reference(x_path, fc_W1, fc_b1, fc_W2, fc_b2, Wh, bh, Wt, bt,
              l1_W, l1_b, l2_W, l2_b, att_W1, att_b1, att_W2, att_b2):
    scale = D ** (-0.5)
    # pathology_fc (eval mode: dropout is identity)
    h = jax.nn.relu(x_path @ fc_W1 + fc_b1)
    h = jax.nn.relu(h @ fc_W2 + fc_b2)
    h_path_bag = h[None]                      # [1, N, 256]
    e_h = h_path_bag @ Wh + bh                # W_head
    e_t = h_path_bag @ Wt + bt                # W_tail
    attn_logit = (e_h * scale) @ jnp.swapaxes(e_t, -2, -1)   # [1, N, N]
    topk_weight, topk_index = jax.lax.top_k(attn_logit, TOPK)
    topk_prob = jax.nn.softmax(topk_weight, axis=-1)         # [1, N, K]
    Nb_h = jnp.take(e_t[0], topk_index[0], axis=0)[None]     # gather neighbors [1, N, K, 256]
    eh_r = topk_prob[..., None] * Nb_h + jnp.matmul((1.0 - topk_prob)[..., None], e_h[:, :, None, :])
    e_h_expand = jnp.broadcast_to(e_h[:, :, None, :], Nb_h.shape)
    gate = jnp.tanh(e_h_expand + eh_r)
    # faithful to original (buggy-looking but intended) einsum 'ijkl,ijkm->ijk'
    ka_weight = jnp.einsum('ijkl,ijkm->ijk', Nb_h, gate)
    ka_prob = jax.nn.softmax(ka_weight, axis=2)[:, :, None, :]  # [1, N, 1, K]
    e_Nh = jnp.matmul(ka_prob, Nb_h).squeeze(2)                 # [1, N, 256]
    sum_emb = jax.nn.relu((e_h + e_Nh) @ l1_W + l1_b)
    bi_emb = jax.nn.relu((e_h * e_Nh) @ l2_W + l2_b)
    e_h2 = (sum_emb + bi_emb)[0]                                # squeeze(0) [N, 256]
    # GlobalAttention readout
    att = jax.nn.leaky_relu(e_h2 @ att_W1 + att_b1, negative_slope=0.01) @ att_W2 + att_b2
    alpha = jax.nn.softmax(att, axis=0)                         # softmax over nodes
    e_g = jnp.sum(alpha * e_h2, axis=0, keepdims=True)          # [1, 256]
    return e_g

if __name__ == "__main__":
    import jax
    _d = setup_inputs()
    print(jax.jit(kernel)(*tuple(_d.values())))

</pallas_src>

<mosaic_0001>
#map = affine_map<(d0, d1) -> (0, 0)>
#map1 = affine_map<(d0, d1) -> (0)>
module attributes {stable_mosaic.version = 14 : i64} {
  func.func @gather_k(%arg0: i32, %arg1: i32, %arg2: memref<10240x256xf32, #tpu.memory_space<hbm>>, %arg3: memref<327680xi32, #tpu.memory_space<hbm>>, %arg4: memref<327680x256xf32, #tpu.memory_space<hbm>>, %arg5: memref<128xi32, #tpu.memory_space<vmem>>, %arg6: memref<128x256xf32, #tpu.memory_space<vmem>>, %arg7: memref<!tpu.dma_semaphore, #tpu.memory_space<semaphore_mem>>) attributes {dimension_semantics = [#tpu.dimension_semantics<core_parallel>, #tpu.dimension_semantics<subcore_parallel>], iteration_bounds = array<i64: 2, 16>, scalar_prefetch = 0 : i64, scratch_operands = 3 : i64, tpu.core_type = #tpu.core_type<sc_vector_subcore>, window_params = [{transform_indices = #map}, {transform_indices = #map1}, {transform_indices = #map}]} {
    %mul3A = arith.constant 2 : i32
    %mul3A_0 = arith.muli %arg1, %mul3A : i32
    %add3A = arith.addi %mul3A_0, %arg0 : i32
    %mul3A_1 = arith.constant 10240 : i32
    %mul3A_2 = arith.muli %add3A, %mul3A_1 : i32
    %scan3A = arith.constant 0 : i32
    %scan3A_3 = arith.constant 0 : i32
    %scan3A_4 = arith.constant 80 : i32
    %scan3A_5 = arith.addi %scan3A_3, %scan3A_4 : i32
    %scan3A_6 = arith.constant 1 : i32
    scf.for %scan3A_8 = %scan3A_3 to %scan3A_5 step %scan3A_6  : i32 {
      %mul3A_9 = arith.constant 128 : i32
      %mul3A_10 = arith.muli %scan3A_8, %mul3A_9 : i32
      %add3A_11 = arith.addi %mul3A_2, %mul3A_10 : i32
      "tpu.region"() ({
        %run_scoped3A = tpu.sem_alloc : memref<!tpu.dma_semaphore, #tpu.memory_space<semaphore_mem>>
        %dma_start3A_16 = tpu.memref_slice %arg3[%add3A_11] : memref<327680xi32, #tpu.memory_space<hbm>> -> memref<128xi32, #tpu.memory_space<hbm>>
        %dma_start3A_17 = tpu.memref_slice %arg3[%add3A_11] : memref<327680xi32, #tpu.memory_space<hbm>> -> memref<128xi32, #tpu.memory_space<hbm>>
        tpu.enqueue_dma source(%dma_start3A_17 : memref<128xi32, #tpu.memory_space<hbm>>) target(%arg5 : memref<128xi32, #tpu.memory_space<vmem>>) target_semaphore(%run_scoped3A : memref<!tpu.dma_semaphore, #tpu.memory_space<semaphore_mem>>)
        %dma_wait3A_18 = tpu.memref_slice %arg3[%add3A_11] : memref<327680xi32, #tpu.memory_space<hbm>> -> memref<128xi32, #tpu.memory_space<hbm>>
        %dma_wait3A_19 = tpu.memref_slice %arg3[%add3A_11] : memref<327680xi32, #tpu.memory_space<hbm>> -> memref<128xi32, #tpu.memory_space<hbm>>
        tpu.wait_dma2 semaphore(%run_scoped3A : memref<!tpu.dma_semaphore, #tpu.memory_space<semaphore_mem>>) src(%dma_wait3A_19 : memref<128xi32, #tpu.memory_space<hbm>>) dst(%arg5 : memref<128xi32, #tpu.memory_space<vmem>>)
        tpu.yield
      }) : () -> ()
      %dma_start3A = arith.constant 0 : i32
      %dma_start3A_12 = arith.constant 0 : i32
      %dma_start3A_13 = tpu.memref_slice %arg2[%dma_start3A, %dma_start3A_12] : memref<10240x256xf32, #tpu.memory_space<hbm>> -> memref<10240x256xf32, #tpu.memory_space<hbm>>
      tpu.enqueue_indirect_dma source(%dma_start3A_13 : memref<10240x256xf32, #tpu.memory_space<hbm>>) target(%arg6 : memref<128x256xf32, #tpu.memory_space<vmem>>) offsets(%arg5 : memref<128xi32, #tpu.memory_space<vmem>>) semaphore(%arg7 : memref<!tpu.dma_semaphore, #tpu.memory_space<semaphore_mem>>)
      %dma_wait3A = arith.constant 0 : i32
      %dma_wait3A_14 = arith.constant 0 : i32
      %dma_wait3A_15 = tpu.memref_slice %arg2[%dma_wait3A, %dma_wait3A_14] : memref<10240x256xf32, #tpu.memory_space<hbm>> -> memref<10240x256xf32, #tpu.memory_space<hbm>>
      tpu.wait_indirect_dma semaphore(%arg7 : memref<!tpu.dma_semaphore, #tpu.memory_space<semaphore_mem>>) src(%dma_wait3A_15 : memref<10240x256xf32, #tpu.memory_space<hbm>>) dst(%arg6 : memref<128x256xf32, #tpu.memory_space<vmem>>)
      "tpu.region"() ({
        %run_scoped3A = tpu.sem_alloc : memref<!tpu.dma_semaphore, #tpu.memory_space<semaphore_mem>>
        %dma_start3A_16 = arith.constant 0 : i32
        %dma_start3A_17 = tpu.memref_slice %arg4[%add3A_11, %dma_start3A_16] : memref<327680x256xf32, #tpu.memory_space<hbm>> -> memref<128x256xf32, #tpu.memory_space<hbm>>
        %dma_start3A_18 = arith.constant 0 : i32
        %dma_start3A_19 = tpu.memref_slice %arg4[%add3A_11, %dma_start3A_18] : memref<327680x256xf32, #tpu.memory_space<hbm>> -> memref<128x256xf32, #tpu.memory_space<hbm>>
        tpu.enqueue_dma source(%arg6 : memref<128x256xf32, #tpu.memory_space<vmem>>) target(%dma_start3A_19 : memref<128x256xf32, #tpu.memory_space<hbm>>) target_semaphore(%run_scoped3A : memref<!tpu.dma_semaphore, #tpu.memory_space<semaphore_mem>>)
        %dma_wait3A_20 = arith.constant 0 : i32
        %dma_wait3A_21 = tpu.memref_slice %arg4[%add3A_11, %dma_wait3A_20] : memref<327680x256xf32, #tpu.memory_space<hbm>> -> memref<128x256xf32, #tpu.memory_space<hbm>>
        %dma_wait3A_22 = arith.constant 0 : i32
        %dma_wait3A_23 = tpu.memref_slice %arg4[%add3A_11, %dma_wait3A_22] : memref<327680x256xf32, #tpu.memory_space<hbm>> -> memref<128x256xf32, #tpu.memory_space<hbm>>
        tpu.wait_dma2 semaphore(%run_scoped3A : memref<!tpu.dma_semaphore, #tpu.memory_space<semaphore_mem>>) src(%arg6 : memref<128x256xf32, #tpu.memory_space<vmem>>) dst(%dma_wait3A_23 : memref<128x256xf32, #tpu.memory_space<hbm>>)
        tpu.yield
      }) : () -> ()
    }
    %scan3A_7 = arith.constant 80 : i32
    return
  }
}

#map = affine_map<(d0, d1) -> (0, 0)>
module attributes {stable_mosaic.version = 14 : i64} {
  func.func @topk_k(%arg0: i32, %arg1: i32, %arg2: memref<10240x10240xf32, #tpu.memory_space<hbm>>, %arg3: memref<10240x32xf32, #tpu.memory_space<hbm>>, %arg4: memref<10240x32xi32, #tpu.memory_space<hbm>>, %arg5: memref<8x10240xf32, #tpu.memory_space<vmem>>, %arg6: memref<2x16xf32, #tpu.memory_space<vmem>>, %arg7: memref<2x16xi32, #tpu.memory_space<vmem>>, %arg8: memref<8x32xf32, #tpu.memory_space<vmem>>, %arg9: memref<8x32xi32, #tpu.memory_space<vmem>>, %arg10: memref<1xf32, #tpu.memory_space<smem>>) attributes {dimension_semantics = [#tpu.dimension_semantics<core_parallel>, #tpu.dimension_semantics<subcore_parallel>], iteration_bounds = array<i64: 2, 16>, scalar_prefetch = 0 : i64, scratch_operands = 6 : i64, tpu.core_type = #tpu.core_type<sc_vector_subcore>, window_params = [{transform_indices = #map}, {transform_indices = #map}, {transform_indices = #map}]} {
    %mul3A = arith.constant 2 : i32
    %mul3A_0 = arith.muli %arg1, %mul3A : i32
    %add3A = arith.addi %mul3A_0, %arg0 : i32
    %mul3A_1 = arith.constant 320 : i32
    %mul3A_2 = arith.muli %add3A, %mul3A_1 : i32
    %iota3A = tpu.iota {dimensions = array<i32: 0>} : vector<16xi32>
    %scan3A = arith.constant 0 : i32
    %scan3A_3 = arith.constant 0 : i32
    %scan3A_4 = arith.constant 40 : i32
    %scan3A_5 = arith.addi %scan3A_3, %scan3A_4 : i32
    %scan3A_6 = arith.constant 1 : i32
    scf.for %scan3A_8 = %scan3A_3 to %scan3A_5 step %scan3A_6  : i32 {
      %mul3A_9 = arith.constant 8 : i32
      %mul3A_10 = arith.muli %scan3A_8, %mul3A_9 : i32
      %add3A_11 = arith.addi %mul3A_2, %mul3A_10 : i32
      "tpu.region"() ({
        %run_scoped3A = tpu.sem_alloc : memref<!tpu.dma_semaphore, #tpu.memory_space<semaphore_mem>>
        %dma_start3A = arith.constant 0 : i32
        %dma_start3A_18 = tpu.memref_slice %arg2[%add3A_11, %dma_start3A] : memref<10240x10240xf32, #tpu.memory_space<hbm>> -> memref<8x10240xf32, #tpu.memory_space<hbm>>
        %dma_start3A_19 = arith.constant 0 : i32
        %dma_start3A_20 = tpu.memref_slice %arg2[%add3A_11, %dma_start3A_19] : memref<10240x10240xf32, #tpu.memory_space<hbm>> -> memref<8x10240xf32, #tpu.memory_space<hbm>>
        tpu.enqueue_dma source(%dma_start3A_20 : memref<8x10240xf32, #tpu.memory_space<hbm>>) target(%arg5 : memref<8x10240xf32, #tpu.memory_space<vmem>>) target_semaphore(%run_scoped3A : memref<!tpu.dma_semaphore, #tpu.memory_space<semaphore_mem>>)
        %dma_wait3A = arith.constant 0 : i32
        %dma_wait3A_21 = tpu.memref_slice %arg2[%add3A_11, %dma_wait3A] : memref<10240x10240xf32, #tpu.memory_space<hbm>> -> memref<8x10240xf32, #tpu.memory_space<hbm>>
        %dma_wait3A_22 = arith.constant 0 : i32
        %dma_wait3A_23 = tpu.memref_slice %arg2[%add3A_11, %dma_wait3A_22] : memref<10240x10240xf32, #tpu.memory_space<hbm>> -> memref<8x10240xf32, #tpu.memory_space<hbm>>
        tpu.wait_dma2 semaphore(%run_scoped3A : memref<!tpu.dma_semaphore, #tpu.memory_space<semaphore_mem>>) src(%dma_wait3A_23 : memref<8x10240xf32, #tpu.memory_space<hbm>>) dst(%arg5 : memref<8x10240xf32, #tpu.memory_space<vmem>>)
        tpu.yield
      }) : () -> ()
      %scan3A_12 = arith.constant 0 : i32
      %scan3A_13 = arith.constant 0 : i32
      %scan3A_14 = arith.constant 8 : i32
      %scan3A_15 = arith.addi %scan3A_13, %scan3A_14 : i32
      %scan3A_16 = arith.constant 1 : i32
      scf.for %scan3A_18 = %scan3A_13 to %scan3A_15 step %scan3A_16  : i32 {
        %get3A = arith.index_cast %scan3A_18 : i32 to index
        %get3A_19 = arith.constant 0 : index
        %get3A_20 = tpu.vector_load %arg5[%get3A, %get3A_19] {strides = array<i32>} : memref<8x10240xf32, #tpu.memory_space<vmem>>, vector<16xf32>,
        %masked_sort3A = arith.constant dense<true> : vector<16xi1>
        %masked_sort3A_21, %masked_sort3A_22, %masked_sort3A_23 = tpu.sort %get3A_20, %iota3A masked %masked_sort3A {descending = true} : (vector<16xf32>, vector<16xi32>, vector<16xi1>) -> (vector<16xi1>, vector<16xf32>, vector<16xi32>)
        %get3A_24 = arith.index_cast %scan3A_18 : i32 to index
        %get3A_25 = arith.constant 16 : index
        %get3A_26 = tpu.vector_load %arg5[%get3A_24, %get3A_25] {strides = array<i32>} : memref<8x10240xf32, #tpu.memory_space<vmem>>, vector<16xf32>,
        %add3A_27 = arith.constant 16 : i32
        %add3A_28 = vector.broadcast %add3A_27 : i32 to vector<16xi32>
        %add3A_29 = arith.addi %iota3A, %add3A_28 : vector<16xi32>
        %masked_sort3A_30 = arith.constant dense<true> : vector<16xi1>
        %masked_sort3A_31, %masked_sort3A_32, %masked_sort3A_33 = tpu.sort %get3A_26, %add3A_29 masked %masked_sort3A_30 {descending = true} : (vector<16xf32>, vector<16xi32>, vector<16xi1>) -> (vector<16xi1>, vector<16xf32>, vector<16xi32>)
        %rev3A = arith.constant 15 : i32
        %rev3A_34 = vector.broadcast %rev3A : i32 to vector<16xi32>
        %rev3A_35 = tpu.iota {dimensions = array<i32: 0>} : vector<16xi32>
        %rev3A_36 = arith.subi %rev3A_34, %rev3A_35 : vector<16xi32>
        %rev3A_37 = tpu.dynamic_gather %masked_sort3A_32[%rev3A_36] in [0] : vector<16xf32>, vector<16xi32> -> vector<16xf32>
        %rev3A_38 = arith.constant 15 : i32
        %rev3A_39 = vector.broadcast %rev3A_38 : i32 to vector<16xi32>
        %rev3A_40 = tpu.iota {dimensions = array<i32: 0>} : vector<16xi32>
        %rev3A_41 = arith.subi %rev3A_39, %rev3A_40 : vector<16xi32>
        %rev3A_42 = tpu.dynamic_gather %masked_sort3A_33[%rev3A_41] in [0] : vector<16xi32>, vector<16xi32> -> vector<16xi32>
        %ge3A = arith.cmpf oge, %masked_sort3A_22, %rev3A_37 : vector<16xf32>
        %select_n3A = arith.select %ge3A, %masked_sort3A_22, %rev3A_37 : vector<16xi1>, vector<16xf32>
        %select_n3A_43 = arith.select %ge3A, %masked_sort3A_23, %rev3A_42 : vector<16xi1>, vector<16xi32>
        %select_n3A_44 = arith.select %ge3A, %rev3A_37, %masked_sort3A_22 : vector<16xi1>, vector<16xf32>
        %select_n3A_45 = arith.select %ge3A, %rev3A_42, %masked_sort3A_23 : vector<16xi1>, vector<16xi32>
        %masked_sort3A_46 = arith.constant dense<true> : vector<16xi1>
        %masked_sort3A_47, %masked_sort3A_48, %masked_sort3A_49 = tpu.sort %select_n3A, %select_n3A_43 masked %masked_sort3A_46 {descending = true} : (vector<16xf32>, vector<16xi32>, vector<16xi1>) -> (vector<16xi1>, vector<16xf32>, vector<16xi32>)
        %masked_sort3A_50 = arith.constant dense<true> : vector<16xi1>
        %masked_sort3A_51, %masked_sort3A_52, %masked_sort3A_53 = tpu.sort %select_n3A_44, %select_n3A_45 masked %masked_sort3A_50 {descending = true} : (vector<16xf32>, vector<16xi32>, vector<16xi1>) -> (vector<16xi1>, vector<16xf32>, vector<16xi32>)
        %get3A_54 = arith.index_cast %scan3A_18 : i32 to index
        %get3A_55 = arith.constant 32 : index
        %get3A_56 = tpu.vector_load %arg5[%get3A_54, %get3A_55] {strides = array<i32>} : memref<8x10240xf32, #tpu.memory_space<vmem>>, vector<16xf32>,
        %add3A_57 = arith.constant 32 : i32
        %add3A_58 = vector.broadcast %add3A_57 : i32 to vector<16xi32>
        %add3A_59 = arith.addi %iota3A, %add3A_58 : vector<16xi32>
        %masked_sort3A_60 = arith.constant dense<true> : vector<16xi1>
        %masked_sort3A_61, %masked_sort3A_62, %masked_sort3A_63 = tpu.sort %get3A_56, %add3A_59 masked %masked_sort3A_60 {descending = true} : (vector<16xf32>, vector<16xi32>, vector<16xi1>) -> (vector<16xi1>, vector<16xf32>, vector<16xi32>)
        %rev3A_64 = arith.constant 15 : i32
        %rev3A_65 = vector.broadcast %rev3A_64 : i32 to vector<16xi32>
        %rev3A_66 = tpu.iota {dimensions = array<i32: 0>} : vector<16xi32>
        %rev3A_67 = arith.subi %rev3A_65, %rev3A_66 : vector<16xi32>
        %rev3A_68 = tpu.dynamic_gather %masked_sort3A_48[%rev3A_67] in [0] : vector<16xf32>, vector<16xi32> -> vector<16xf32>
        %rev3A_69 = arith.constant 15 : i32
        %rev3A_70 = vector.broadcast %rev3A_69 : i32 to vector<16xi32>
        %rev3A_71 = tpu.iota {dimensions = array<i32: 0>} : vector<16xi32>
        %rev3A_72 = arith.subi %rev3A_70, %rev3A_71 : vector<16xi32>
        %rev3A_73 = tpu.dynamic_gather %masked_sort3A_49[%rev3A_72] in [0] : vector<16xi32>, vector<16xi32> -> vector<16xi32>
        %ge3A_74 = arith.cmpf oge, %masked_sort3A_62, %rev3A_68 : vector<16xf32>
        %select_n3A_75 = arith.select %ge3A_74, %masked_sort3A_62, %rev3A_68 : vector<16xi1>, vector<16xf32>
        %select_n3A_76 = arith.select %ge3A_74, %masked_sort3A_63, %rev3A_73 : vector<16xi1>, vector<16xi32>
        %select_n3A_77 = arith.select %ge3A_74, %rev3A_68, %masked_sort3A_62 : vector<16xi1>, vector<16xf32>
        %select_n3A_78 = arith.select %ge3A_74, %rev3A_73, %masked_sort3A_63 : vector<16xi1>, vector<16xi32>
        %masked_sort3A_79 = arith.constant dense<true> : vector<16xi1>
        %masked_sort3A_80, %masked_sort3A_81, %masked_sort3A_82 = tpu.sort %select_n3A_75, %select_n3A_76 masked %masked_sort3A_79 {descending = true} : (vector<16xf32>, vector<16xi32>, vector<16xi1>) -> (vector<16xi1>, vector<16xf32>, vector<16xi32>)
        %masked_sort3A_83 = arith.constant dense<true> : vector<16xi1>
        %masked_sort3A_84, %masked_sort3A_85, %masked_sort3A_86 = tpu.sort %select_n3A_77, %select_n3A_78 masked %masked_sort3A_83 {descending = true} : (vector<16xf32>, vector<16xi32>, vector<16xi1>) -> (vector<16xi1>, vector<16xf32>, vector<16xi32>)
        %rev3A_87 = arith.constant 15 : i32
        %rev3A_88 = vector.broadcast %rev3A_87 : i32 to vector<16xi32>
        %rev3A_89 = tpu.iota {dimensions = array<i32: 0>} : vector<16xi32>
        %rev3A_90 = arith.subi %rev3A_88, %rev3A_89 : vector<16xi32>
        %rev3A_91 = tpu.dynamic_gather %masked_sort3A_52[%rev3A_90] in [0] : vector<16xf32>, vector<16xi32> -> vector<16xf32>
        %rev3A_92 = arith.constant 15 : i32
        %rev3A_93 = vector.broadcast %rev3A_92 : i32 to vector<16xi32>
        %rev3A_94 = tpu.iota {dimensions = array<i32: 0>} : vector<16xi32>
        %rev3A_95 = arith.subi %rev3A_93, %rev3A_94 : vector<16xi32>
        %rev3A_96 = tpu.dynamic_gather %masked_sort3A_53[%rev3A_95] in [0] : vector<16xi32>, vector<16xi32> -> vector<16xi32>
        %ge3A_97 = arith.cmpf oge, %masked_sort3A_85, %rev3A_91 : vector<16xf32>
        %select_n3A_98 = arith.select %ge3A_97, %masked_sort3A_85, %rev3A_91 : vector<16xi1>, vector<16xf32>
        %select_n3A_99 = arith.select %ge3A_97, %masked_sort3A_86, %rev3A_96 : vector<16xi1>, vector<16xi32>
        %select_n3A_100 = arith.select %ge3A_97, %rev3A_91, %masked_sort3A_85 : vector<16xi1>, vector<16xf32>
        %select_n3A_101 = arith.select %ge3A_97, %rev3A_96, %masked_sort3A_86 : vector<16xi1>, vector<16xi32>
        %masked_sort3A_102 = arith.constant dense<true> : vector<16xi1>
        %masked_sort3A_103, %masked_sort3A_104, %masked_sort3A_105 = tpu.sort %select_n3A_98, %select_n3A_99 masked %masked_sort3A_102 {descending = true} : (vector<16xf32>, vector<16xi32>, vector<16xi1>) -> (vector<16xi1>, vector<16xf32>, vector<16xi32>)
        %masked_sort3A_106 = arith.constant dense<true> : vector<16xi1>
        %masked_sort3A_107, %masked_sort3A_108, %masked_sort3A_109 = tpu.sort %select_n3A_100, %select_n3A_101 masked %masked_sort3A_106 {descending = true} : (vector<16xf32>, vector<16xi32>, vector<16xi1>) -> (vector<16xi1>, vector<16xf32>, vector<16xi32>)
        %get3A_110 = arith.index_cast %scan3A_18 : i32 to index
        %get3A_111 = arith.constant 48 : index
        %get3A_112 = tpu.vector_load %arg5[%get3A_110, %get3A_111] {strides = array<i32>} : memref<8x10240xf32, #tpu.memory_space<vmem>>, vector<16xf32>,
        %add3A_113 = arith.constant 48 : i32
        %add3A_114 = vector.broadcast %add3A_113 : i32 to vector<16xi32>
        %add3A_115 = arith.addi %iota3A, %add3A_114 : vector<16xi32>
        %masked_sort3A_116 = arith.constant dense<true> : vector<16xi1>
        %masked_sort3A_117, %masked_sort3A_118, %masked_sort3A_119 = tpu.sort %get3A_112, %add3A_115 masked %masked_sort3A_116 {descending = true} : (vector<16xf32>, vector<16xi32>, vector<16xi1>) -> (vector<16xi1>, vector<16xf32>, vector<16xi32>)
        %rev3A_120 = arith.constant 15 : i32
        %rev3A_121 = vector.broadcast %rev3A_120 : i32 to vector<16xi32>
        %rev3A_122 = tpu.iota {dimensions = array<i32: 0>} : vector<16xi32>
        %rev3A_123 = arith.subi %rev3A_121, %rev3A_122 : vector<16xi32>
        %rev3A_124 = tpu.dynamic_gather %masked_sort3A_81[%rev3A_123] in [0] : vector<16xf32>, vector<16xi32> -> vector<16xf32>
        %rev3A_125 = arith.constant 15 : i32
        %rev3A_126 = vector.broadcast %rev3A_125 : i32 to vector<16xi32>
        %rev3A_127 = tpu.iota {dimensions = array<i32: 0>} : vector<16xi32>
        %rev3A_128 = arith.subi %rev3A_126, %rev3A_127 : vector<16xi32>
        %rev3A_129 = tpu.dynamic_gather %masked_sort3A_82[%rev3A_128] in [0] : vector<16xi32>, vector<16xi32> -> vector<16xi32>
        %ge3A_130 = arith.cmpf oge, %masked_sort3A_118, %rev3A_124 : vector<16xf32>
        %select_n3A_131 = arith.select %ge3A_130, %masked_sort3A_118, %rev3A_124 : vector<16xi1>, vector<16xf32>
        %select_n3A_132 = arith.select %ge3A_130, %masked_sort3A_119, %rev3A_129 : vector<16xi1>, vector<16xi32>
        %select_n3A_133 = arith.select %ge3A_130, %rev3A_124, %masked_sort3A_118 : vector<16xi1>, vector<16xf32>
        %select_n3A_134 = arith.select %ge3A_130, %rev3A_129, %masked_sort3A_119 : vector<16xi1>, vector<16xi32>
        %masked_sort3A_135 = arith.constant dense<true> : vector<16xi1>
        %masked_sort3A_136, %masked_sort3A_137, %masked_sort3A_138 = tpu.sort %select_n3A_131, %select_n3A_132 masked %masked_sort3A_135 {descending = true} : (vector<16xf32>, vector<16xi32>, vector<16xi1>) -> (vector<16xi1>, vector<16xf32>, vector<16xi32>)
        %masked_sort3A_139 = arith.constant dense<true> : vector<16xi1>
        %masked_sort3A_140, %masked_sort3A_141, %masked_sort3A_142 = tpu.sort %select_n3A_133, %select_n3A_134 masked %masked_sort3A_139 {descending = true} : (vector<16xf32>, vector<16xi32>, vector<16xi1>) -> (vector<16xi1>, vector<16xf32>, vector<16xi32>)
        %rev3A_143 = arith.constant 15 : i32
        %rev3A_144 = vector.broadcast %rev3A_143 : i32 to vector<16xi32>
        %rev3A_145 = tpu.iota {dimensions = array<i32: 0>} : vector<16xi32>
        %rev3A_146 = arith.subi %rev3A_144, %rev3A_145 : vector<16xi32>
        %rev3A_147 = tpu.dynamic_gather %masked_sort3A_104[%rev3A_146] in [0] : vector<16xf32>, vector<16xi32> -> vector<16xf32>
        %rev3A_148 = arith.constant 15 : i32
        %rev3A_149 = vector.broadcast %rev3A_148 : i32 to vector<16xi32>
        %rev3A_150 = tpu.iota {dimensions = array<i32: 0>} : vector<16xi32>
        %rev3A_151 = arith.subi %rev3A_149, %rev3A_150 : vector<16xi32>
        %rev3A_152 = tpu.dynamic_gather %masked_sort3A_105[%rev3A_151] in [0] : vector<16xi32>, vector<16xi32> -> vector<16xi32>
        %ge3A_153 = arith.cmpf oge, %masked_sort3A_141, %rev3A_147 : vector<16xf32>
        %select_n3A_154 = arith.select %ge3A_153, %masked_sort3A_141, %rev3A_147 : vector<16xi1>, vector<16xf32>
        %select_n3A_155 = arith.select %ge3A_153, %masked_sort3A_142, %rev3A_152 : vector<16xi1>, vector<16xi32>
        %select_n3A_156 = arith.select %ge3A_153, %rev3A_147, %masked_sort3A_141 : vector<16xi1>, vector<16xf32>
        %select_n3A_157 = arith.select %ge3A_153, %rev3A_152, %masked_sort3A_142 : vector<16xi1>, vector<16xi32>
        %masked_sort3A_158 = arith.constant dense<true> : vector<16xi1>
        %masked_sort3A_159, %masked_sort3A_160, %masked_sort3A_161 = tpu.sort %select_n3A_154, %select_n3A_155 masked %masked_sort3A_158 {descending = true} : (vector<16xf32>, vector<16xi32>, vector<16xi1>) -> (vector<16xi1>, vector<16xf32>, vector<16xi32>)
        %masked_sort3A_162 = arith.constant dense<true> : vector<16xi1>
        %masked_sort3A_163, %masked_sort3A_164, %masked_sort3A_165 = tpu.sort %select_n3A_156, %select_n3A_157 masked %masked_sort3A_162 {descending = true} : (vector<16xf32>, vector<16xi32>, vector<16xi1>) -> (vector<16xi1>, vector<16xf32>, vector<16xi32>)
        %get3A_166 = arith.index_cast %scan3A_18 : i32 to index
        %get3A_167 = arith.constant 64 : index
        %get3A_168 = tpu.vector_load %arg5[%get3A_166, %get3A_167] {strides = array<i32>} : memref<8x10240xf32, #tpu.memory_space<vmem>>, vector<16xf32>,
        %add3A_169 = arith.constant 64 : i32
        %add3A_170 = vector.broadcast %add3A_169 : i32 to vector<16xi32>
        %add3A_171 = arith.addi %iota3A, %add3A_170 : vector<16xi32>
        %masked_sort3A_172 = arith.constant dense<true> : vector<16xi1>
        %masked_sort3A_173, %masked_sort3A_174, %masked_sort3A_175 = tpu.sort %get3A_168, %add3A_171 masked %masked_sort3A_172 {descending = true} : (vector<16xf32>, vector<16xi32>, vector<16xi1>) -> (vector<16xi1>, vector<16xf32>, vector<16xi32>)
        %rev3A_176 = arith.constant 15 : i32
        %rev3A_177 = vector.broadcast %rev3A_176 : i32 to vector<16xi32>
        %rev3A_178 = tpu.iota {dimensions = array<i32: 0>} : vector<16xi32>
        %rev3A_179 = arith.subi %rev3A_177, %rev3A_178 : vector<16xi32>
        %rev3A_180 = tpu.dynamic_gather %masked_sort3A_137[%rev3A_179] in [0] : vector<16xf32>, vector<16xi32> -> vector<16xf32>
        %rev3A_181 = arith.constant 15 : i32
        %rev3A_182 = vector.broadcast %rev3A_181 : i32 to vector<16xi32>
        %rev3A_183 = tpu.iota {dimensions = array<i32: 0>} : vector<16xi32>
        %rev3A_184 = arith.subi %rev3A_182, %rev3A_183 : vector<16xi32>
        %rev3A_185 = tpu.dynamic_gather %masked_sort3A_138[%rev3A_184] in [0] : vector<16xi32>, vector<16xi32> -> vector<16xi32>
        %ge3A_186 = arith.cmpf oge, %masked_sort3A_174, %rev3A_180 : vector<16xf32>
        %select_n3A_187 = arith.select %ge3A_186, %masked_sort3A_174, %rev3A_180 : vector<16xi1>, vector<16xf32>
        %select_n3A_188 = arith.select %ge3A_186, %masked_sort3A_175, %rev3A_185 : vector<16xi1>, vector<16xi32>
        %select_n3A_189 = arith.select %ge3A_186, %rev3A_180, %masked_sort3A_174 : vector<16xi1>, vector<16xf32>
        %select_n3A_190 = arith.select %ge3A_186, %rev3A_185, %masked_sort3A_175 : vector<16xi1>, vector<16xi32>
        %masked_sort3A_191 = arith.constant dense<true> : vector<16xi1>
        %masked_sort3A_192, %masked_sort3A_193, %masked_sort3A_194 = tpu.sort %select_n3A_187, %select_n3A_188 masked %masked_sort3A_191 {descending = true} : (vector<16xf32>, vector<16xi32>, vector<16xi1>) -> (vector<16xi1>, vector<16xf32>, vector<16xi32>)
        %masked_sort3A_195 = arith.constant dense<true> : vector<16xi1>
        %masked_sort3A_196, %masked_sort3A_197, %masked_sort3A_198 = tpu.sort %select_n3A_189, %select_n3A_190 masked %masked_sort3A_195 {descending = true} : (vector<16xf32>, vector<16xi32>, vector<16xi1>) -> (vector<16xi1>, vector<16xf32>, vector<16xi32>)
        %rev3A_199 = arith.constant 15 : i32
        %rev3A_200 = vector.broadcast %rev3A_199 : i32 to vector<16xi32>
        %rev3A_201 = tpu.iota {dimensions = array<i32: 0>} : vector<16xi32>
        %rev3A_202 = arith.subi %rev3A_200, %rev3A_201 : vector<16xi32>
        %rev3A_203 = tpu.dynamic_gather %masked_sort3A_160[%rev3A_202] in [0] : vector<16xf32>, vector<16xi32> -> vector<16xf32>
        %rev3A_204 = arith.constant 15 : i32
        %rev3A_205 = vector.broadcast %rev3A_204 : i32 to vector<16xi32>
        %rev3A_206 = tpu.iota {dimensions = array<i32: 0>} : vector<16xi32>
        %rev3A_207 = arith.subi %rev3A_205, %rev3A_206 : vector<16xi32>
        %rev3A_208 = tpu.dynamic_gather %masked_sort3A_161[%rev3A_207] in [0] : vector<16xi32>, vector<16xi32> -> vector<16xi32>
        %ge3A_209 = arith.cmpf oge, %masked_sort3A_197, %rev3A_203 : vector<16xf32>
        %select_n3A_210 = arith.select %ge3A_209, %masked_sort3A_197, %rev3A_203 : vector<16xi1>, vector<16xf32>
        %select_n3A_211 = arith.select %ge3A_209, %masked_sort3A_198, %rev3A_208 : vector<16xi1>, vector<16xi32>
        %select_n3A_212 = arith.select %ge3A_209, %rev3A_203, %masked_sort3A_197 : vector<16xi1>, vector<16xf32>
        %select_n3A_213 = arith.select %ge3A_209, %rev3A_208, %masked_sort3A_198 : vector<16xi1>, vector<16xi32>
        %masked_sort3A_214 = arith.constant dense<true> : vector<16xi1>
        %masked_sort3A_215, %masked_sort3A_216, %masked_sort3A_217 = tpu.sort %select_n3A_210, %select_n3A_211 masked %masked_sort3A_214 {descending = true} : (vector<16xf32>, vector<16xi32>, vector<16xi1>) -> (vector<16xi1>, vector<16xf32>, vector<16xi32>)
        %masked_sort3A_218 = arith.constant dense<true> : vector<16xi1>
        %masked_sort3A_219, %masked_sort3A_220, %masked_sort3A_221 = tpu.sort %select_n3A_212, %select_n3A_213 masked %masked_sort3A_218 {descending = true} : (vector<16xf32>, vector<16xi32>, vector<16xi1>) -> (vector<16xi1>, vector<16xf32>, vector<16xi32>)
        %get3A_222 = arith.index_cast %scan3A_18 : i32 to index
        %get3A_223 = arith.constant 80 : index
        %get3A_224 = tpu.vector_load %arg5[%get3A_222, %get3A_223] {strides = array<i32>} : memref<8x10240xf32, #tpu.memory_space<vmem>>, vector<16xf32>,
        %add3A_225 = arith.constant 80 : i32
        %add3A_226 = vector.broadcast %add3A_225 : i32 to vector<16xi32>
        %add3A_227 = arith.addi %iota3A, %add3A_226 : vector<16xi32>
        %masked_sort3A_228 = arith.constant dense<true> : vector<16xi1>
        %masked_sort3A_229, %masked_sort3A_230, %masked_sort3A_231 = tpu.sort %get3A_224, %add3A_227 masked %masked_sort3A_228 {descending = true} : (vector<16xf32>, vector<16xi32>, vector<16xi1>) -> (vector<16xi1>, vector<16xf32>, vector<16xi32>)
        %rev3A_232 = arith.constant 15 : i32
        %rev3A_233 = vector.broadcast %rev3A_232 : i32 to vector<16xi32>
        %rev3A_234 = tpu.iota {dimensions = array<i32: 0>} : vector<16xi32>
        %rev3A_235 = arith.subi %rev3A_233, %rev3A_234 : vector<16xi32>
        %rev3A_236 = tpu.dynamic_gather %masked_sort3A_193[%rev3A_235] in [0] : vector<16xf32>, vector<16xi32> -> vector<16xf32>
        %rev3A_237 = arith.constant 15 : i32
        %rev3A_238 = vector.broadcast %rev3A_237 : i32 to vector<16xi32>
        %rev3A_239 = tpu.iota {dimensions = array<i32: 0>} : vector<16xi32>
        %rev3A_240 = arith.subi %rev3A_238, %rev3A_239 : vector<16xi32>
        %rev3A_241 = tpu.dynamic_gather %masked_sort3A_194[%rev3A_240] in [0] : vector<16xi32>, vector<16xi32> -> vector<16xi32>
        %ge3A_242 = arith.cmpf oge, %masked_sort3A_230, %rev3A_236 : vector<16xf32>
        %select_n3A_243 = arith.select %ge3A_242, %masked_sort3A_230, %rev3A_236 : vector<16xi1>, vector<16xf32>
        %select_n3A_244 = arith.select %ge3A_242, %masked_sort3A_231, %rev3A_241 : vector<16xi1>, vector<16xi32>
        %select_n3A_245 = arith.select %ge3A_242, %rev3A_236, %masked_sort3A_230 : vector<16xi1>, vector<16xf32>
        %select_n3A_246 = arith.select %ge3A_242, %rev3A_241, %masked_sort3A_231 : vector<16xi1>, vector<16xi32>
        %masked_sort3A_247 = arith.constant dense<true> : vector<16xi1>
        %masked_sort3A_248, %masked_sort3A_249, %masked_sort3A_250 = tpu.sort %select_n3A_243, %select_n3A_244 masked %masked_sort3A_247 {descending = true} : (vector<16xf32>, vector<16xi32>, vector<16xi1>) -> (vector<16xi1>, vector<16xf32>, vector<16xi32>)
        %masked_sort3A_251 = arith.constant dense<true> : vector<16xi1>
        %masked_sort3A_252, %masked_sort3A_253, %masked_sort3A_254 = tpu.sort %select_n3A_245, %select_n3A_246 masked %masked_sort3A_251 {descending = true} : (vector<16xf32>, vector<16xi32>, vector<16xi1>) -> (vector<16xi1>, vector<16xf32>, vector<16xi32>)
        %rev3A_255 = arith.constant 15 : i32
        %rev3A_256 = vector.broadcast %rev3A_255 : i32 to vector<16xi32>
        %rev3A_257 = tpu.iota {dimensions = array<i32: 0>} : vector<16xi32>
        %rev3A_258 = arith.subi %rev3A_256, %rev3A_257 : vector<16xi32>
        %rev3A_259 = tpu.dynamic_gather %masked_sort3A_216[%rev3A_258] in [0] : vector<16xf32>, vector<16xi32> -> vector<16xf32>
        %rev3A_260 = arith.constant 15 : i32
        %rev3A_261 = vector.broadcast %rev3A_260 : i32 to vector<16xi32>
        %rev3A_262 = tpu.iota {dimensions = array<i32: 0>} : vector<16xi32>
        %rev3A_263 = arith.subi %rev3A_261, %rev3A_262 : vector<16xi32>
        %rev3A_264 = tpu.dynamic_gather %masked_sort3A_217[%rev3A_263] in [0] : vector<16xi32>, vector<16xi32> -> vector<16xi32>
        %ge3A_265 = arith.cmpf oge, %masked_sort3A_253, %rev3A_259 : vector<16xf32>
        %select_n3A_266 = arith.select %ge3A_265, %masked_sort3A_253, %rev3A_259 : vector<16xi1>, vector<16xf32>
        %select_n3A_267 = arith.select %ge3A_265, %masked_sort3A_254, %rev3A_264 : vector<16xi1>, vector<16xi32>
        %select_n3A_268 = arith.select %ge3A_265, %rev3A_259, %masked_sort3A_253 : vector<16xi1>, vector<16xf32>
        %select_n3A_269 = arith.select %ge3A_265, %rev3A_264, %masked_sort3A_254 : vector<16xi1>, vector<16xi32>
        %masked_sort3A_270 = arith.constant dense<true> : vector<16xi1>
        %masked_sort3A_271, %masked_sort3A_272, %masked_sort3A_273 = tpu.sort %select_n3A_266, %select_n3A_267 masked %masked_sort3A_270 {descending = true} : (vector<16xf32>, vector<16xi32>, vector<16xi1>) -> (vector<16xi1>, vector<16xf32>, vector<16xi32>)
        %masked_sort3A_274 = arith.constant dense<true> : vector<16xi1>
        %masked_sort3A_275, %masked_sort3A_276, %masked_sort3A_277 = tpu.sort %select_n3A_268, %select_n3A_269 masked %masked_sort3A_274 {descending = true} : (vector<16xf32>, vector<16xi32>, vector<16xi1>) -> (vector<16xi1>, vector<16xf32>, vector<16xi32>)
        %get3A_278 = arith.index_cast %scan3A_18 : i32 to index
        %get3A_279 = arith.constant 96 : index
        %get3A_280 = tpu.vector_load %arg5[%get3A_278, %get3A_279] {strides = array<i32>} : memref<8x10240xf32, #tpu.memory_space<vmem>>, vector<16xf32>,
        %add3A_281 = arith.constant 96 : i32
        %add3A_282 = vector.broadcast %add3A_281 : i32 to vector<16xi32>
        %add3A_283 = arith.addi %iota3A, %add3A_282 : vector<16xi32>
        %masked_sort3A_284 = arith.constant dense<true> : vector<16xi1>
        %masked_sort3A_285, %masked_sort3A_286, %masked_sort3A_287 = tpu.sort %get3A_280, %add3A_283 masked %masked_sort3A_284 {descending = true} : (vector<16xf32>, vector<16xi32>, vector<16xi1>) -> (vector<16xi1>, vector<16xf32>, vector<16xi32>)
        %rev3A_288 = arith.constant 15 : i32
        %rev3A_289 = vector.broadcast %rev3A_288 : i32 to vector<16xi32>
        %rev3A_290 = tpu.iota {dimensions = array<i32: 0>} : vector<16xi32>
        %rev3A_291 = arith.subi %rev3A_289, %rev3A_290 : vector<16xi32>
        %rev3A_292 = tpu.dynamic_gather %masked_sort3A_249[%rev3A_291] in [0] : vector<16xf32>, vector<16xi32> -> vector<16xf32>
        %rev3A_293 = arith.constant 15 : i32
        %rev3A_294 = vector.broadcast %rev3A_293 : i32 to vector<16xi32>
        %rev3A_295 = tpu.iota {dimensions = array<i32: 0>} : vector<16xi32>
        %rev3A_296 = arith.subi %rev3A_294, %rev3A_295 : vector<16xi32>
        %rev3A_297 = tpu.dynamic_gather %masked_sort3A_250[%rev3A_296] in [0] : vector<16xi32>, vector<16xi32> -> vector<16xi32>
        %ge3A_298 = arith.cmpf oge, %masked_sort3A_286, %rev3A_292 : vector<16xf32>
        %select_n3A_299 = arith.select %ge3A_298, %masked_sort3A_286, %rev3A_292 : vector<16xi1>, vector<16xf32>
        %select_n3A_300 = arith.select %ge3A_298, %masked_sort3A_287, %rev3A_297 : vector<16xi1>, vector<16xi32>
        %select_n3A_301 = arith.select %ge3A_298, %rev3A_292, %masked_sort3A_286 : vector<16xi1>, vector<16xf32>
        %select_n3A_302 = arith.select %ge3A_298, %rev3A_297, %masked_sort3A_287 : vector<16xi1>, vector<16xi32>
        %masked_sort3A_303 = arith.constant dense<true> : vector<16xi1>
        %masked_sort3A_304, %masked_sort3A_305, %masked_sort3A_306 = tpu.sort %select_n3A_299, %select_n3A_300 masked %masked_sort3A_303 {descending = true} : (vector<16xf32>, vector<16xi32>, vector<16xi1>) -> (vector<16xi1>, vector<16xf32>, vector<16xi32>)
        %masked_sort3A_307 = arith.constant dense<true> : vector<16xi1>
        %masked_sort3A_308, %masked_sort3A_309, %masked_sort3A_310 = tpu.sort %select_n3A_301, %select_n3A_302 masked %masked_sort3A_307 {descending = true} : (vector<16xf32>, vector<16xi32>, vector<16xi1>) -> (vector<16xi1>, vector<16xf32>, vector<16xi32>)
        %rev3A_311 = arith.constant 15 : i32
        %rev3A_312 = vector.broadcast %rev3A_311 : i32 to vector<16xi32>
        %rev3A_313 = tpu.iota {dimensions = array<i32: 0>} : vector<16xi32>
        %rev3A_314 = arith.subi %rev3A_312, %rev3A_313 : vector<16xi32>
        %rev3A_315 = tpu.dynamic_gather %masked_sort3A_272[%rev3A_314] in [0] : vector<16xf32>, vector<16xi32> -> vector<16xf32>
        %rev3A_316 = arith.constant 15 : i32
        %rev3A_317 = vector.broadcast %rev3A_316 : i32 to vector<16xi32>
        %rev3A_318 = tpu.iota {dimensions = array<i32: 0>} : vector<16xi32>
        %rev3A_319 = arith.subi %rev3A_317, %rev3A_318 : vector<16xi32>
        %rev3A_320 = tpu.dynamic_gather %masked_sort3A_273[%rev3A_319] in [0] : vector<16xi32>, vector<16xi32> -> vector<16xi32>
        %ge3A_321 = arith.cmpf oge, %masked_sort3A_309, %rev3A_315 : vector<16xf32>
        %select_n3A_322 = arith.select %ge3A_321, %masked_sort3A_309, %rev3A_315 : vector<16xi1>, vector<16xf32>
        %select_n3A_323 = arith.select %ge3A_321, %masked_sort3A_310, %rev3A_320 : vector<16xi1>, vector<16xi32>
        %select_n3A_324 = arith.select %ge3A_321, %rev3A_315, %masked_sort3A_309 : vector<16xi1>, vector<16xf32>
        %select_n3A_325 = arith.select %ge3A_321, %rev3A_320, %masked_sort3A_310 : vector<16xi1>, vector<16xi32>
        %masked_sort3A_326 = arith.constant dense<true> : vector<16xi1>
        %masked_sort3A_327, %masked_sort3A_328, %masked_sort3A_329 = tpu.sort %select_n3A_322, %select_n3A_323 masked %masked_sort3A_326 {descending = true} : (vector<16xf32>, vector<16xi32>, vector<16xi1>) -> (vector<16xi1>, vector<16xf32>, vector<16xi32>)
        %masked_sort3A_330 = arith.constant dense<true> : vector<16xi1>
        %masked_sort3A_331, %masked_sort3A_332, %masked_sort3A_333 = tpu.sort %select_n3A_324, %select_n3A_325 masked %masked_sort3A_330 {descending = true} : (vector<16xf32>, vector<16xi32>, vector<16xi1>) -> (vector<16xi1>, vector<16xf32>, vector<16xi32>)
        %get3A_334 = arith.index_cast %scan3A_18 : i32 to index
        %get3A_335 = arith.constant 112 : index
        %get3A_336 = tpu.vector_load %arg5[%get3A_334, %get3A_335] {strides = array<i32>} : memref<8x10240xf32, #tpu.memory_space<vmem>>, vector<16xf32>,
        %add3A_337 = arith.constant 112 : i32
        %add3A_338 = vector.broadcast %add3A_337 : i32 to vector<16xi32>
        %add3A_339 = arith.addi %iota3A, %add3A_338 : vector<16xi32>
        %masked_sort3A_340 = arith.constant dense<true> : vector<16xi1>
        %masked_sort3A_341, %masked_sort3A_342, %masked_sort3A_343 = tpu.sort %get3A_336, %add3A_339 masked %masked_sort3A_340 {descending = true} : (vector<16xf32>, vector<16xi32>, vector<16xi1>) -> (vector<16xi1>, vector<16xf32>, vector<16xi32>)
        %rev3A_344 = arith.constant 15 : i32
        %rev3A_345 = vector.broadcast %rev3A_344 : i32 to vector<16xi32>
        %rev3A_346 = tpu.iota {dimensions = array<i32: 0>} : vector<16xi32>
        %rev3A_347 = arith.subi %rev3A_345, %rev3A_346 : vector<16xi32>
        %rev3A_348 = tpu.dynamic_gather %masked_sort3A_305[%rev3A_347] in [0] : vector<16xf32>, vector<16xi32> -> vector<16xf32>
        %rev3A_349 = arith.constant 15 : i32
        %rev3A_350 = vector.broadcast %rev3A_349 : i32 to vector<16xi32>
        %rev3A_351 = tpu.iota {dimensions = array<i32: 0>} : vector<16xi32>
        %rev3A_352 = arith.subi %rev3A_350, %rev3A_351 : vector<16xi32>
        %rev3A_353 = tpu.dynamic_gather %masked_sort3A_306[%rev3A_352] in [0] : vector<16xi32>, vector<16xi32> -> vector<16xi32>
        %ge3A_354 = arith.cmpf oge, %masked_sort3A_342, %rev3A_348 : vector<16xf32>
        %select_n3A_355 = arith.select %ge3A_354, %masked_sort3A_342, %rev3A_348 : vector<16xi1>, vector<16xf32>
        %select_n3A_356 = arith.select %ge3A_354, %masked_sort3A_343, %rev3A_353 : vector<16xi1>, vector<16xi32>
        %select_n3A_357 = arith.select %ge3A_354, %rev3A_348, %masked_sort3A_342 : vector<16xi1>, vector<16xf32>
        %select_n3A_358 = arith.select %ge3A_354, %rev3A_353, %masked_sort3A_343 : vector<16xi1>, vector<16xi32>
        %masked_sort3A_359 = arith.constant dense<true> : vector<16xi1>
        %masked_sort3A_360, %masked_sort3A_361, %masked_sort3A_362 = tpu.sort %select_n3A_355, %select_n3A_356 masked %masked_sort3A_359 {descending = true} : (vector<16xf32>, vector<16xi32>, vector<16xi1>) -> (vector<16xi1>, vector<16xf32>, vector<16xi32>)
        %masked_sort3A_363 = arith.constant dense<true> : vector<16xi1>
        %masked_sort3A_364, %masked_sort3A_365, %masked_sort3A_366 = tpu.sort %select_n3A_357, %select_n3A_358 masked %masked_sort3A_363 {descending = true} : (vector<16xf32>, vector<16xi32>, vector<16xi1>) -> (vector<16xi1>, vector<16xf32>, vector<16xi32>)
        %rev3A_367 = arith.constant 15 : i32
        %rev3A_368 = vector.broadcast %rev3A_367 : i32 to vector<16xi32>
        %rev3A_369 = tpu.iota {dimensions = array<i32: 0>} : vector<16xi32>
        %rev3A_370 = arith.subi %rev3A_368, %rev3A_369 : vector<16xi32>
        %rev3A_371 = tpu.dynamic_gather %masked_sort3A_328[%rev3A_370] in [0] : vector<16xf32>, vector<16xi32> -> vector<16xf32>
        %rev3A_372 = arith.constant 15 : i32
        %rev3A_373 = vector.broadcast %rev3A_372 : i32 to vector<16xi32>
        %rev3A_374 = tpu.iota {dimensions = array<i32: 0>} : vector<16xi32>
        %rev3A_375 = arith.subi %rev3A_373, %rev3A_374 : vector<16xi32>
        %rev3A_376 = tpu.dynamic_gather %masked_sort3A_329[%rev3A_375] in [0] : vector<16xi32>, vector<16xi32> -> vector<16xi32>
        %ge3A_377 = arith.cmpf oge, %masked_sort3A_365, %rev3A_371 : vector<16xf32>
        %select_n3A_378 = arith.select %ge3A_377, %masked_sort3A_365, %rev3A_371 : vector<16xi1>, vector<16xf32>
        %select_n3A_379 = arith.select %ge3A_377, %masked_sort3A_366, %rev3A_376 : vector<16xi1>, vector<16xi32>
        %select_n3A_380 = arith.select %ge3A_377, %rev3A_371, %masked_sort3A_365 : vector<16xi1>, vector<16xf32>
        %select_n3A_381 = arith.select %ge3A_377, %rev3A_376, %masked_sort3A_366 : vector<16xi1>, vector<16xi32>
        %masked_sort3A_382 = arith.constant dense<true> : vector<16xi1>
        %masked_sort3A_383, %masked_sort3A_384, %masked_sort3A_385 = tpu.sort %select_n3A_378, %select_n3A_379 masked %masked_sort3A_382 {descending = true} : (vector<16xf32>, vector<16xi32>, vector<16xi1>) -> (vector<16xi1>, vector<16xf32>, vector<16xi32>)
        %masked_sort3A_386 = arith.constant dense<true> : vector<16xi1>
        %masked_sort3A_387, %masked_sort3A_388, %masked_sort3A_389 = tpu.sort %select_n3A_380, %select_n3A_381 masked %masked_sort3A_386 {descending = true} : (vector<16xf32>, vector<16xi32>, vector<16xi1>) -> (vector<16xi1>, vector<16xf32>, vector<16xi32>)
        %swap3A = arith.constant 0 : i32
        %swap3A_390 = arith.index_cast %swap3A : i32 to index
        %swap3A_391 = arith.constant 0 : index
        %swap3A_392 = tpu.vector_load %arg6[%swap3A_390, %swap3A_391] {strides = array<i32>} : memref<2x16xf32, #tpu.memory_space<vmem>>, vector<16xf32>,
        tpu.vector_store %arg6[%swap3A_390, %swap3A_391], %masked_sort3A_361 {strides = array<i32>} : memref<2x16xf32, #tpu.memory_space<vmem>>, vector<16xf32>,
        %swap3A_393 = arith.constant 0 : i32
        %swap3A_394 = arith.index_cast %swap3A_393 : i32 to index
        %swap3A_395 = arith.constant 0 : index
        %swap3A_396 = tpu.vector_load %arg7[%swap3A_394, %swap3A_395] {strides = array<i32>} : memref<2x16xi32, #tpu.memory_space<vmem>>, vector<16xi32>,
        tpu.vector_store %arg7[%swap3A_394, %swap3A_395], %masked_sort3A_362 {strides = array<i32>} : memref<2x16xi32, #tpu.memory_space<vmem>>, vector<16xi32>,
        %swap3A_397 = arith.constant 1 : i32
        %swap3A_398 = arith.index_cast %swap3A_397 : i32 to index
        %swap3A_399 = arith.constant 0 : index
        %swap3A_400 = tpu.vector_load %arg6[%swap3A_398, %swap3A_399] {strides = array<i32>} : memref<2x16xf32, #tpu.memory_space<vmem>>, vector<16xf32>,
        tpu.vector_store %arg6[%swap3A_398, %swap3A_399], %masked_sort3A_384 {strides = array<i32>} : memref<2x16xf32, #tpu.memory_space<vmem>>, vector<16xf32>,
        %swap3A_401 = arith.constant 1 : i32
        %swap3A_402 = arith.index_cast %swap3A_401 : i32 to index
        %swap3A_403 = arith.constant 0 : index
        %swap3A_404 = tpu.vector_load %arg7[%swap3A_402, %swap3A_403] {strides = array<i32>} : memref<2x16xi32, #tpu.memory_space<vmem>>, vector<16xi32>,
        tpu.vector_store %arg7[%swap3A_402, %swap3A_403], %masked_sort3A_385 {strides = array<i32>} : memref<2x16xi32, #tpu.memory_space<vmem>>, vector<16xi32>,
        %reduce_min3A = arith.constant true
        %reduce_min3A_405 = vector.broadcast %reduce_min3A : i1 to vector<16xi1>
        %reduce_min3A_406 = tpu.scan <min>, %masked_sort3A_384 masked %reduce_min3A_405 : vector<16xf32>, vector<16xi1> -> vector<16xf32>
        %reduce_min3A_407 = vector.extract %reduce_min3A_406[15] : f32 from vector<16xf32>
        %swap3A_408 = arith.constant 0 : i32
        %swap3A_409 = arith.index_cast %swap3A_408 : i32 to index
        %swap3A_410 = memref.load %arg10[%swap3A_409] : memref<1xf32, #tpu.memory_space<smem>>
        memref.store %reduce_min3A_407, %arg10[%swap3A_409] : memref<1xf32, #tpu.memory_space<smem>>
        %scan3A_411 = arith.constant 0 : i32
        %scan3A_412 = arith.constant 1 : i32
        %scan3A_413 = arith.constant 79 : i32
        %scan3A_414 = arith.addi %scan3A_412, %scan3A_413 : i32
        %scan3A_415 = arith.constant 1 : i32
        scf.for %scan3A_445 = %scan3A_412 to %scan3A_414 step %scan3A_415  : i32 {
          %mul3A_446 = arith.constant 128 : i32
          %mul3A_447 = arith.muli %scan3A_445, %mul3A_446 : i32
          %get3A_448 = arith.index_cast %scan3A_18 : i32 to index
          %get3A_449 = arith.index_cast %mul3A_447 : i32 to index
          %get3A_450 = tpu.vector_load %arg5[%get3A_448, %get3A_449] {strides = array<i32>} : memref<8x10240xf32, #tpu.memory_space<vmem>>, vector<16xf32>,
          %add3A_451 = arith.constant 16 : i32
          %add3A_452 = arith.addi %mul3A_447, %add3A_451 : i32
          %get3A_453 = arith.index_cast %scan3A_18 : i32 to index
          %get3A_454 = arith.index_cast %add3A_452 : i32 to index
          %get3A_455 = tpu.vector_load %arg5[%get3A_453, %get3A_454] {strides = array<i32>} : memref<8x10240xf32, #tpu.memory_space<vmem>>, vector<16xf32>,
          %max3A = arith.maximumf %get3A_450, %get3A_455 : vector<16xf32>
          %add3A_456 = arith.constant 32 : i32
          %add3A_457 = arith.addi %mul3A_447, %add3A_456 : i32
          %get3A_458 = arith.index_cast %scan3A_18 : i32 to index
          %get3A_459 = arith.index_cast %add3A_457 : i32 to index
          %get3A_460 = tpu.vector_load %arg5[%get3A_458, %get3A_459] {strides = array<i32>} : memref<8x10240xf32, #tpu.memory_space<vmem>>, vector<16xf32>,
          %max3A_461 = arith.maximumf %max3A, %get3A_460 : vector<16xf32>
          %add3A_462 = arith.constant 48 : i32
          %add3A_463 = arith.addi %mul3A_447, %add3A_462 : i32
          %get3A_464 = arith.index_cast %scan3A_18 : i32 to index
          %get3A_465 = arith.index_cast %add3A_463 : i32 to index
          %get3A_466 = tpu.vector_load %arg5[%get3A_464, %get3A_465] {strides = array<i32>} : memref<8x10240xf32, #tpu.memory_space<vmem>>, vector<16xf32>,
          %max3A_467 = arith.maximumf %max3A_461, %get3A_466 : vector<16xf32>
          %add3A_468 = arith.constant 64 : i32
          %add3A_469 = arith.addi %mul3A_447, %add3A_468 : i32
          %get3A_470 = arith.index_cast %scan3A_18 : i32 to index
          %get3A_471 = arith.index_cast %add3A_469 : i32 to index
          %get3A_472 = tpu.vector_load %arg5[%get3A_470, %get3A_471] {strides = array<i32>} : memref<8x10240xf32, #tpu.memory_space<vmem>>, vector<16xf32>,
          %max3A_473 = arith.maximumf %max3A_467, %get3A_472 : vector<16xf32>
          %add3A_474 = arith.constant 80 : i32
          %add3A_475 = arith.addi %mul3A_447, %add3A_474 : i32
          %get3A_476 = arith.index_cast %scan3A_18 : i32 to index
          %get3A_477 = arith.index_cast %add3A_475 : i32 to index
          %get3A_478 = tpu.vector_load %arg5[%get3A_476, %get3A_477] {strides = array<i32>} : memref<8x10240xf32, #tpu.memory_space<vmem>>, vector<16xf32>,
          %max3A_479 = arith.maximumf %max3A_473, %get3A_478 : vector<16xf32>
          %add3A_480 = arith.constant 96 : i32
          %add3A_481 = arith.addi %mul3A_447, %add3A_480 : i32
          %get3A_482 = arith.index_cast %scan3A_18 : i32 to index
          %get3A_483 = arith.index_cast %add3A_481 : i32 to index
          %get3A_484 = tpu.vector_load %arg5[%get3A_482, %get3A_483] {strides = array<i32>} : memref<8x10240xf32, #tpu.memory_space<vmem>>, vector<16xf32>,
          %max3A_485 = arith.maximumf %max3A_479, %get3A_484 : vector<16xf32>
          %add3A_486 = arith.constant 112 : i32
          %add3A_487 = arith.addi %mul3A_447, %add3A_486 : i32
          %get3A_488 = arith.index_cast %scan3A_18 : i32 to index
          %get3A_489 = arith.index_cast %add3A_487 : i32 to index
          %get3A_490 = tpu.vector_load %arg5[%get3A_488, %get3A_489] {strides = array<i32>} : memref<8x10240xf32, #tpu.memory_space<vmem>>, vector<16xf32>,
          %max3A_491 = arith.maximumf %max3A_485, %get3A_490 : vector<16xf32>
          %reduce_max3A = arith.constant true
          %reduce_max3A_492 = vector.broadcast %reduce_max3A : i1 to vector<16xi1>
          %reduce_max3A_493 = tpu.scan <max>, %max3A_491 masked %reduce_max3A_492 : vector<16xf32>, vector<16xi1> -> vector<16xf32>
          %reduce_max3A_494 = vector.extract %reduce_max3A_493[15] : f32 from vector<16xf32>
          %get3A_495 = arith.constant 0 : i32
          %get3A_496 = arith.index_cast %get3A_495 : i32 to index
          %get3A_497 = memref.load %arg10[%get3A_496] : memref<1xf32, #tpu.memory_space<smem>>
          %gt3A = arith.cmpf ogt, %reduce_max3A_494, %get3A_497 : f32
          %convert_element_type3A = arith.extui %gt3A : i1 to i32
          %cond3A = arith.constant 0 : i32
          %cond3A_498 = arith.cmpi ne, %convert_element_type3A, %cond3A : i32
          scf.if %cond3A_498 {
            %add3A_499 = arith.constant 0 : i32
            %add3A_500 = arith.addi %mul3A_447, %add3A_499 : i32
            %get3A_501 = arith.index_cast %scan3A_18 : i32 to index
            %get3A_502 = arith.index_cast %add3A_500 : i32 to index
            %get3A_503 = tpu.vector_load %arg5[%get3A_501, %get3A_502] {strides = array<i32>} : memref<8x10240xf32, #tpu.memory_space<vmem>>, vector<16xf32>,
            %reduce_max3A_504 = arith.constant true
            %reduce_max3A_505 = vector.broadcast %reduce_max3A_504 : i1 to vector<16xi1>
            %reduce_max3A_506 = tpu.scan <max>, %get3A_503 masked %reduce_max3A_505 : vector<16xf32>, vector<16xi1> -> vector<16xf32>
            %reduce_max3A_507 = vector.extract %reduce_max3A_506[15] : f32 from vector<16xf32>
            %get3A_508 = arith.constant 0 : i32
            %get3A_509 = arith.index_cast %get3A_508 : i32 to index
            %get3A_510 = memref.load %arg10[%get3A_509] : memref<1xf32, #tpu.memory_space<smem>>
            %gt3A_511 = arith.cmpf ogt, %reduce_max3A_507, %get3A_510 : f32
            %convert_element_type3A_512 = arith.extui %gt3A_511 : i1 to i32
            %cond3A_513 = arith.constant 0 : i32
            %cond3A_514 = arith.cmpi ne, %convert_element_type3A_512, %cond3A_513 : i32
            scf.if %cond3A_514 {
              %add3A_627 = arith.constant 0 : i32
              %add3A_628 = arith.addi %mul3A_447, %add3A_627 : i32
              %add3A_629 = vector.broadcast %add3A_628 : i32 to vector<16xi32>
              %add3A_630 = arith.addi %iota3A, %add3A_629 : vector<16xi32>
              %masked_sort3A_631 = arith.constant dense<true> : vector<16xi1>
              %masked_sort3A_632, %masked_sort3A_633, %masked_sort3A_634 = tpu.sort %get3A_503, %add3A_630 masked %masked_sort3A_631 {descending = true} : (vector<16xf32>, vector<16xi32>, vector<16xi1>) -> (vector<16xi1>, vector<16xf32>, vector<16xi32>)
              %get3A_635 = arith.constant 0 : i32
              %get3A_636 = arith.index_cast %get3A_635 : i32 to index
              %get3A_637 = arith.constant 0 : index
              %get3A_638 = tpu.vector_load %arg6[%get3A_636, %get3A_637] {strides = array<i32>} : memref<2x16xf32, #tpu.memory_space<vmem>>, vector<16xf32>,
              %get3A_639 = arith.constant 0 : i32
              %get3A_640 = arith.index_cast %get3A_639 : i32 to index
              %get3A_641 = arith.constant 0 : index
              %get3A_642 = tpu.vector_load %arg7[%get3A_640, %get3A_641] {strides = array<i32>} : memref<2x16xi32, #tpu.memory_space<vmem>>, vector<16xi32>,
              %rev3A_643 = arith.constant 15 : i32
              %rev3A_644 = vector.broadcast %rev3A_643 : i32 to vector<16xi32>
              %rev3A_645 = tpu.iota {dimensions = array<i32: 0>} : vector<16xi32>
              %rev3A_646 = arith.subi %rev3A_644, %rev3A_645 : vector<16xi32>
              %rev3A_647 = tpu.dynamic_gather %get3A_638[%rev3A_646] in [0] : vector<16xf32>, vector<16xi32> -> vector<16xf32>
              %rev3A_648 = arith.constant 15 : i32
              %rev3A_649 = vector.broadcast %rev3A_648 : i32 to vector<16xi32>
              %rev3A_650 = tpu.iota {dimensions = array<i32: 0>} : vector<16xi32>
              %rev3A_651 = arith.subi %rev3A_649, %rev3A_650 : vector<16xi32>
              %rev3A_652 = tpu.dynamic_gather %get3A_642[%rev3A_651] in [0] : vector<16xi32>, vector<16xi32> -> vector<16xi32>
              %ge3A_653 = arith.cmpf oge, %masked_sort3A_633, %rev3A_647 : vector<16xf32>
              %select_n3A_654 = arith.select %ge3A_653, %masked_sort3A_633, %rev3A_647 : vector<16xi1>, vector<16xf32>
              %select_n3A_655 = arith.select %ge3A_653, %masked_sort3A_634, %rev3A_652 : vector<16xi1>, vector<16xi32>
              %select_n3A_656 = arith.select %ge3A_653, %rev3A_647, %masked_sort3A_633 : vector<16xi1>, vector<16xf32>
              %select_n3A_657 = arith.select %ge3A_653, %rev3A_652, %masked_sort3A_634 : vector<16xi1>, vector<16xi32>
              %masked_sort3A_658 = arith.constant dense<true> : vector<16xi1>
              %masked_sort3A_659, %masked_sort3A_660, %masked_sort3A_661 = tpu.sort %select_n3A_654, %select_n3A_655 masked %masked_sort3A_658 {descending = true} : (vector<16xf32>, vector<16xi32>, vector<16xi1>) -> (vector<16xi1>, vector<16xf32>, vector<16xi32>)
              %masked_sort3A_662 = arith.constant dense<true> : vector<16xi1>
              %masked_sort3A_663, %masked_sort3A_664, %masked_sort3A_665 = tpu.sort %select_n3A_656, %select_n3A_657 masked %masked_sort3A_662 {descending = true} : (vector<16xf32>, vector<16xi32>, vector<16xi1>) -> (vector<16xi1>, vector<16xf32>, vector<16xi32>)
              %get3A_666 = arith.constant 1 : i32
              %get3A_667 = arith.index_cast %get3A_666 : i32 to index
              %get3A_668 = arith.constant 0 : index
              %get3A_669 = tpu.vector_load %arg6[%get3A_667, %get3A_668] {strides = array<i32>} : memref<2x16xf32, #tpu.memory_space<vmem>>, vector<16xf32>,
              %get3A_670 = arith.constant 1 : i32
              %get3A_671 = arith.index_cast %get3A_670 : i32 to index
              %get3A_672 = arith.constant 0 : index
              %get3A_673 = tpu.vector_load %arg7[%get3A_671, %get3A_672] {strides = array<i32>} : memref<2x16xi32, #tpu.memory_space<vmem>>, vector<16xi32>,
              %rev3A_674 = arith.constant 15 : i32
              %rev3A_675 = vector.broadcast %rev3A_674 : i32 to vector<16xi32>
              %rev3A_676 = tpu.iota {dimensions = array<i32: 0>} : vector<16xi32>
              %rev3A_677 = arith.subi %rev3A_675, %rev3A_676 : vector<16xi32>
              %rev3A_678 = tpu.dynamic_gather %get3A_669[%rev3A_677] in [0] : vector<16xf32>, vector<16xi32> -> vector<16xf32>
              %rev3A_679 = arith.constant 15 : i32
              %rev3A_680 = vector.broadcast %rev3A_679 : i32 to vector<16xi32>
              %rev3A_681 = tpu.iota {dimensions = array<i32: 0>} : vector<16xi32>
              %rev3A_682 = arith.subi %rev3A_680, %rev3A_681 : vector<16xi32>
              %rev3A_683 = tpu.dynamic_gather %get3A_673[%rev3A_682] in [0] : vector<16xi32>, vector<16xi32> -> vector<16xi32>
              %ge3A_684 = arith.cmpf oge, %masked_sort3A_664, %rev3A_678 : vector<16xf32>
              %select_n3A_685 = arith.select %ge3A_684, %masked_sort3A_664, %rev3A_678 : vector<16xi1>, vector<16xf32>
              %select_n3A_686 = arith.select %ge3A_684, %masked_sort3A_665, %rev3A_683 : vector<16xi1>, vector<16xi32>
              %select_n3A_687 = arith.select %ge3A_684, %rev3A_678, %masked_sort3A_664 : vector<16xi1>, vector<16xf32>
              %select_n3A_688 = arith.select %ge3A_684, %rev3A_683, %masked_sort3A_665 : vector<16xi1>, vector<16xi32>
              %masked_sort3A_689 = arith.constant dense<true> : vector<16xi1>
              %masked_sort3A_690, %masked_sort3A_691, %masked_sort3A_692 = tpu.sort %select_n3A_685, %select_n3A_686 masked %masked_sort3A_689 {descending = true} : (vector<16xf32>, vector<16xi32>, vector<16xi1>) -> (vector<16xi1>, vector<16xf32>, vector<16xi32>)
              %masked_sort3A_693 = arith.constant dense<true> : vector<16xi1>
              %masked_sort3A_694, %masked_sort3A_695, %masked_sort3A_696 = tpu.sort %select_n3A_687, %select_n3A_688 masked %masked_sort3A_693 {descending = true} : (vector<16xf32>, vector<16xi32>, vector<16xi1>) -> (vector<16xi1>, vector<16xf32>, vector<16xi32>)
              %swap3A_697 = arith.constant 0 : i32
              %swap3A_698 = arith.index_cast %swap3A_697 : i32 to index
              %swap3A_699 = arith.constant 0 : index
              %swap3A_700 = tpu.vector_load %arg6[%swap3A_698, %swap3A_699] {strides = array<i32>} : memref<2x16xf32, #tpu.memory_space<vmem>>, vector<16xf32>,
              tpu.vector_store %arg6[%swap3A_698, %swap3A_699], %masked_sort3A_660 {strides = array<i32>} : memref<2x16xf32, #tpu.memory_space<vmem>>, vector<16xf32>,
              %swap3A_701 = arith.constant 0 : i32
              %swap3A_702 = arith.index_cast %swap3A_701 : i32 to index
              %swap3A_703 = arith.constant 0 : index
              %swap3A_704 = tpu.vector_load %arg7[%swap3A_702, %swap3A_703] {strides = array<i32>} : memref<2x16xi32, #tpu.memory_space<vmem>>, vector<16xi32>,
              tpu.vector_store %arg7[%swap3A_702, %swap3A_703], %masked_sort3A_661 {strides = array<i32>} : memref<2x16xi32, #tpu.memory_space<vmem>>, vector<16xi32>,
              %swap3A_705 = arith.constant 1 : i32
              %swap3A_706 = arith.index_cast %swap3A_705 : i32 to index
              %swap3A_707 = arith.constant 0 : index
              %swap3A_708 = tpu.vector_load %arg6[%swap3A_706, %swap3A_707] {strides = array<i32>} : memref<2x16xf32, #tpu.memory_space<vmem>>, vector<16xf32>,
              tpu.vector_store %arg6[%swap3A_706, %swap3A_707], %masked_sort3A_691 {strides = array<i32>} : memref<2x16xf32, #tpu.memory_space<vmem>>, vector<16xf32>,
              %swap3A_709 = arith.constant 1 : i32
              %swap3A_710 = arith.index_cast %swap3A_709 : i32 to index
              %swap3A_711 = arith.constant 0 : index
              %swap3A_712 = tpu.vector_load %arg7[%swap3A_710, %swap3A_711] {strides = array<i32>} : memref<2x16xi32, #tpu.memory_space<vmem>>, vector<16xi32>,
              tpu.vector_store %arg7[%swap3A_710, %swap3A_711], %masked_sort3A_692 {strides = array<i32>} : memref<2x16xi32, #tpu.memory_space<vmem>>, vector<16xi32>,
              %reduce_min3A_713 = arith.constant true
              %reduce_min3A_714 = vector.broadcast %reduce_min3A_713 : i1 to vector<16xi1>
              %reduce_min3A_715 = tpu.scan <min>, %masked_sort3A_691 masked %reduce_min3A_714 : vector<16xf32>, vector<16xi1> -> vector<16xf32>
              %reduce_min3A_716 = vector.extract %reduce_min3A_715[15] : f32 from vector<16xf32>
              %swap3A_717 = arith.constant 0 : i32
              %swap3A_718 = arith.index_cast %swap3A_717 : i32 to index
              %swap3A_719 = memref.load %arg10[%swap3A_718] : memref<1xf32, #tpu.memory_space<smem>>
              memref.store %reduce_min3A_716, %arg10[%swap3A_718] : memref<1xf32, #tpu.memory_space<smem>>
            } else {
            }
            %add3A_515 = arith.constant 16 : i32
            %add3A_516 = arith.addi %mul3A_447, %add3A_515 : i32
            %get3A_517 = arith.index_cast %scan3A_18 : i32 to index
            %get3A_518 = arith.index_cast %add3A_516 : i32 to index
            %get3A_519 = tpu.vector_load %arg5[%get3A_517, %get3A_518] {strides = array<i32>} : memref<8x10240xf32, #tpu.memory_space<vmem>>, vector<16xf32>,
            %reduce_max3A_520 = arith.constant true
            %reduce_max3A_521 = vector.broadcast %reduce_max3A_520 : i1 to vector<16xi1>
            %reduce_max3A_522 = tpu.scan <max>, %get3A_519 masked %reduce_max3A_521 : vector<16xf32>, vector<16xi1> -> vector<16xf32>
            %reduce_max3A_523 = vector.extract %reduce_max3A_522[15] : f32 from vector<16xf32>
            %get3A_524 = arith.constant 0 : i32
            %get3A_525 = arith.index_cast %get3A_524 : i32 to index
            %get3A_526 = memref.load %arg10[%get3A_525] : memref<1xf32, #tpu.memory_space<smem>>
            %gt3A_527 = arith.cmpf ogt, %reduce_max3A_523, %get3A_526 : f32
            %convert_element_type3A_528 = arith.extui %gt3A_527 : i1 to i32
            %cond3A_529 = arith.constant 0 : i32
            %cond3A_530 = arith.cmpi ne, %convert_element_type3A_528, %cond3A_529 : i32
            scf.if %cond3A_530 {
              %add3A_627 = arith.constant 16 : i32
              %add3A_628 = arith.addi %mul3A_447, %add3A_627 : i32
              %add3A_629 = vector.broadcast %add3A_628 : i32 to vector<16xi32>
              %add3A_630 = arith.addi %iota3A, %add3A_629 : vector<16xi32>
              %masked_sort3A_631 = arith.constant dense<true> : vector<16xi1>
              %masked_sort3A_632, %masked_sort3A_633, %masked_sort3A_634 = tpu.sort %get3A_519, %add3A_630 masked %masked_sort3A_631 {descending = true} : (vector<16xf32>, vector<16xi32>, vector<16xi1>) -> (vector<16xi1>, vector<16xf32>, vector<16xi32>)
              %get3A_635 = arith.constant 0 : i32
              %get3A_636 = arith.index_cast %get3A_635 : i32 to index
              %get3A_637 = arith.constant 0 : index
              %get3A_638 = tpu.vector_load %arg6[%get3A_636, %get3A_637] {strides = array<i32>} : memref<2x16xf32, #tpu.memory_space<vmem>>, vector<16xf32>,
              %get3A_639 = arith.constant 0 : i32
              %get3A_640 = arith.index_cast %get3A_639 : i32 to index
              %get3A_641 = arith.constant 0 : index
              %get3A_642 = tpu.vector_load %arg7[%get3A_640, %get3A_641] {strides = array<i32>} : memref<2x16xi32, #tpu.memory_space<vmem>>, vector<16xi32>,
              %rev3A_643 = arith.constant 15 : i32
              %rev3A_644 = vector.broadcast %rev3A_643 : i32 to vector<16xi32>
              %rev3A_645 = tpu.iota {dimensions = array<i32: 0>} : vector<16xi32>
              %rev3A_646 = arith.subi %rev3A_644, %rev3A_645 : vector<16xi32>
              %rev3A_647 = tpu.dynamic_gather %get3A_638[%rev3A_646] in [0] : vector<16xf32>, vector<16xi32> -> vector<16xf32>
              %rev3A_648 = arith.constant 15 : i32
              %rev3A_649 = vector.broadcast %rev3A_648 : i32 to vector<16xi32>
              %rev3A_650 = tpu.iota {dimensions = array<i32: 0>} : vector<16xi32>
              %rev3A_651 = arith.subi %rev3A_649, %rev3A_650 : vector<16xi32>
              %rev3A_652 = tpu.dynamic_gather %get3A_642[%rev3A_651] in [0] : vector<16xi32>, vector<16xi32> -> vector<16xi32>
              %ge3A_653 = arith.cmpf oge, %masked_sort3A_633, %rev3A_647 : vector<16xf32>
              %select_n3A_654 = arith.select %ge3A_653, %masked_sort3A_633, %rev3A_647 : vector<16xi1>, vector<16xf32>
              %select_n3A_655 = arith.select %ge3A_653, %masked_sort3A_634, %rev3A_652 : vector<16xi1>, vector<16xi32>
              %select_n3A_656 = arith.select %ge3A_653, %rev3A_647, %masked_sort3A_633 : vector<16xi1>, vector<16xf32>
              %select_n3A_657 = arith.select %ge3A_653, %rev3A_652, %masked_sort3A_634 : vector<16xi1>, vector<16xi32>
              %masked_sort3A_658 = arith.constant dense<true> : vector<16xi1>
              %masked_sort3A_659, %masked_sort3A_660, %masked_sort3A_661 = tpu.sort %select_n3A_654, %select_n3A_655 masked %masked_sort3A_658 {descending = true} : (vector<16xf32>, vector<16xi32>, vector<16xi1>) -> (vector<16xi1>, vector<16xf32>, vector<16xi32>)
              %masked_sort3A_662 = arith.constant dense<true> : vector<16xi1>
              %masked_sort3A_663, %masked_sort3A_664, %masked_sort3A_665 = tpu.sort %select_n3A_656, %select_n3A_657 masked %masked_sort3A_662 {descending = true} : (vector<16xf32>, vector<16xi32>, vector<16xi1>) -> (vector<16xi1>, vector<16xf32>, vector<16xi32>)
              %get3A_666 = arith.constant 1 : i32
              %get3A_667 = arith.index_cast %get3A_666 : i32 to index
              %get3A_668 = arith.constant 0 : index
              %get3A_669 = tpu.vector_load %arg6[%get3A_667, %get3A_668] {strides = array<i32>} : memref<2x16xf32, #tpu.memory_space<vmem>>, vector<16xf32>,
              %get3A_670 = arith.constant 1 : i32
              %get3A_671 = arith.index_cast %get3A_670 : i32 to index
              %get3A_672 = arith.constant 0 : index
              %get3A_673 = tpu.vector_load %arg7[%get3A_671, %get3A_672] {strides = array<i32>} : memref<2x16xi32, #tpu.memory_space<vmem>>, vector<16xi32>,
              %rev3A_674 = arith.constant 15 : i32
              %rev3A_675 = vector.broadcast %rev3A_674 : i32 to vector<16xi32>
              %rev3A_676 = tpu.iota {dimensions = array<i32: 0>} : vector<16xi32>
              %rev3A_677 = arith.subi %rev3A_675, %rev3A_676 : vector<16xi32>
              %rev3A_678 = tpu.dynamic_gather %get3A_669[%rev3A_677] in [0] : vector<16xf32>, vector<16xi32> -> vector<16xf32>
              %rev3A_679 = arith.constant 15 : i32
              %rev3A_680 = vector.broadcast %rev3A_679 : i32 to vector<16xi32>
              %rev3A_681 = tpu.iota {dimensions = array<i32: 0>} : vector<16xi32>
              %rev3A_682 = arith.subi %rev3A_680, %rev3A_681 : vector<16xi32>
              %rev3A_683 = tpu.dynamic_gather %get3A_673[%rev3A_682] in [0] : vector<16xi32>, vector<16xi32> -> vector<16xi32>
              %ge3A_684 = arith.cmpf oge, %masked_sort3A_664, %rev3A_678 : vector<16xf32>
              %select_n3A_685 = arith.select %ge3A_684, %masked_sort3A_664, %rev3A_678 : vector<16xi1>, vector<16xf32>
              %select_n3A_686 = arith.select %ge3A_684, %masked_sort3A_665, %rev3A_683 : vector<16xi1>, vector<16xi32>
              %select_n3A_687 = arith.select %ge3A_684, %rev3A_678, %masked_sort3A_664 : vector<16xi1>, vector<16xf32>
              %select_n3A_688 = arith.select %ge3A_684, %rev3A_683, %masked_sort3A_665 : vector<16xi1>, vector<16xi32>
              %masked_sort3A_689 = arith.constant dense<true> : vector<16xi1>
              %masked_sort3A_690, %masked_sort3A_691, %masked_sort3A_692 = tpu.sort %select_n3A_685, %select_n3A_686 masked %masked_sort3A_689 {descending = true} : (vector<16xf32>, vector<16xi32>, vector<16xi1>) -> (vector<16xi1>, vector<16xf32>, vector<16xi32>)
              %masked_sort3A_693 = arith.constant dense<true> : vector<16xi1>
              %masked_sort3A_694, %masked_sort3A_695, %masked_sort3A_696 = tpu.sort %select_n3A_687, %select_n3A_688 masked %masked_sort3A_693 {descending = true} : (vector<16xf32>, vector<16xi32>, vector<16xi1>) -> (vector<16xi1>, vector<16xf32>, vector<16xi32>)
              %swap3A_697 = arith.constant 0 : i32
              %swap3A_698 = arith.index_cast %swap3A_697 : i32 to index
              %swap3A_699 = arith.constant 0 : index
              %swap3A_700 = tpu.vector_load %arg6[%swap3A_698, %swap3A_699] {strides = array<i32>} : memref<2x16xf32, #tpu.memory_space<vmem>>, vector<16xf32>,
              tpu.vector_store %arg6[%swap3A_698, %swap3A_699], %masked_sort3A_660 {strides = array<i32>} : memref<2x16xf32, #tpu.memory_space<vmem>>, vector<16xf32>,
              %swap3A_701 = arith.constant 0 : i32
              %swap3A_702 = arith.index_cast %swap3A_701 : i32 to index
              %swap3A_703 = arith.constant 0 : index
              %swap3A_704 = tpu.vector_load %arg7[%swap3A_702, %swap3A_703] {strides = array<i32>} : memref<2x16xi32, #tpu.memory_space<vmem>>, vector<16xi32>,
              tpu.vector_store %arg7[%swap3A_702, %swap3A_703], %masked_sort3A_661 {strides = array<i32>} : memref<2x16xi32, #tpu.memory_space<vmem>>, vector<16xi32>,
              %swap3A_705 = arith.constant 1 : i32
              %swap3A_706 = arith.index_cast %swap3A_705 : i32 to index
              %swap3A_707 = arith.constant 0 : index
              %swap3A_708 = tpu.vector_load %arg6[%swap3A_706, %swap3A_707] {strides = array<i32>} : memref<2x16xf32, #tpu.memory_space<vmem>>, vector<16xf32>,
              tpu.vector_store %arg6[%swap3A_706, %swap3A_707], %masked_sort3A_691 {strides = array<i32>} : memref<2x16xf32, #tpu.memory_space<vmem>>, vector<16xf32>,
              %swap3A_709 = arith.constant 1 : i32
              %swap3A_710 = arith.index_cast %swap3A_709 : i32 to index
              %swap3A_711 = arith.constant 0 : index
              %swap3A_712 = tpu.vector_load %arg7[%swap3A_710, %swap3A_711] {strides = array<i32>} : memref<2x16xi32, #tpu.memory_space<vmem>>, vector<16xi32>,
              tpu.vector_store %arg7[%swap3A_710, %swap3A_711], %masked_sort3A_692 {strides = array<i32>} : memref<2x16xi32, #tpu.memory_space<vmem>>, vector<16xi32>,
              %reduce_min3A_713 = arith.constant true
              %reduce_min3A_714 = vector.broadcast %reduce_min3A_713 : i1 to vector<16xi1>
              %reduce_min3A_715 = tpu.scan <min>, %masked_sort3A_691 masked %reduce_min3A_714 : vector<16xf32>, vector<16xi1> -> vector<16xf32>
              %reduce_min3A_716 = vector.extract %reduce_min3A_715[15] : f32 from vector<16xf32>
              %swap3A_717 = arith.constant 0 : i32
              %swap3A_718 = arith.index_cast %swap3A_717 : i32 to index
              %swap3A_719 = memref.load %arg10[%swap3A_718] : memref<1xf32, #tpu.memory_space<smem>>
              memref.store %reduce_min3A_716, %arg10[%swap3A_718] : memref<1xf32, #tpu.memory_space<smem>>
            } else {
            }
            %add3A_531 = arith.constant 32 : i32
            %add3A_532 = arith.addi %mul3A_447, %add3A_531 : i32
            %get3A_533 = arith.index_cast %scan3A_18 : i32 to index
            %get3A_534 = arith.index_cast %add3A_532 : i32 to index
            %get3A_535 = tpu.vector_load %arg5[%get3A_533, %get3A_534] {strides = array<i32>} : memref<8x10240xf32, #tpu.memory_space<vmem>>, vector<16xf32>,
            %reduce_max3A_536 = arith.constant true
            %reduce_max3A_537 = vector.broadcast %reduce_max3A_536 : i1 to vector<16xi1>
            %reduce_max3A_538 = tpu.scan <max>, %get3A_535 masked %reduce_max3A_537 : vector<16xf32>, vector<16xi1> -> vector<16xf32>
            %reduce_max3A_539 = vector.extract %reduce_max3A_538[15] : f32 from vector<16xf32>
            %get3A_540 = arith.constant 0 : i32
            %get3A_541 = arith.index_cast %get3A_540 : i32 to index
            %get3A_542 = memref.load %arg10[%get3A_541] : memref<1xf32, #tpu.memory_space<smem>>
            %gt3A_543 = arith.cmpf ogt, %reduce_max3A_539, %get3A_542 : f32
            %convert_element_type3A_544 = arith.extui %gt3A_543 : i1 to i32
            %cond3A_545 = arith.constant 0 : i32
            %cond3A_546 = arith.cmpi ne, %convert_element_type3A_544, %cond3A_545 : i32
            scf.if %cond3A_546 {
              %add3A_627 = arith.constant 32 : i32
              %add3A_628 = arith.addi %mul3A_447, %add3A_627 : i32
              %add3A_629 = vector.broadcast %add3A_628 : i32 to vector<16xi32>
              %add3A_630 = arith.addi %iota3A, %add3A_629 : vector<16xi32>
              %masked_sort3A_631 = arith.constant dense<true> : vector<16xi1>
              %masked_sort3A_632, %masked_sort3A_633, %masked_sort3A_634 = tpu.sort %get3A_535, %add3A_630 masked %masked_sort3A_631 {descending = true} : (vector<16xf32>, vector<16xi32>, vector<16xi1>) -> (vector<16xi1>, vector<16xf32>, vector<16xi32>)
              %get3A_635 = arith.constant 0 : i32
              %get3A_636 = arith.index_cast %get3A_635 : i32 to index
              %get3A_637 = arith.constant 0 : index
              %get3A_638 = tpu.vector_load %arg6[%get3A_636, %get3A_637] {strides = array<i32>} : memref<2x16xf32, #tpu.memory_space<vmem>>, vector<16xf32>,
              %get3A_639 = arith.constant 0 : i32
              %get3A_640 = arith.index_cast %get3A_639 : i32 to index
              %get3A_641 = arith.constant 0 : index
              %get3A_642 = tpu.vector_load %arg7[%get3A_640, %get3A_641] {strides = array<i32>} : memref<2x16xi32, #tpu.memory_space<vmem>>, vector<16xi32>,
              %rev3A_643 = arith.constant 15 : i32
              %rev3A_644 = vector.broadcast %rev3A_643 : i32 to vector<16xi32>
              %rev3A_645 = tpu.iota {dimensions = array<i32: 0>} : vector<16xi32>
              %rev3A_646 = arith.subi %rev3A_644, %rev3A_645 : vector<16xi32>
              %rev3A_647 = tpu.dynamic_gather %get3A_638[%rev3A_646] in [0] : vector<16xf32>, vector<16xi32> -> vector<16xf32>
              %rev3A_648 = arith.constant 15 : i32
              %rev3A_649 = vector.broadcast %rev3A_648 : i32 to vector<16xi32>
              %rev3A_650 = tpu.iota {dimensions = array<i32: 0>} : vector<16xi32>
              %rev3A_651 = arith.subi %rev3A_649, %rev3A_650 : vector<16xi32>
              %rev3A_652 = tpu.dynamic_gather %get3A_642[%rev3A_651] in [0] : vector<16xi32>, vector<16xi32> -> vector<16xi32>
              %ge3A_653 = arith.cmpf oge, %masked_sort3A_633, %rev3A_647 : vector<16xf32>
              %select_n3A_654 = arith.select %ge3A_653, %masked_sort3A_633, %rev3A_647 : vector<16xi1>, vector<16xf32>
              %select_n3A_655 = arith.select %ge3A_653, %masked_sort3A_634, %rev3A_652 : vector<16xi1>, vector<16xi32>
              %select_n3A_656 = arith.select %ge3A_653, %rev3A_647, %masked_sort3A_633 : vector<16xi1>, vector<16xf32>
              %select_n3A_657 = arith.select %ge3A_653, %rev3A_652, %masked_sort3A_634 : vector<16xi1>, vector<16xi32>
              %masked_sort3A_658 = arith.constant dense<true> : vector<16xi1>
              %masked_sort3A_659, %masked_sort3A_660, %masked_sort3A_661 = tpu.sort %select_n3A_654, %select_n3A_655 masked %masked_sort3A_658 {descending = true} : (vector<16xf32>, vector<16xi32>, vector<16xi1>) -> (vector<16xi1>, vector<16xf32>, vector<16xi32>)
              %masked_sort3A_662 = arith.constant dense<true> : vector<16xi1>
              %masked_sort3A_663, %masked_sort3A_664, %masked_sort3A_665 = tpu.sort %select_n3A_656, %select_n3A_657 masked %masked_sort3A_662 {descending = true} : (vector<16xf32>, vector<16xi32>, vector<16xi1>) -> (vector<16xi1>, vector<16xf32>, vector<16xi32>)
              %get3A_666 = arith.constant 1 : i32
              %get3A_667 = arith.index_cast %get3A_666 : i32 to index
              %get3A_668 = arith.constant 0 : index
              %get3A_669 = tpu.vector_load %arg6[%get3A_667, %get3A_668] {strides = array<i32>} : memref<2x16xf32, #tpu.memory_space<vmem>>, vector<16xf32>,
              %get3A_670 = arith.constant 1 : i32
              %get3A_671 = arith.index_cast %get3A_670 : i32 to index
              %get3A_672 = arith.constant 0 : index
              %get3A_673 = tpu.vector_load %arg7[%get3A_671, %get3A_672] {strides = array<i32>} : memref<2x16xi32, #tpu.memory_space<vmem>>, vector<16xi32>,
              %rev3A_674 = arith.constant 15 : i32
              %rev3A_675 = vector.broadcast %rev3A_674 : i32 to vector<16xi32>
              %rev3A_676 = tpu.iota {dimensions = array<i32: 0>} : vector<16xi32>
              %rev3A_677 = arith.subi %rev3A_675, %rev3A_676 : vector<16xi32>
              %rev3A_678 = tpu.dynamic_gather %get3A_669[%rev3A_677] in [0] : vector<16xf32>, vector<16xi32> -> vector<16xf32>
              %rev3A_679 = arith.constant 15 : i32
              %rev3A_680 = vector.broadcast %rev3A_679 : i32 to vector<16xi32>
              %rev3A_681 = tpu.iota {dimensions = array<i32: 0>} : vector<16xi32>
              %rev3A_682 = arith.subi %rev3A_680, %rev3A_681 : vector<16xi32>
              %rev3A_683 = tpu.dynamic_gather %get3A_673[%rev3A_682] in [0] : vector<16xi32>, vector<16xi32> -> vector<16xi32>
              %ge3A_684 = arith.cmpf oge, %masked_sort3A_664, %rev3A_678 : vector<16xf32>
              %select_n3A_685 = arith.select %ge3A_684, %masked_sort3A_664, %rev3A_678 : vector<16xi1>, vector<16xf32>
              %select_n3A_686 = arith.select %ge3A_684, %masked_sort3A_665, %rev3A_683 : vector<16xi1>, vector<16xi32>
              %select_n3A_687 = arith.select %ge3A_684, %rev3A_678, %masked_sort3A_664 : vector<16xi1>, vector<16xf32>
              %select_n3A_688 = arith.select %ge3A_684, %rev3A_683, %masked_sort3A_665 : vector<16xi1>, vector<16xi32>
              %masked_sort3A_689 = arith.constant dense<true> : vector<16xi1>
              %masked_sort3A_690, %masked_sort3A_691, %masked_sort3A_692 = tpu.sort %select_n3A_685, %select_n3A_686 masked %masked_sort3A_689 {descending = true} : (vector<16xf32>, vector<16xi32>, vector<16xi1>) -> (vector<16xi1>, vector<16xf32>, vector<16xi32>)
              %masked_sort3A_693 = arith.constant dense<true> : vector<16xi1>
              %masked_sort3A_694, %masked_sort3A_695, %masked_sort3A_696 = tpu.sort %select_n3A_687, %select_n3A_688 masked %masked_sort3A_693 {descending = true} : (vector<16xf32>, vector<16xi32>, vector<16xi1>) -> (vector<16xi1>, vector<16xf32>, vector<16xi32>)
              %swap3A_697 = arith.constant 0 : i32
              %swap3A_698 = arith.index_cast %swap3A_697 : i32 to index
              %swap3A_699 = arith.constant 0 : index
              %swap3A_700 = tpu.vector_load %arg6[%swap3A_698, %swap3A_699] {strides = array<i32>} : memref<2x16xf32, #tpu.memory_space<vmem>>, vector<16xf32>,
              tpu.vector_store %arg6[%swap3A_698, %swap3A_699], %masked_sort3A_660 {strides = array<i32>} : memref<2x16xf32, #tpu.memory_space<vmem>>, vector<16xf32>,
              %swap3A_701 = arith.constant 0 : i32
              %swap3A_702 = arith.index_cast %swap3A_701 : i32 to index
              %swap3A_703 = arith.constant 0 : index
              %swap3A_704 = tpu.vector_load %arg7[%swap3A_702, %swap3A_703] {strides = array<i32>} : memref<2x16xi32, #tpu.memory_space<vmem>>, vector<16xi32>,
              tpu.vector_store %arg7[%swap3A_702, %swap3A_703], %masked_sort3A_661 {strides = array<i32>} : memref<2x16xi32, #tpu.memory_space<vmem>>, vector<16xi32>,
              %swap3A_705 = arith.constant 1 : i32
              %swap3A_706 = arith.index_cast %swap3A_705 : i32 to index
              %swap3A_707 = arith.constant 0 : index
              %swap3A_708 = tpu.vector_load %arg6[%swap3A_706, %swap3A_707] {strides = array<i32>} : memref<2x16xf32, #tpu.memory_space<vmem>>, vector<16xf32>,
              tpu.vector_store %arg6[%swap3A_706, %swap3A_707], %masked_sort3A_691 {strides = array<i32>} : memref<2x16xf32, #tpu.memory_space<vmem>>, vector<16xf32>,
              %swap3A_709 = arith.constant 1 : i32
              %swap3A_710 = arith.index_cast %swap3A_709 : i32 to index
              %swap3A_711 = arith.constant 0 : index
              %swap3A_712 = tpu.vector_load %arg7[%swap3A_710, %swap3A_711] {strides = array<i32>} : memref<2x16xi32, #tpu.memory_space<vmem>>, vector<16xi32>,
              tpu.vector_store %arg7[%swap3A_710, %swap3A_711], %masked_sort3A_692 {strides = array<i32>} : memref<2x16xi32, #tpu.memory_space<vmem>>, vector<16xi32>,
              %reduce_min3A_713 = arith.constant true
              %reduce_min3A_714 = vector.broadcast %reduce_min3A_713 : i1 to vector<16xi1>
              %reduce_min3A_715 = tpu.scan <min>, %masked_sort3A_691 masked %reduce_min3A_714 : vector<16xf32>, vector<16xi1> -> vector<16xf32>
              %reduce_min3A_716 = vector.extract %reduce_min3A_715[15] : f32 from vector<16xf32>
              %swap3A_717 = arith.constant 0 : i32
              %swap3A_718 = arith.index_cast %swap3A_717 : i32 to index
              %swap3A_719 = memref.load %arg10[%swap3A_718] : memref<1xf32, #tpu.memory_space<smem>>
              memref.store %reduce_min3A_716, %arg10[%swap3A_718] : memref<1xf32, #tpu.memory_space<smem>>
            } else {
            }
            %add3A_547 = arith.constant 48 : i32
            %add3A_548 = arith.addi %mul3A_447, %add3A_547 : i32
            %get3A_549 = arith.index_cast %scan3A_18 : i32 to index
            %get3A_550 = arith.index_cast %add3A_548 : i32 to index
            %get3A_551 = tpu.vector_load %arg5[%get3A_549, %get3A_550] {strides = array<i32>} : memref<8x10240xf32, #tpu.memory_space<vmem>>, vector<16xf32>,
            %reduce_max3A_552 = arith.constant true
            %reduce_max3A_553 = vector.broadcast %reduce_max3A_552 : i1 to vector<16xi1>
            %reduce_max3A_554 = tpu.scan <max>, %get3A_551 masked %reduce_max3A_553 : vector<16xf32>, vector<16xi1> -> vector<16xf32>
            %reduce_max3A_555 = vector.extract %reduce_max3A_554[15] : f32 from vector<16xf32>
            %get3A_556 = arith.constant 0 : i32
            %get3A_557 = arith.index_cast %get3A_556 : i32 to index
            %get3A_558 = memref.load %arg10[%get3A_557] : memref<1xf32, #tpu.memory_space<smem>>
            %gt3A_559 = arith.cmpf ogt, %reduce_max3A_555, %get3A_558 : f32
            %convert_element_type3A_560 = arith.extui %gt3A_559 : i1 to i32
            %cond3A_561 = arith.constant 0 : i32
            %cond3A_562 = arith.cmpi ne, %convert_element_type3A_560, %cond3A_561 : i32
            scf.if %cond3A_562 {
              %add3A_627 = arith.constant 48 : i32
              %add3A_628 = arith.addi %mul3A_447, %add3A_627 : i32
              %add3A_629 = vector.broadcast %add3A_628 : i32 to vector<16xi32>
              %add3A_630 = arith.addi %iota3A, %add3A_629 : vector<16xi32>
              %masked_sort3A_631 = arith.constant dense<true> : vector<16xi1>
              %masked_sort3A_632, %masked_sort3A_633, %masked_sort3A_634 = tpu.sort %get3A_551, %add3A_630 masked %masked_sort3A_631 {descending = true} : (vector<16xf32>, vector<16xi32>, vector<16xi1>) -> (vector<16xi1>, vector<16xf32>, vector<16xi32>)
              %get3A_635 = arith.constant 0 : i32
              %get3A_636 = arith.index_cast %get3A_635 : i32 to index
              %get3A_637 = arith.constant 0 : index
              %get3A_638 = tpu.vector_load %arg6[%get3A_636, %get3A_637] {strides = array<i32>} : memref<2x16xf32, #tpu.memory_space<vmem>>, vector<16xf32>,
              %get3A_639 = arith.constant 0 : i32
              %get3A_640 = arith.index_cast %get3A_639 : i32 to index
              %get3A_641 = arith.constant 0 : index
              %get3A_642 = tpu.vector_load %arg7[%get3A_640, %get3A_641] {strides = array<i32>} : memref<2x16xi32, #tpu.memory_space<vmem>>, vector<16xi32>,
              %rev3A_643 = arith.constant 15 : i32
              %rev3A_644 = vector.broadcast %rev3A_643 : i32 to vector<16xi32>
              %rev3A_645 = tpu.iota {dimensions = array<i32: 0>} : vector<16xi32>
              %rev3A_646 = arith.subi %rev3A_644, %rev3A_645 : vector<16xi32>
              %rev3A_647 = tpu.dynamic_gather %get3A_638[%rev3A_646] in [0] : vector<16xf32>, vector<16xi32> -> vector<16xf32>
              %rev3A_648 = arith.constant 15 : i32
              %rev3A_649 = vector.broadcast %rev3A_648 : i32 to vector<16xi32>
              %rev3A_650 = tpu.iota {dimensions = array<i32: 0>} : vector<16xi32>
              %rev3A_651 = arith.subi %rev3A_649, %rev3A_650 : vector<16xi32>
              %rev3A_652 = tpu.dynamic_gather %get3A_642[%rev3A_651] in [0] : vector<16xi32>, vector<16xi32> -> vector<16xi32>
              %ge3A_653 = arith.cmpf oge, %masked_sort3A_633, %rev3A_647 : vector<16xf32>
              %select_n3A_654 = arith.select %ge3A_653, %masked_sort3A_633, %rev3A_647 : vector<16xi1>, vector<16xf32>
              %select_n3A_655 = arith.select %ge3A_653, %masked_sort3A_634, %rev3A_652 : vector<16xi1>, vector<16xi32>
              %select_n3A_656 = arith.select %ge3A_653, %rev3A_647, %masked_sort3A_633 : vector<16xi1>, vector<16xf32>
              %select_n3A_657 = arith.select %ge3A_653, %rev3A_652, %masked_sort3A_634 : vector<16xi1>, vector<16xi32>
              %masked_sort3A_658 = arith.constant dense<true> : vector<16xi1>
              %masked_sort3A_659, %masked_sort3A_660, %masked_sort3A_661 = tpu.sort %select_n3A_654, %select_n3A_655 masked %masked_sort3A_658 {descending = true} : (vector<16xf32>, vector<16xi32>, vector<16xi1>) -> (vector<16xi1>, vector<16xf32>, vector<16xi32>)
              %masked_sort3A_662 = arith.constant dense<true> : vector<16xi1>
              %masked_sort3A_663, %masked_sort3A_664, %masked_sort3A_665 = tpu.sort %select_n3A_656, %select_n3A_657 masked %masked_sort3A_662 {descending = true} : (vector<16xf32>, vector<16xi32>, vector<16xi1>) -> (vector<16xi1>, vector<16xf32>, vector<16xi32>)
              %get3A_666 = arith.constant 1 : i32
              %get3A_667 = arith.index_cast %get3A_666 : i32 to index
              %get3A_668 = arith.constant 0 : index
              %get3A_669 = tpu.vector_load %arg6[%get3A_667, %get3A_668] {strides = array<i32>} : memref<2x16xf32, #tpu.memory_space<vmem>>, vector<16xf32>,
              %get3A_670 = arith.constant 1 : i32
              %get3A_671 = arith.index_cast %get3A_670 : i32 to index
              %get3A_672 = arith.constant 0 : index
              %get3A_673 = tpu.vector_load %arg7[%get3A_671, %get3A_672] {strides = array<i32>} : memref<2x16xi32, #tpu.memory_space<vmem>>, vector<16xi32>,
              %rev3A_674 = arith.constant 15 : i32
              %rev3A_675 = vector.broadcast %rev3A_674 : i32 to vector<16xi32>
              %rev3A_676 = tpu.iota {dimensions = array<i32: 0>} : vector<16xi32>
              %rev3A_677 = arith.subi %rev3A_675, %rev3A_676 : vector<16xi32>
              %rev3A_678 = tpu.dynamic_gather %get3A_669[%rev3A_677] in [0] : vector<16xf32>, vector<16xi32> -> vector<16xf32>
              %rev3A_679 = arith.constant 15 : i32
              %rev3A_680 = vector.broadcast %rev3A_679 : i32 to vector<16xi32>
              %rev3A_681 = tpu.iota {dimensions = array<i32: 0>} : vector<16xi32>
              %rev3A_682 = arith.subi %rev3A_680, %rev3A_681 : vector<16xi32>
              %rev3A_683 = tpu.dynamic_gather %get3A_673[%rev3A_682] in [0] : vector<16xi32>, vector<16xi32> -> vector<16xi32>
              %ge3A_684 = arith.cmpf oge, %masked_sort3A_664, %rev3A_678 : vector<16xf32>
              %select_n3A_685 = arith.select %ge3A_684, %masked_sort3A_664, %rev3A_678 : vector<16xi1>, vector<16xf32>
              %select_n3A_686 = arith.select %ge3A_684, %masked_sort3A_665, %rev3A_683 : vector<16xi1>, vector<16xi32>
              %select_n3A_687 = arith.select %ge3A_684, %rev3A_678, %masked_sort3A_664 : vector<16xi1>, vector<16xf32>
              %select_n3A_688 = arith.select %ge3A_684, %rev3A_683, %masked_sort3A_665 : vector<16xi1>, vector<16xi32>
              %masked_sort3A_689 = arith.constant dense<true> : vector<16xi1>
              %masked_sort3A_690, %masked_sort3A_691, %masked_sort3A_692 = tpu.sort %select_n3A_685, %select_n3A_686 masked %masked_sort3A_689 {descending = true} : (vector<16xf32>, vector<16xi32>, vector<16xi1>) -> (vector<16xi1>, vector<16xf32>, vector<16xi32>)
              %masked_sort3A_693 = arith.constant dense<true> : vector<16xi1>
              %masked_sort3A_694, %masked_sort3A_695, %masked_sort3A_696 = tpu.sort %select_n3A_687, %select_n3A_688 masked %masked_sort3A_693 {descending = true} : (vector<16xf32>, vector<16xi32>, vector<16xi1>) -> (vector<16xi1>, vector<16xf32>, vector<16xi32>)
              %swap3A_697 = arith.constant 0 : i32
              %swap3A_698 = arith.index_cast %swap3A_697 : i32 to index
              %swap3A_699 = arith.constant 0 : index
              %swap3A_700 = tpu.vector_load %arg6[%swap3A_698, %swap3A_699] {strides = array<i32>} : memref<2x16xf32, #tpu.memory_space<vmem>>, vector<16xf32>,
              tpu.vector_store %arg6[%swap3A_698, %swap3A_699], %masked_sort3A_660 {strides = array<i32>} : memref<2x16xf32, #tpu.memory_space<vmem>>, vector<16xf32>,
              %swap3A_701 = arith.constant 0 : i32
              %swap3A_702 = arith.index_cast %swap3A_701 : i32 to index
              %swap3A_703 = arith.constant 0 : index
              %swap3A_704 = tpu.vector_load %arg7[%swap3A_702, %swap3A_703] {strides = array<i32>} : memref<2x16xi32, #tpu.memory_space<vmem>>, vector<16xi32>,
              tpu.vector_store %arg7[%swap3A_702, %swap3A_703], %masked_sort3A_661 {strides = array<i32>} : memref<2x16xi32, #tpu.memory_space<vmem>>, vector<16xi32>,
              %swap3A_705 = arith.constant 1 : i32
              %swap3A_706 = arith.index_cast %swap3A_705 : i32 to index
              %swap3A_707 = arith.constant 0 : index
              %swap3A_708 = tpu.vector_load %arg6[%swap3A_706, %swap3A_707] {strides = array<i32>} : memref<2x16xf32, #tpu.memory_space<vmem>>, vector<16xf32>,
              tpu.vector_store %arg6[%swap3A_706, %swap3A_707], %masked_sort3A_691 {strides = array<i32>} : memref<2x16xf32, #tpu.memory_space<vmem>>, vector<16xf32>,
              %swap3A_709 = arith.constant 1 : i32
              %swap3A_710 = arith.index_cast %swap3A_709 : i32 to index
              %swap3A_711 = arith.constant 0 : index
              %swap3A_712 = tpu.vector_load %arg7[%swap3A_710, %swap3A_711] {strides = array<i32>} : memref<2x16xi32, #tpu.memory_space<vmem>>, vector<16xi32>,
              tpu.vector_store %arg7[%swap3A_710, %swap3A_711], %masked_sort3A_692 {strides = array<i32>} : memref<2x16xi32, #tpu.memory_space<vmem>>, vector<16xi32>,
              %reduce_min3A_713 = arith.constant true
              %reduce_min3A_714 = vector.broadcast %reduce_min3A_713 : i1 to vector<16xi1>
              %reduce_min3A_715 = tpu.scan <min>, %masked_sort3A_691 masked %reduce_min3A_714 : vector<16xf32>, vector<16xi1> -> vector<16xf32>
              %reduce_min3A_716 = vector.extract %reduce_min3A_715[15] : f32 from vector<16xf32>
              %swap3A_717 = arith.constant 0 : i32
              %swap3A_718 = arith.index_cast %swap3A_717 : i32 to index
              %swap3A_719 = memref.load %arg10[%swap3A_718] : memref<1xf32, #tpu.memory_space<smem>>
              memref.store %reduce_min3A_716, %arg10[%swap3A_718] : memref<1xf32, #tpu.memory_space<smem>>
            } else {
            }
            %add3A_563 = arith.constant 64 : i32
            %add3A_564 = arith.addi %mul3A_447, %add3A_563 : i32
            %get3A_565 = arith.index_cast %scan3A_18 : i32 to index
            %get3A_566 = arith.index_cast %add3A_564 : i32 to index
            %get3A_567 = tpu.vector_load %arg5[%get3A_565, %get3A_566] {strides = array<i32>} : memref<8x10240xf32, #tpu.memory_space<vmem>>, vector<16xf32>,
            %reduce_max3A_568 = arith.constant true
            %reduce_max3A_569 = vector.broadcast %reduce_max3A_568 : i1 to vector<16xi1>
            %reduce_max3A_570 = tpu.scan <max>, %get3A_567 masked %reduce_max3A_569 : vector<16xf32>, vector<16xi1> -> vector<16xf32>
            %reduce_max3A_571 = vector.extract %reduce_max3A_570[15] : f32 from vector<16xf32>
            %get3A_572 = arith.constant 0 : i32
            %get3A_573 = arith.index_cast %get3A_572 : i32 to index
            %get3A_574 = memref.load %arg10[%get3A_573] : memref<1xf32, #tpu.memory_space<smem>>
            %gt3A_575 = arith.cmpf ogt, %reduce_max3A_571, %get3A_574 : f32
            %convert_element_type3A_576 = arith.extui %gt3A_575 : i1 to i32
            %cond3A_577 = arith.constant 0 : i32
            %cond3A_578 = arith.cmpi ne, %convert_element_type3A_576, %cond3A_577 : i32
            scf.if %cond3A_578 {
              %add3A_627 = arith.constant 64 : i32
              %add3A_628 = arith.addi %mul3A_447, %add3A_627 : i32
              %add3A_629 = vector.broadcast %add3A_628 : i32 to vector<16xi32>
              %add3A_630 = arith.addi %iota3A, %add3A_629 : vector<16xi32>
              %masked_sort3A_631 = arith.constant dense<true> : vector<16xi1>
              %masked_sort3A_632, %masked_sort3A_633, %masked_sort3A_634 = tpu.sort %get3A_567, %add3A_630 masked %masked_sort3A_631 {descending = true} : (vector<16xf32>, vector<16xi32>, vector<16xi1>) -> (vector<16xi1>, vector<16xf32>, vector<16xi32>)
              %get3A_635 = arith.constant 0 : i32
              %get3A_636 = arith.index_cast %get3A_635 : i32 to index
              %get3A_637 = arith.constant 0 : index
              %get3A_638 = tpu.vector_load %arg6[%get3A_636, %get3A_637] {strides = array<i32>} : memref<2x16xf32, #tpu.memory_space<vmem>>, vector<16xf32>,
              %get3A_639 = arith.constant 0 : i32
              %get3A_640 = arith.index_cast %get3A_639 : i32 to index
              %get3A_641 = arith.constant 0 : index
              %get3A_642 = tpu.vector_load %arg7[%get3A_640, %get3A_641] {strides = array<i32>} : memref<2x16xi32, #tpu.memory_space<vmem>>, vector<16xi32>,
              %rev3A_643 = arith.constant 15 : i32
              %rev3A_644 = vector.broadcast %rev3A_643 : i32 to vector<16xi32>
              %rev3A_645 = tpu.iota {dimensions = array<i32: 0>} : vector<16xi32>
              %rev3A_646 = arith.subi %rev3A_644, %rev3A_645 : vector<16xi32>
              %rev3A_647 = tpu.dynamic_gather %get3A_638[%rev3A_646] in [0] : vector<16xf32>, vector<16xi32> -> vector<16xf32>
              %rev3A_648 = arith.constant 15 : i32
              %rev3A_649 = vector.broadcast %rev3A_648 : i32 to vector<16xi32>
              %rev3A_650 = tpu.iota {dimensions = array<i32: 0>} : vector<16xi32>
              %rev3A_651 = arith.subi %rev3A_649, %rev3A_650 : vector<16xi32>
              %rev3A_652 = tpu.dynamic_gather %get3A_642[%rev3A_651] in [0] : vector<16xi32>, vector<16xi32> -> vector<16xi32>
              %ge3A_653 = arith.cmpf oge, %masked_sort3A_633, %rev3A_647 : vector<16xf32>
              %select_n3A_654 = arith.select %ge3A_653, %masked_sort3A_633, %rev3A_647 : vector<16xi1>, vector<16xf32>
              %select_n3A_655 = arith.select %ge3A_653, %masked_sort3A_634, %rev3A_652 : vector<16xi1>, vector<16xi32>
              %select_n3A_656 = arith.select %ge3A_653, %rev3A_647, %masked_sort3A_633 : vector<16xi1>, vector<16xf32>
              %select_n3A_657 = arith.select %ge3A_653, %rev3A_652, %masked_sort3A_634 : vector<16xi1>, vector<16xi32>
              %masked_sort3A_658 = arith.constant dense<true> : vector<16xi1>
              %masked_sort3A_659, %masked_sort3A_660, %masked_sort3A_661 = tpu.sort %select_n3A_654, %select_n3A_655 masked %masked_sort3A_658 {descending = true} : (vector<16xf32>, vector<16xi32>, vector<16xi1>) -> (vector<16xi1>, vector<16xf32>, vector<16xi32>)
              %masked_sort3A_662 = arith.constant dense<true> : vector<16xi1>
              %masked_sort3A_663, %masked_sort3A_664, %masked_sort3A_665 = tpu.sort %select_n3A_656, %select_n3A_657 masked %masked_sort3A_662 {descending = true} : (vector<16xf32>, vector<16xi32>, vector<16xi1>) -> (vector<16xi1>, vector<16xf32>, vector<16xi32>)
              %get3A_666 = arith.constant 1 : i32
              %get3A_667 = arith.index_cast %get3A_666 : i32 to index
              %get3A_668 = arith.constant 0 : index
              %get3A_669 = tpu.vector_load %arg6[%get3A_667, %get3A_668] {strides = array<i32>} : memref<2x16xf32, #tpu.memory_space<vmem>>, vector<16xf32>,
              %get3A_670 = arith.constant 1 : i32
              %get3A_671 = arith.index_cast %get3A_670 : i32 to index
              %get3A_672 = arith.constant 0 : index
              %get3A_673 = tpu.vector_load %arg7[%get3A_671, %get3A_672] {strides = array<i32>} : memref<2x16xi32, #tpu.memory_space<vmem>>, vector<16xi32>,
              %rev3A_674 = arith.constant 15 : i32
              %rev3A_675 = vector.broadcast %rev3A_674 : i32 to vector<16xi32>
              %rev3A_676 = tpu.iota {dimensions = array<i32: 0>} : vector<16xi32>
              %rev3A_677 = arith.subi %rev3A_675, %rev3A_676 : vector<16xi32>
              %rev3A_678 = tpu.dynamic_gather %get3A_669[%rev3A_677] in [0] : vector<16xf32>, vector<16xi32> -> vector<16xf32>
              %rev3A_679 = arith.constant 15 : i32
              %rev3A_680 = vector.broadcast %rev3A_679 : i32 to vector<16xi32>
              %rev3A_681 = tpu.iota {dimensions = array<i32: 0>} : vector<16xi32>
              %rev3A_682 = arith.subi %rev3A_680, %rev3A_681 : vector<16xi32>
              %rev3A_683 = tpu.dynamic_gather %get3A_673[%rev3A_682] in [0] : vector<16xi32>, vector<16xi32> -> vector<16xi32>
              %ge3A_684 = arith.cmpf oge, %masked_sort3A_664, %rev3A_678 : vector<16xf32>
              %select_n3A_685 = arith.select %ge3A_684, %masked_sort3A_664, %rev3A_678 : vector<16xi1>, vector<16xf32>
              %select_n3A_686 = arith.select %ge3A_684, %masked_sort3A_665, %rev3A_683 : vector<16xi1>, vector<16xi32>
              %select_n3A_687 = arith.select %ge3A_684, %rev3A_678, %masked_sort3A_664 : vector<16xi1>, vector<16xf32>
              %select_n3A_688 = arith.select %ge3A_684, %rev3A_683, %masked_sort3A_665 : vector<16xi1>, vector<16xi32>
              %masked_sort3A_689 = arith.constant dense<true> : vector<16xi1>
              %masked_sort3A_690, %masked_sort3A_691, %masked_sort3A_692 = tpu.sort %select_n3A_685, %select_n3A_686 masked %masked_sort3A_689 {descending = true} : (vector<16xf32>, vector<16xi32>, vector<16xi1>) -> (vector<16xi1>, vector<16xf32>, vector<16xi32>)
              %masked_sort3A_693 = arith.constant dense<true> : vector<16xi1>
              %masked_sort3A_694, %masked_sort3A_695, %masked_sort3A_696 = tpu.sort %select_n3A_687, %select_n3A_688 masked %masked_sort3A_693 {descending = true} : (vector<16xf32>, vector<16xi32>, vector<16xi1>) -> (vector<16xi1>, vector<16xf32>, vector<16xi32>)
              %swap3A_697 = arith.constant 0 : i32
              %swap3A_698 = arith.index_cast %swap3A_697 : i32 to index
              %swap3A_699 = arith.constant 0 : index
              %swap3A_700 = tpu.vector_load %arg6[%swap3A_698, %swap3A_699] {strides = array<i32>} : memref<2x16xf32, #tpu.memory_space<vmem>>, vector<16xf32>,
              tpu.vector_store %arg6[%swap3A_698, %swap3A_699], %masked_sort3A_660 {strides = array<i32>} : memref<2x16xf32, #tpu.memory_space<vmem>>, vector<16xf32>,
              %swap3A_701 = arith.constant 0 : i32
              %swap3A_702 = arith.index_cast %swap3A_701 : i32 to index
              %swap3A_703 = arith.constant 0 : index
              %swap3A_704 = tpu.vector_load %arg7[%swap3A_702, %swap3A_703] {strides = array<i32>} : memref<2x16xi32, #tpu.memory_space<vmem>>, vector<16xi32>,
              tpu.vector_store %arg7[%swap3A_702, %swap3A_703], %masked_sort3A_661 {strides = array<i32>} : memref<2x16xi32, #tpu.memory_space<vmem>>, vector<16xi32>,
              %swap3A_705 = arith.constant 1 : i32
              %swap3A_706 = arith.index_cast %swap3A_705 : i32 to index
              %swap3A_707 = arith.constant 0 : index
              %swap3A_708 = tpu.vector_load %arg6[%swap3A_706, %swap3A_707] {strides = array<i32>} : memref<2x16xf32, #tpu.memory_space<vmem>>, vector<16xf32>,
              tpu.vector_store %arg6[%swap3A_706, %swap3A_707], %masked_sort3A_691 {strides = array<i32>} : memref<2x16xf32, #tpu.memory_space<vmem>>, vector<16xf32>,
              %swap3A_709 = arith.constant 1 : i32
              %swap3A_710 = arith.index_cast %swap3A_709 : i32 to index
              %swap3A_711 = arith.constant 0 : index
              %swap3A_712 = tpu.vector_load %arg7[%swap3A_710, %swap3A_711] {strides = array<i32>} : memref<2x16xi32, #tpu.memory_space<vmem>>, vector<16xi32>,
              tpu.vector_store %arg7[%swap3A_710, %swap3A_711], %masked_sort3A_692 {strides = array<i32>} : memref<2x16xi32, #tpu.memory_space<vmem>>, vector<16xi32>,
              %reduce_min3A_713 = arith.constant true
              %reduce_min3A_714 = vector.broadcast %reduce_min3A_713 : i1 to vector<16xi1>
              %reduce_min3A_715 = tpu.scan <min>, %masked_sort3A_691 masked %reduce_min3A_714 : vector<16xf32>, vector<16xi1> -> vector<16xf32>
              %reduce_min3A_716 = vector.extract %reduce_min3A_715[15] : f32 from vector<16xf32>
              %swap3A_717 = arith.constant 0 : i32
              %swap3A_718 = arith.index_cast %swap3A_717 : i32 to index
              %swap3A_719 = memref.load %arg10[%swap3A_718] : memref<1xf32, #tpu.memory_space<smem>>
              memref.store %reduce_min3A_716, %arg10[%swap3A_718] : memref<1xf32, #tpu.memory_space<smem>>
            } else {
            }
            %add3A_579 = arith.constant 80 : i32
            %add3A_580 = arith.addi %mul3A_447, %add3A_579 : i32
            %get3A_581 = arith.index_cast %scan3A_18 : i32 to index
            %get3A_582 = arith.index_cast %add3A_580 : i32 to index
            %get3A_583 = tpu.vector_load %arg5[%get3A_581, %get3A_582] {strides = array<i32>} : memref<8x10240xf32, #tpu.memory_space<vmem>>, vector<16xf32>,
            %reduce_max3A_584 = arith.constant true
            %reduce_max3A_585 = vector.broadcast %reduce_max3A_584 : i1 to vector<16xi1>
            %reduce_max3A_586 = tpu.scan <max>, %get3A_583 masked %reduce_max3A_585 : vector<16xf32>, vector<16xi1> -> vector<16xf32>
            %reduce_max3A_587 = vector.extract %reduce_max3A_586[15] : f32 from vector<16xf32>
            %get3A_588 = arith.constant 0 : i32
            %get3A_589 = arith.index_cast %get3A_588 : i32 to index
            %get3A_590 = memref.load %arg10[%get3A_589] : memref<1xf32, #tpu.memory_space<smem>>
            %gt3A_591 = arith.cmpf ogt, %reduce_max3A_587, %get3A_590 : f32
            %convert_element_type3A_592 = arith.extui %gt3A_591 : i1 to i32
            %cond3A_593 = arith.constant 0 : i32
            %cond3A_594 = arith.cmpi ne, %convert_element_type3A_592, %cond3A_593 : i32
            scf.if %cond3A_594 {
              %add3A_627 = arith.constant 80 : i32
              %add3A_628 = arith.addi %mul3A_447, %add3A_627 : i32
              %add3A_629 = vector.broadcast %add3A_628 : i32 to vector<16xi32>
              %add3A_630 = arith.addi %iota3A, %add3A_629 : vector<16xi32>
              %masked_sort3A_631 = arith.constant dense<true> : vector<16xi1>
              %masked_sort3A_632, %masked_sort3A_633, %masked_sort3A_634 = tpu.sort %get3A_583, %add3A_630 masked %masked_sort3A_631 {descending = true} : (vector<16xf32>, vector<16xi32>, vector<16xi1>) -> (vector<16xi1>, vector<16xf32>, vector<16xi32>)
              %get3A_635 = arith.constant 0 : i32
              %get3A_636 = arith.index_cast %get3A_635 : i32 to index
              %get3A_637 = arith.constant 0 : index
              %get3A_638 = tpu.vector_load %arg6[%get3A_636, %get3A_637] {strides = array<i32>} : memref<2x16xf32, #tpu.memory_space<vmem>>, vector<16xf32>,
              %get3A_639 = arith.constant 0 : i32
              %get3A_640 = arith.index_cast %get3A_639 : i32 to index
              %get3A_641 = arith.constant 0 : index
              %get3A_642 = tpu.vector_load %arg7[%get3A_640, %get3A_641] {strides = array<i32>} : memref<2x16xi32, #tpu.memory_space<vmem>>, vector<16xi32>,
              %rev3A_643 = arith.constant 15 : i32
              %rev3A_644 = vector.broadcast %rev3A_643 : i32 to vector<16xi32>
              %rev3A_645 = tpu.iota {dimensions = array<i32: 0>} : vector<16xi32>
              %rev3A_646 = arith.subi %rev3A_644, %rev3A_645 : vector<16xi32>
              %rev3A_647 = tpu.dynamic_gather %get3A_638[%rev3A_646] in [0] : vector<16xf32>, vector<16xi32> -> vector<16xf32>
              %rev3A_648 = arith.constant 15 : i32
              %rev3A_649 = vector.broadcast %rev3A_648 : i32 to vector<16xi32>
              %rev3A_650 = tpu.iota {dimensions = array<i32: 0>} : vector<16xi32>
              %rev3A_651 = arith.subi %rev3A_649, %rev3A_650 : vector<16xi32>
              %rev3A_652 = tpu.dynamic_gather %get3A_642[%rev3A_651] in [0] : vector<16xi32>, vector<16xi32> -> vector<16xi32>
              %ge3A_653 = arith.cmpf oge, %masked_sort3A_633, %rev3A_647 : vector<16xf32>
              %select_n3A_654 = arith.select %ge3A_653, %masked_sort3A_633, %rev3A_647 : vector<16xi1>, vector<16xf32>
              %select_n3A_655 = arith.select %ge3A_653, %masked_sort3A_634, %rev3A_652 : vector<16xi1>, vector<16xi32>
              %select_n3A_656 = arith.select %ge3A_653, %rev3A_647, %masked_sort3A_633 : vector<16xi1>, vector<16xf32>
              %select_n3A_657 = arith.select %ge3A_653, %rev3A_652, %masked_sort3A_634 : vector<16xi1>, vector<16xi32>
              %masked_sort3A_658 = arith.constant dense<true> : vector<16xi1>
              %masked_sort3A_659, %masked_sort3A_660, %masked_sort3A_661 = tpu.sort %select_n3A_654, %select_n3A_655 masked %masked_sort3A_658 {descending = true} : (vector<16xf32>, vector<16xi32>, vector<16xi1>) -> (vector<16xi1>, vector<16xf32>, vector<16xi32>)
              %masked_sort3A_662 = arith.constant dense<true> : vector<16xi1>
              %masked_sort3A_663, %masked_sort3A_664, %masked_sort3A_665 = tpu.sort %select_n3A_656, %select_n3A_657 masked %masked_sort3A_662 {descending = true} : (vector<16xf32>, vector<16xi32>, vector<16xi1>) -> (vector<16xi1>, vector<16xf32>, vector<16xi32>)
              %get3A_666 = arith.constant 1 : i32
              %get3A_667 = arith.index_cast %get3A_666 : i32 to index
              %get3A_668 = arith.constant 0 : index
              %get3A_669 = tpu.vector_load %arg6[%get3A_667, %get3A_668] {strides = array<i32>} : memref<2x16xf32, #tpu.memory_space<vmem>>, vector<16xf32>,
              %get3A_670 = arith.constant 1 : i32
              %get3A_671 = arith.index_cast %get3A_670 : i32 to index
              %get3A_672 = arith.constant 0 : index
              %get3A_673 = tpu.vector_load %arg7[%get3A_671, %get3A_672] {strides = array<i32>} : memref<2x16xi32, #tpu.memory_space<vmem>>, vector<16xi32>,
              %rev3A_674 = arith.constant 15 : i32
              %rev3A_675 = vector.broadcast %rev3A_674 : i32 to vector<16xi32>
              %rev3A_676 = tpu.iota {dimensions = array<i32: 0>} : vector<16xi32>
              %rev3A_677 = arith.subi %rev3A_675, %rev3A_676 : vector<16xi32>
              %rev3A_678 = tpu.dynamic_gather %get3A_669[%rev3A_677] in [0] : vector<16xf32>, vector<16xi32> -> vector<16xf32>
              %rev3A_679 = arith.constant 15 : i32
              %rev3A_680 = vector.broadcast %rev3A_679 : i32 to vector<16xi32>
              %rev3A_681 = tpu.iota {dimensions = array<i32: 0>} : vector<16xi32>
              %rev3A_682 = arith.subi %rev3A_680, %rev3A_681 : vector<16xi32>
              %rev3A_683 = tpu.dynamic_gather %get3A_673[%rev3A_682] in [0] : vector<16xi32>, vector<16xi32> -> vector<16xi32>
              %ge3A_684 = arith.cmpf oge, %masked_sort3A_664, %rev3A_678 : vector<16xf32>
              %select_n3A_685 = arith.select %ge3A_684, %masked_sort3A_664, %rev3A_678 : vector<16xi1>, vector<16xf32>
              %select_n3A_686 = arith.select %ge3A_684, %masked_sort3A_665, %rev3A_683 : vector<16xi1>, vector<16xi32>
              %select_n3A_687 = arith.select %ge3A_684, %rev3A_678, %masked_sort3A_664 : vector<16xi1>, vector<16xf32>
              %select_n3A_688 = arith.select %ge3A_684, %rev3A_683, %masked_sort3A_665 : vector<16xi1>, vector<16xi32>
              %masked_sort3A_689 = arith.constant dense<true> : vector<16xi1>
              %masked_sort3A_690, %masked_sort3A_691, %masked_sort3A_692 = tpu.sort %select_n3A_685, %select_n3A_686 masked %masked_sort3A_689 {descending = true} : (vector<16xf32>, vector<16xi32>, vector<16xi1>) -> (vector<16xi1>, vector<16xf32>, vector<16xi32>)
              %masked_sort3A_693 = arith.constant dense<true> : vector<16xi1>
              %masked_sort3A_694, %masked_sort3A_695, %masked_sort3A_696 = tpu.sort %select_n3A_687, %select_n3A_688 masked %masked_sort3A_693 {descending = true} : (vector<16xf32>, vector<16xi32>, vector<16xi1>) -> (vector<16xi1>, vector<16xf32>, vector<16xi32>)
              %swap3A_697 = arith.constant 0 : i32
              %swap3A_698 = arith.index_cast %swap3A_697 : i32 to index
              %swap3A_699 = arith.constant 0 : index
              %swap3A_700 = tpu.vector_load %arg6[%swap3A_698, %swap3A_699] {strides = array<i32>} : memref<2x16xf32, #tpu.memory_space<vmem>>, vector<16xf32>,
              tpu.vector_store %arg6[%swap3A_698, %swap3A_699], %masked_sort3A_660 {strides = array<i32>} : memref<2x16xf32, #tpu.memory_space<vmem>>, vector<16xf32>,
              %swap3A_701 = arith.constant 0 : i32
              %swap3A_702 = arith.index_cast %swap3A_701 : i32 to index
              %swap3A_703 = arith.constant 0 : index
              %swap3A_704 = tpu.vector_load %arg7[%swap3A_702, %swap3A_703] {strides = array<i32>} : memref<2x16xi32, #tpu.memory_space<vmem>>, vector<16xi32>,
              tpu.vector_store %arg7[%swap3A_702, %swap3A_703], %masked_sort3A_661 {strides = array<i32>} : memref<2x16xi32, #tpu.memory_space<vmem>>, vector<16xi32>,
              %swap3A_705 = arith.constant 1 : i32
              %swap3A_706 = arith.index_cast %swap3A_705 : i32 to index
              %swap3A_707 = arith.constant 0 : index
              %swap3A_708 = tpu.vector_load %arg6[%swap3A_706, %swap3A_707] {strides = array<i32>} : memref<2x16xf32, #tpu.memory_space<vmem>>, vector<16xf32>,
              tpu.vector_store %arg6[%swap3A_706, %swap3A_707], %masked_sort3A_691 {strides = array<i32>} : memref<2x16xf32, #tpu.memory_space<vmem>>, vector<16xf32>,
              %swap3A_709 = arith.constant 1 : i32
              %swap3A_710 = arith.index_cast %swap3A_709 : i32 to index
              %swap3A_711 = arith.constant 0 : index
              %swap3A_712 = tpu.vector_load %arg7[%swap3A_710, %swap3A_711] {strides = array<i32>} : memref<2x16xi32, #tpu.memory_space<vmem>>, vector<16xi32>,
              tpu.vector_store %arg7[%swap3A_710, %swap3A_711], %masked_sort3A_692 {strides = array<i32>} : memref<2x16xi32, #tpu.memory_space<vmem>>, vector<16xi32>,
              %reduce_min3A_713 = arith.constant true
              %reduce_min3A_714 = vector.broadcast %reduce_min3A_713 : i1 to vector<16xi1>
              %reduce_min3A_715 = tpu.scan <min>, %masked_sort3A_691 masked %reduce_min3A_714 : vector<16xf32>, vector<16xi1> -> vector<16xf32>
              %reduce_min3A_716 = vector.extract %reduce_min3A_715[15] : f32 from vector<16xf32>
              %swap3A_717 = arith.constant 0 : i32
              %swap3A_718 = arith.index_cast %swap3A_717 : i32 to index
              %swap3A_719 = memref.load %arg10[%swap3A_718] : memref<1xf32, #tpu.memory_space<smem>>
              memref.store %reduce_min3A_716, %arg10[%swap3A_718] : memref<1xf32, #tpu.memory_space<smem>>
            } else {
            }
            %add3A_595 = arith.constant 96 : i32
            %add3A_596 = arith.addi %mul3A_447, %add3A_595 : i32
            %get3A_597 = arith.index_cast %scan3A_18 : i32 to index
            %get3A_598 = arith.index_cast %add3A_596 : i32 to index
            %get3A_599 = tpu.vector_load %arg5[%get3A_597, %get3A_598] {strides = array<i32>} : memref<8x10240xf32, #tpu.memory_space<vmem>>, vector<16xf32>,
            %reduce_max3A_600 = arith.constant true
            %reduce_max3A_601 = vector.broadcast %reduce_max3A_600 : i1 to vector<16xi1>
            %reduce_max3A_602 = tpu.scan <max>, %get3A_599 masked %reduce_max3A_601 : vector<16xf32>, vector<16xi1> -> vector<16xf32>
            %reduce_max3A_603 = vector.extract %reduce_max3A_602[15] : f32 from vector<16xf32>
            %get3A_604 = arith.constant 0 : i32
            %get3A_605 = arith.index_cast %get3A_604 : i32 to index
            %get3A_606 = memref.load %arg10[%get3A_605] : memref<1xf32, #tpu.memory_space<smem>>
            %gt3A_607 = arith.cmpf ogt, %reduce_max3A_603, %get3A_606 : f32
            %convert_element_type3A_608 = arith.extui %gt3A_607 : i1 to i32
            %cond3A_609 = arith.constant 0 : i32
            %cond3A_610 = arith.cmpi ne, %convert_element_type3A_608, %cond3A_609 : i32
            scf.if %cond3A_610 {
              %add3A_627 = arith.constant 96 : i32
              %add3A_628 = arith.addi %mul3A_447, %add3A_627 : i32
              %add3A_629 = vector.broadcast %add3A_628 : i32 to vector<16xi32>
              %add3A_630 = arith.addi %iota3A, %add3A_629 : vector<16xi32>
              %masked_sort3A_631 = arith.constant dense<true> : vector<16xi1>
              %masked_sort3A_632, %masked_sort3A_633, %masked_sort3A_634 = tpu.sort %get3A_599, %add3A_630 masked %masked_sort3A_631 {descending = true} : (vector<16xf32>, vector<16xi32>, vector<16xi1>) -> (vector<16xi1>, vector<16xf32>, vector<16xi32>)
              %get3A_635 = arith.constant 0 : i32
              %get3A_636 = arith.index_cast %get3A_635 : i32 to index
              %get3A_637 = arith.constant 0 : index
              %get3A_638 = tpu.vector_load %arg6[%get3A_636, %get3A_637] {strides = array<i32>} : memref<2x16xf32, #tpu.memory_space<vmem>>, vector<16xf32>,
              %get3A_639 = arith.constant 0 : i32
              %get3A_640 = arith.index_cast %get3A_639 : i32 to index
              %get3A_641 = arith.constant 0 : index
              %get3A_642 = tpu.vector_load %arg7[%get3A_640, %get3A_641] {strides = array<i32>} : memref<2x16xi32, #tpu.memory_space<vmem>>, vector<16xi32>,
              %rev3A_643 = arith.constant 15 : i32
              %rev3A_644 = vector.broadcast %rev3A_643 : i32 to vector<16xi32>
              %rev3A_645 = tpu.iota {dimensions = array<i32: 0>} : vector<16xi32>
              %rev3A_646 = arith.subi %rev3A_644, %rev3A_645 : vector<16xi32>
              %rev3A_647 = tpu.dynamic_gather %get3A_638[%rev3A_646] in [0] : vector<16xf32>, vector<16xi32> -> vector<16xf32>
              %rev3A_648 = arith.constant 15 : i32
              %rev3A_649 = vector.broadcast %rev3A_648 : i32 to vector<16xi32>
              %rev3A_650 = tpu.iota {dimensions = array<i32: 0>} : vector<16xi32>
              %rev3A_651 = arith.subi %rev3A_649, %rev3A_650 : vector<16xi32>
              %rev3A_652 = tpu.dynamic_gather %get3A_642[%rev3A_651] in [0] : vector<16xi32>, vector<16xi32> -> vector<16xi32>
              %ge3A_653 = arith.cmpf oge, %masked_sort3A_633, %rev3A_647 : vector<16xf32>
              %select_n3A_654 = arith.select %ge3A_653, %masked_sort3A_633, %rev3A_647 : vector<16xi1>, vector<16xf32>
              %select_n3A_655 = arith.select %ge3A_653, %masked_sort3A_634, %rev3A_652 : vector<16xi1>, vector<16xi32>
              %select_n3A_656 = arith.select %ge3A_653, %rev3A_647, %masked_sort3A_633 : vector<16xi1>, vector<16xf32>
              %select_n3A_657 = arith.select %ge3A_653, %rev3A_652, %masked_sort3A_634 : vector<16xi1>, vector<16xi32>
              %masked_sort3A_658 = arith.constant dense<true> : vector<16xi1>
              %masked_sort3A_659, %masked_sort3A_660, %masked_sort3A_661 = tpu.sort %select_n3A_654, %select_n3A_655 masked %masked_sort3A_658 {descending = true} : (vector<16xf32>, vector<16xi32>, vector<16xi1>) -> (vector<16xi1>, vector<16xf32>, vector<16xi32>)
              %masked_sort3A_662 = arith.constant dense<true> : vector<16xi1>
              %masked_sort3A_663, %masked_sort3A_664, %masked_sort3A_665 = tpu.sort %select_n3A_656, %select_n3A_657 masked %masked_sort3A_662 {descending = true} : (vector<16xf32>, vector<16xi32>, vector<16xi1>) -> (vector<16xi1>, vector<16xf32>, vector<16xi32>)
              %get3A_666 = arith.constant 1 : i32
              %get3A_667 = arith.index_cast %get3A_666 : i32 to index
              %get3A_668 = arith.constant 0 : index
              %get3A_669 = tpu.vector_load %arg6[%get3A_667, %get3A_668] {strides = array<i32>} : memref<2x16xf32, #tpu.memory_space<vmem>>, vector<16xf32>,
              %get3A_670 = arith.constant 1 : i32
              %get3A_671 = arith.index_cast %get3A_670 : i32 to index
              %get3A_672 = arith.constant 0 : index
              %get3A_673 = tpu.vector_load %arg7[%get3A_671, %get3A_672] {strides = array<i32>} : memref<2x16xi32, #tpu.memory_space<vmem>>, vector<16xi32>,
              %rev3A_674 = arith.constant 15 : i32
              %rev3A_675 = vector.broadcast %rev3A_674 : i32 to vector<16xi32>
              %rev3A_676 = tpu.iota {dimensions = array<i32: 0>} : vector<16xi32>
              %rev3A_677 = arith.subi %rev3A_675, %rev3A_676 : vector<16xi32>
              %rev3A_678 = tpu.dynamic_gather %get3A_669[%rev3A_677] in [0] : vector<16xf32>, vector<16xi32> -> vector<16xf32>
              %rev3A_679 = arith.constant 15 : i32
              %rev3A_680 = vector.broadcast %rev3A_679 : i32 to vector<16xi32>
              %rev3A_681 = tpu.iota {dimensions = array<i32: 0>} : vector<16xi32>
              %rev3A_682 = arith.subi %rev3A_680, %rev3A_681 : vector<16xi32>
              %rev3A_683 = tpu.dynamic_gather %get3A_673[%rev3A_682] in [0] : vector<16xi32>, vector<16xi32> -> vector<16xi32>
              %ge3A_684 = arith.cmpf oge, %masked_sort3A_664, %rev3A_678 : vector<16xf32>
              %select_n3A_685 = arith.select %ge3A_684, %masked_sort3A_664, %rev3A_678 : vector<16xi1>, vector<16xf32>
              %select_n3A_686 = arith.select %ge3A_684, %masked_sort3A_665, %rev3A_683 : vector<16xi1>, vector<16xi32>
              %select_n3A_687 = arith.select %ge3A_684, %rev3A_678, %masked_sort3A_664 : vector<16xi1>, vector<16xf32>
              %select_n3A_688 = arith.select %ge3A_684, %rev3A_683, %masked_sort3A_665 : vector<16xi1>, vector<16xi32>
              %masked_sort3A_689 = arith.constant dense<true> : vector<16xi1>
              %masked_sort3A_690, %masked_sort3A_691, %masked_sort3A_692 = tpu.sort %select_n3A_685, %select_n3A_686 masked %masked_sort3A_689 {descending = true} : (vector<16xf32>, vector<16xi32>, vector<16xi1>) -> (vector<16xi1>, vector<16xf32>, vector<16xi32>)
              %masked_sort3A_693 = arith.constant dense<true> : vector<16xi1>
              %masked_sort3A_694, %masked_sort3A_695, %masked_sort3A_696 = tpu.sort %select_n3A_687, %select_n3A_688 masked %masked_sort3A_693 {descending = true} : (vector<16xf32>, vector<16xi32>, vector<16xi1>) -> (vector<16xi1>, vector<16xf32>, vector<16xi32>)
              %swap3A_697 = arith.constant 0 : i32
              %swap3A_698 = arith.index_cast %swap3A_697 : i32 to index
              %swap3A_699 = arith.constant 0 : index
              %swap3A_700 = tpu.vector_load %arg6[%swap3A_698, %swap3A_699] {strides = array<i32>} : memref<2x16xf32, #tpu.memory_space<vmem>>, vector<16xf32>,
              tpu.vector_store %arg6[%swap3A_698, %swap3A_699], %masked_sort3A_660 {strides = array<i32>} : memref<2x16xf32, #tpu.memory_space<vmem>>, vector<16xf32>,
              %swap3A_701 = arith.constant 0 : i32
              %swap3A_702 = arith.index_cast %swap3A_701 : i32 to index
              %swap3A_703 = arith.constant 0 : index
              %swap3A_704 = tpu.vector_load %arg7[%swap3A_702, %swap3A_703] {strides = array<i32>} : memref<2x16xi32, #tpu.memory_space<vmem>>, vector<16xi32>,
              tpu.vector_store %arg7[%swap3A_702, %swap3A_703], %masked_sort3A_661 {strides = array<i32>} : memref<2x16xi32, #tpu.memory_space<vmem>>, vector<16xi32>,
              %swap3A_705 = arith.constant 1 : i32
              %swap3A_706 = arith.index_cast %swap3A_705 : i32 to index
              %swap3A_707 = arith.constant 0 : index
              %swap3A_708 = tpu.vector_load %arg6[%swap3A_706, %swap3A_707] {strides = array<i32>} : memref<2x16xf32, #tpu.memory_space<vmem>>, vector<16xf32>,
              tpu.vector_store %arg6[%swap3A_706, %swap3A_707], %masked_sort3A_691 {strides = array<i32>} : memref<2x16xf32, #tpu.memory_space<vmem>>, vector<16xf32>,
              %swap3A_709 = arith.constant 1 : i32
              %swap3A_710 = arith.index_cast %swap3A_709 : i32 to index
              %swap3A_711 = arith.constant 0 : index
              %swap3A_712 = tpu.vector_load %arg7[%swap3A_710, %swap3A_711] {strides = array<i32>} : memref<2x16xi32, #tpu.memory_space<vmem>>, vector<16xi32>,
              tpu.vector_store %arg7[%swap3A_710, %swap3A_711], %masked_sort3A_692 {strides = array<i32>} : memref<2x16xi32, #tpu.memory_space<vmem>>, vector<16xi32>,
              %reduce_min3A_713 = arith.constant true
              %reduce_min3A_714 = vector.broadcast %reduce_min3A_713 : i1 to vector<16xi1>
              %reduce_min3A_715 = tpu.scan <min>, %masked_sort3A_691 masked %reduce_min3A_714 : vector<16xf32>, vector<16xi1> -> vector<16xf32>
              %reduce_min3A_716 = vector.extract %reduce_min3A_715[15] : f32 from vector<16xf32>
              %swap3A_717 = arith.constant 0 : i32
              %swap3A_718 = arith.index_cast %swap3A_717 : i32 to index
              %swap3A_719 = memref.load %arg10[%swap3A_718] : memref<1xf32, #tpu.memory_space<smem>>
              memref.store %reduce_min3A_716, %arg10[%swap3A_718] : memref<1xf32, #tpu.memory_space<smem>>
            } else {
            }
            %add3A_611 = arith.constant 112 : i32
            %add3A_612 = arith.addi %mul3A_447, %add3A_611 : i32
            %get3A_613 = arith.index_cast %scan3A_18 : i32 to index
            %get3A_614 = arith.index_cast %add3A_612 : i32 to index
            %get3A_615 = tpu.vector_load %arg5[%get3A_613, %get3A_614] {strides = array<i32>} : memref<8x10240xf32, #tpu.memory_space<vmem>>, vector<16xf32>,
            %reduce_max3A_616 = arith.constant true
            %reduce_max3A_617 = vector.broadcast %reduce_max3A_616 : i1 to vector<16xi1>
            %reduce_max3A_618 = tpu.scan <max>, %get3A_615 masked %reduce_max3A_617 : vector<16xf32>, vector<16xi1> -> vector<16xf32>
            %reduce_max3A_619 = vector.extract %reduce_max3A_618[15] : f32 from vector<16xf32>
            %get3A_620 = arith.constant 0 : i32
            %get3A_621 = arith.index_cast %get3A_620 : i32 to index
            %get3A_622 = memref.load %arg10[%get3A_621] : memref<1xf32, #tpu.memory_space<smem>>
            %gt3A_623 = arith.cmpf ogt, %reduce_max3A_619, %get3A_622 : f32
            %convert_element_type3A_624 = arith.extui %gt3A_623 : i1 to i32
            %cond3A_625 = arith.constant 0 : i32
            %cond3A_626 = arith.cmpi ne, %convert_element_type3A_624, %cond3A_625 : i32
            scf.if %cond3A_626 {
              %add3A_627 = arith.constant 112 : i32
              %add3A_628 = arith.addi %mul3A_447, %add3A_627 : i32
              %add3A_629 = vector.broadcast %add3A_628 : i32 to vector<16xi32>
              %add3A_630 = arith.addi %iota3A, %add3A_629 : vector<16xi32>
              %masked_sort3A_631 = arith.constant dense<true> : vector<16xi1>
              %masked_sort3A_632, %masked_sort3A_633, %masked_sort3A_634 = tpu.sort %get3A_615, %add3A_630 masked %masked_sort3A_631 {descending = true} : (vector<16xf32>, vector<16xi32>, vector<16xi1>) -> (vector<16xi1>, vector<16xf32>, vector<16xi32>)
              %get3A_635 = arith.constant 0 : i32
              %get3A_636 = arith.index_cast %get3A_635 : i32 to index
              %get3A_637 = arith.constant 0 : index
              %get3A_638 = tpu.vector_load %arg6[%get3A_636, %get3A_637] {strides = array<i32>} : memref<2x16xf32, #tpu.memory_space<vmem>>, vector<16xf32>,
              %get3A_639 = arith.constant 0 : i32
              %get3A_640 = arith.index_cast %get3A_639 : i32 to index
              %get3A_641 = arith.constant 0 : index
              %get3A_642 = tpu.vector_load %arg7[%get3A_640, %get3A_641] {strides = array<i32>} : memref<2x16xi32, #tpu.memory_space<vmem>>, vector<16xi32>,
              %rev3A_643 = arith.constant 15 : i32
              %rev3A_644 = vector.broadcast %rev3A_643 : i32 to vector<16xi32>
              %rev3A_645 = tpu.iota {dimensions = array<i32: 0>} : vector<16xi32>
              %rev3A_646 = arith.subi %rev3A_644, %rev3A_645 : vector<16xi32>
              %rev3A_647 = tpu.dynamic_gather %get3A_638[%rev3A_646] in [0] : vector<16xf32>, vector<16xi32> -> vector<16xf32>
              %rev3A_648 = arith.constant 15 : i32
              %rev3A_649 = vector.broadcast %rev3A_648 : i32 to vector<16xi32>
              %rev3A_650 = tpu.iota {dimensions = array<i32: 0>} : vector<16xi32>
              %rev3A_651 = arith.subi %rev3A_649, %rev3A_650 : vector<16xi32>
              %rev3A_652 = tpu.dynamic_gather %get3A_642[%rev3A_651] in [0] : vector<16xi32>, vector<16xi32> -> vector<16xi32>
              %ge3A_653 = arith.cmpf oge, %masked_sort3A_633, %rev3A_647 : vector<16xf32>
              %select_n3A_654 = arith.select %ge3A_653, %masked_sort3A_633, %rev3A_647 : vector<16xi1>, vector<16xf32>
              %select_n3A_655 = arith.select %ge3A_653, %masked_sort3A_634, %rev3A_652 : vector<16xi1>, vector<16xi32>
              %select_n3A_656 = arith.select %ge3A_653, %rev3A_647, %masked_sort3A_633 : vector<16xi1>, vector<16xf32>
              %select_n3A_657 = arith.select %ge3A_653, %rev3A_652, %masked_sort3A_634 : vector<16xi1>, vector<16xi32>
              %masked_sort3A_658 = arith.constant dense<true> : vector<16xi1>
              %masked_sort3A_659, %masked_sort3A_660, %masked_sort3A_661 = tpu.sort %select_n3A_654, %select_n3A_655 masked %masked_sort3A_658 {descending = true} : (vector<16xf32>, vector<16xi32>, vector<16xi1>) -> (vector<16xi1>, vector<16xf32>, vector<16xi32>)
              %masked_sort3A_662 = arith.constant dense<true> : vector<16xi1>
              %masked_sort3A_663, %masked_sort3A_664, %masked_sort3A_665 = tpu.sort %select_n3A_656, %select_n3A_657 masked %masked_sort3A_662 {descending = true} : (vector<16xf32>, vector<16xi32>, vector<16xi1>) -> (vector<16xi1>, vector<16xf32>, vector<16xi32>)
              %get3A_666 = arith.constant 1 : i32
              %get3A_667 = arith.index_cast %get3A_666 : i32 to index
              %get3A_668 = arith.constant 0 : index
              %get3A_669 = tpu.vector_load %arg6[%get3A_667, %get3A_668] {strides = array<i32>} : memref<2x16xf32, #tpu.memory_space<vmem>>, vector<16xf32>,
              %get3A_670 = arith.constant 1 : i32
              %get3A_671 = arith.index_cast %get3A_670 : i32 to index
              %get3A_672 = arith.constant 0 : index
              %get3A_673 = tpu.vector_load %arg7[%get3A_671, %get3A_672] {strides = array<i32>} : memref<2x16xi32, #tpu.memory_space<vmem>>, vector<16xi32>,
              %rev3A_674 = arith.constant 15 : i32
              %rev3A_675 = vector.broadcast %rev3A_674 : i32 to vector<16xi32>
              %rev3A_676 = tpu.iota {dimensions = array<i32: 0>} : vector<16xi32>
              %rev3A_677 = arith.subi %rev3A_675, %rev3A_676 : vector<16xi32>
              %rev3A_678 = tpu.dynamic_gather %get3A_669[%rev3A_677] in [0] : vector<16xf32>, vector<16xi32> -> vector<16xf32>
              %rev3A_679 = arith.constant 15 : i32
              %rev3A_680 = vector.broadcast %rev3A_679 : i32 to vector<16xi32>
              %rev3A_681 = tpu.iota {dimensions = array<i32: 0>} : vector<16xi32>
              %rev3A_682 = arith.subi %rev3A_680, %rev3A_681 : vector<16xi32>
              %rev3A_683 = tpu.dynamic_gather %get3A_673[%rev3A_682] in [0] : vector<16xi32>, vector<16xi32> -> vector<16xi32>
              %ge3A_684 = arith.cmpf oge, %masked_sort3A_664, %rev3A_678 : vector<16xf32>
              %select_n3A_685 = arith.select %ge3A_684, %masked_sort3A_664, %rev3A_678 : vector<16xi1>, vector<16xf32>
              %select_n3A_686 = arith.select %ge3A_684, %masked_sort3A_665, %rev3A_683 : vector<16xi1>, vector<16xi32>
              %select_n3A_687 = arith.select %ge3A_684, %rev3A_678, %masked_sort3A_664 : vector<16xi1>, vector<16xf32>
              %select_n3A_688 = arith.select %ge3A_684, %rev3A_683, %masked_sort3A_665 : vector<16xi1>, vector<16xi32>
              %masked_sort3A_689 = arith.constant dense<true> : vector<16xi1>
              %masked_sort3A_690, %masked_sort3A_691, %masked_sort3A_692 = tpu.sort %select_n3A_685, %select_n3A_686 masked %masked_sort3A_689 {descending = true} : (vector<16xf32>, vector<16xi32>, vector<16xi1>) -> (vector<16xi1>, vector<16xf32>, vector<16xi32>)
              %masked_sort3A_693 = arith.constant dense<true> : vector<16xi1>
              %masked_sort3A_694, %masked_sort3A_695, %masked_sort3A_696 = tpu.sort %select_n3A_687, %select_n3A_688 masked %masked_sort3A_693 {descending = true} : (vector<16xf32>, vector<16xi32>, vector<16xi1>) -> (vector<16xi1>, vector<16xf32>, vector<16xi32>)
              %swap3A_697 = arith.constant 0 : i32
              %swap3A_698 = arith.index_cast %swap3A_697 : i32 to index
              %swap3A_699 = arith.constant 0 : index
              %swap3A_700 = tpu.vector_load %arg6[%swap3A_698, %swap3A_699] {strides = array<i32>} : memref<2x16xf32, #tpu.memory_space<vmem>>, vector<16xf32>,
              tpu.vector_store %arg6[%swap3A_698, %swap3A_699], %masked_sort3A_660 {strides = array<i32>} : memref<2x16xf32, #tpu.memory_space<vmem>>, vector<16xf32>,
              %swap3A_701 = arith.constant 0 : i32
              %swap3A_702 = arith.index_cast %swap3A_701 : i32 to index
              %swap3A_703 = arith.constant 0 : index
              %swap3A_704 = tpu.vector_load %arg7[%swap3A_702, %swap3A_703] {strides = array<i32>} : memref<2x16xi32, #tpu.memory_space<vmem>>, vector<16xi32>,
              tpu.vector_store %arg7[%swap3A_702, %swap3A_703], %masked_sort3A_661 {strides = array<i32>} : memref<2x16xi32, #tpu.memory_space<vmem>>, vector<16xi32>,
              %swap3A_705 = arith.constant 1 : i32
              %swap3A_706 = arith.index_cast %swap3A_705 : i32 to index
              %swap3A_707 = arith.constant 0 : index
              %swap3A_708 = tpu.vector_load %arg6[%swap3A_706, %swap3A_707] {strides = array<i32>} : memref<2x16xf32, #tpu.memory_space<vmem>>, vector<16xf32>,
              tpu.vector_store %arg6[%swap3A_706, %swap3A_707], %masked_sort3A_691 {strides = array<i32>} : memref<2x16xf32, #tpu.memory_space<vmem>>, vector<16xf32>,
              %swap3A_709 = arith.constant 1 : i32
              %swap3A_710 = arith.index_cast %swap3A_709 : i32 to index
              %swap3A_711 = arith.constant 0 : index
              %swap3A_712 = tpu.vector_load %arg7[%swap3A_710, %swap3A_711] {strides = array<i32>} : memref<2x16xi32, #tpu.memory_space<vmem>>, vector<16xi32>,
              tpu.vector_store %arg7[%swap3A_710, %swap3A_711], %masked_sort3A_692 {strides = array<i32>} : memref<2x16xi32, #tpu.memory_space<vmem>>, vector<16xi32>,
              %reduce_min3A_713 = arith.constant true
              %reduce_min3A_714 = vector.broadcast %reduce_min3A_713 : i1 to vector<16xi1>
              %reduce_min3A_715 = tpu.scan <min>, %masked_sort3A_691 masked %reduce_min3A_714 : vector<16xf32>, vector<16xi1> -> vector<16xf32>
              %reduce_min3A_716 = vector.extract %reduce_min3A_715[15] : f32 from vector<16xf32>
              %swap3A_717 = arith.constant 0 : i32
              %swap3A_718 = arith.index_cast %swap3A_717 : i32 to index
              %swap3A_719 = memref.load %arg10[%swap3A_718] : memref<1xf32, #tpu.memory_space<smem>>
              memref.store %reduce_min3A_716, %arg10[%swap3A_718] : memref<1xf32, #tpu.memory_space<smem>>
            } else {
            }
          } else {
          }
        }
        %scan3A_416 = arith.constant 79 : i32
        %get3A_417 = arith.constant 0 : i32
        %get3A_418 = arith.index_cast %get3A_417 : i32 to index
        %get3A_419 = arith.constant 0 : index
        %get3A_420 = tpu.vector_load %arg6[%get3A_418, %get3A_419] {strides = array<i32>} : memref<2x16xf32, #tpu.memory_space<vmem>>, vector<16xf32>,
        %swap3A_421 = arith.index_cast %scan3A_18 : i32 to index
        %swap3A_422 = arith.constant 0 : index
        %swap3A_423 = tpu.vector_load %arg8[%swap3A_421, %swap3A_422] {strides = array<i32>} : memref<8x32xf32, #tpu.memory_space<vmem>>, vector<16xf32>,
        tpu.vector_store %arg8[%swap3A_421, %swap3A_422], %get3A_420 {strides = array<i32>} : memref<8x32xf32, #tpu.memory_space<vmem>>, vector<16xf32>,
        %get3A_424 = arith.constant 1 : i32
        %get3A_425 = arith.index_cast %get3A_424 : i32 to index
        %get3A_426 = arith.constant 0 : index
        %get3A_427 = tpu.vector_load %arg6[%get3A_425, %get3A_426] {strides = array<i32>} : memref<2x16xf32, #tpu.memory_space<vmem>>, vector<16xf32>,
        %swap3A_428 = arith.index_cast %scan3A_18 : i32 to index
        %swap3A_429 = arith.constant 16 : index
        %swap3A_430 = tpu.vector_load %arg8[%swap3A_428, %swap3A_429] {strides = array<i32>} : memref<8x32xf32, #tpu.memory_space<vmem>>, vector<16xf32>,
        tpu.vector_store %arg8[%swap3A_428, %swap3A_429], %get3A_427 {strides = array<i32>} : memref<8x32xf32, #tpu.memory_space<vmem>>, vector<16xf32>,
        %get3A_431 = arith.constant 0 : i32
        %get3A_432 = arith.index_cast %get3A_431 : i32 to index
        %get3A_433 = arith.constant 0 : index
        %get3A_434 = tpu.vector_load %arg7[%get3A_432, %get3A_433] {strides = array<i32>} : memref<2x16xi32, #tpu.memory_space<vmem>>, vector<16xi32>,
        %swap3A_435 = arith.index_cast %scan3A_18 : i32 to index
        %swap3A_436 = arith.constant 0 : index
        %swap3A_437 = tpu.vector_load %arg9[%swap3A_435, %swap3A_436] {strides = array<i32>} : memref<8x32xi32, #tpu.memory_space<vmem>>, vector<16xi32>,
        tpu.vector_store %arg9[%swap3A_435, %swap3A_436], %get3A_434 {strides = array<i32>} : memref<8x32xi32, #tpu.memory_space<vmem>>, vector<16xi32>,
        %get3A_438 = arith.constant 1 : i32
        %get3A_439 = arith.index_cast %get3A_438 : i32 to index
        %get3A_440 = arith.constant 0 : index
        %get3A_441 = tpu.vector_load %arg7[%get3A_439, %get3A_440] {strides = array<i32>} : memref<2x16xi32, #tpu.memory_space<vmem>>, vector<16xi32>,
        %swap3A_442 = arith.index_cast %scan3A_18 : i32 to index
        %swap3A_443 = arith.constant 16 : index
        %swap3A_444 = tpu.vector_load %arg9[%swap3A_442, %swap3A_443] {strides = array<i32>} : memref<8x32xi32, #tpu.memory_space<vmem>>, vector<16xi32>,
        tpu.vector_store %arg9[%swap3A_442, %swap3A_443], %get3A_441 {strides = array<i32>} : memref<8x32xi32, #tpu.memory_space<vmem>>, vector<16xi32>,
      }
      %scan3A_17 = arith.constant 8 : i32
      "tpu.region"() ({
        %run_scoped3A = tpu.sem_alloc : memref<!tpu.dma_semaphore, #tpu.memory_space<semaphore_mem>>
        %dma_start3A = arith.constant 0 : i32
        %dma_start3A_18 = tpu.memref_slice %arg3[%add3A_11, %dma_start3A] : memref<10240x32xf32, #tpu.memory_space<hbm>> -> memref<8x32xf32, #tpu.memory_space<hbm>>
        %dma_start3A_19 = arith.constant 0 : i32
        %dma_start3A_20 = tpu.memref_slice %arg3[%add3A_11, %dma_start3A_19] : memref<10240x32xf32, #tpu.memory_space<hbm>> -> memref<8x32xf32, #tpu.memory_space<hbm>>
        tpu.enqueue_dma source(%arg8 : memref<8x32xf32, #tpu.memory_space<vmem>>) target(%dma_start3A_20 : memref<8x32xf32, #tpu.memory_space<hbm>>) target_semaphore(%run_scoped3A : memref<!tpu.dma_semaphore, #tpu.memory_space<semaphore_mem>>)
        %dma_wait3A = arith.constant 0 : i32
        %dma_wait3A_21 = tpu.memref_slice %arg3[%add3A_11, %dma_wait3A] : memref<10240x32xf32, #tpu.memory_space<hbm>> -> memref<8x32xf32, #tpu.memory_space<hbm>>
        %dma_wait3A_22 = arith.constant 0 : i32
        %dma_wait3A_23 = tpu.memref_slice %arg3[%add3A_11, %dma_wait3A_22] : memref<10240x32xf32, #tpu.memory_space<hbm>> -> memref<8x32xf32, #tpu.memory_space<hbm>>
        tpu.wait_dma2 semaphore(%run_scoped3A : memref<!tpu.dma_semaphore, #tpu.memory_space<semaphore_mem>>) src(%arg8 : memref<8x32xf32, #tpu.memory_space<vmem>>) dst(%dma_wait3A_23 : memref<8x32xf32, #tpu.memory_space<hbm>>)
        tpu.yield
      }) : () -> ()
      "tpu.region"() ({
        %run_scoped3A = tpu.sem_alloc : memref<!tpu.dma_semaphore, #tpu.memory_space<semaphore_mem>>
        %dma_start3A = arith.constant 0 : i32
        %dma_start3A_18 = tpu.memref_slice %arg4[%add3A_11, %dma_start3A] : memref<10240x32xi32, #tpu.memory_space<hbm>> -> memref<8x32xi32, #tpu.memory_space<hbm>>
        %dma_start3A_19 = arith.constant 0 : i32
        %dma_start3A_20 = tpu.memref_slice %arg4[%add3A_11, %dma_start3A_19] : memref<10240x32xi32, #tpu.memory_space<hbm>> -> memref<8x32xi32, #tpu.memory_space<hbm>>
        tpu.enqueue_dma source(%arg9 : memref<8x32xi32, #tpu.memory_space<vmem>>) target(%dma_start3A_20 : memref<8x32xi32, #tpu.memory_space<hbm>>) target_semaphore(%run_scoped3A : memref<!tpu.dma_semaphore, #tpu.memory_space<semaphore_mem>>)
        %dma_wait3A = arith.constant 0 : i32
        %dma_wait3A_21 = tpu.memref_slice %arg4[%add3A_11, %dma_wait3A] : memref<10240x32xi32, #tpu.memory_space<hbm>> -> memref<8x32xi32, #tpu.memory_space<hbm>>
        %dma_wait3A_22 = arith.constant 0 : i32
        %dma_wait3A_23 = tpu.memref_slice %arg4[%add3A_11, %dma_wait3A_22] : memref<10240x32xi32, #tpu.memory_space<hbm>> -> memref<8x32xi32, #tpu.memory_space<hbm>>
        tpu.wait_dma2 semaphore(%run_scoped3A : memref<!tpu.dma_semaphore, #tpu.memory_space<semaphore_mem>>) src(%arg9 : memref<8x32xi32, #tpu.memory_space<vmem>>) dst(%dma_wait3A_23 : memref<8x32xi32, #tpu.memory_space<hbm>>)
        tpu.yield
      }) : () -> ()
    }
    %scan3A_7 = arith.constant 40 : i32
    return
  }
}

module attributes {stable_mosaic.version = 14 : i64} {
  func.func @_logits_body(%arg0: i32, %arg1: i32, %arg2: memref<256x256xf32, #tpu.memory_space<vmem>>, %arg3: memref<512x256xf32, #tpu.memory_space<vmem>>, %arg4: memref<256x512xf32, #tpu.memory_space<vmem>>) attributes {dimension_semantics = [#tpu.dimension_semantics<arbitrary>, #tpu.dimension_semantics<arbitrary>], iteration_bounds = array<i64: 40, 20>, scalar_prefetch = 0 : i64, scratch_operands = 0 : i64, tpu.core_type = #tpu.core_type<tc>, window_params = [{transform_indices = @transform_0, window_bounds = array<i64: 256, 256>}, {transform_indices = @transform_1, window_bounds = array<i64: 512, 256>}, {transform_indices = @transform_2, window_bounds = array<i64: 256, 512>}]} {
    %get3A = arith.constant 0 : index
    %get3A_0 = arith.constant 0 : index
    %get3A_1 = vector.load %arg2[%get3A, %get3A_0] : memref<256x256xf32, #tpu.memory_space<vmem>>, vector<256x256xf32>
    %mul3A = arith.constant 6.250000e-02 : f32
    %mul3A_2 = vector.broadcast %mul3A : f32 to vector<256x256xf32>
    %mul3A_3 = arith.mulf %get3A_1, %mul3A_2 : vector<256x256xf32>
    %get3A_4 = arith.constant 0 : index
    %get3A_5 = arith.constant 0 : index
    %get3A_6 = vector.load %arg3[%get3A_4, %get3A_5] : memref<512x256xf32, #tpu.memory_space<vmem>>, vector<512x256xf32>
    %dot_general3A = arith.constant dense<0.000000e+00> : vector<256x512xf32>
    %dot_general3A_7 = tpu.matmul %mul3A_3, %get3A_6, %dot_general3A {dimension_numbers = #tpu.dot_dimension_numbers<[1], [1], [0], [0], [0, 0, 1, 0], [], []>, transpose_lhs_hint = false} : vector<256x256xf32>, vector<512x256xf32>, vector<256x512xf32> -> vector<256x512xf32>
    %mul3A_8 = arith.constant 512 : i32
    %mul3A_9 = arith.muli %arg1, %mul3A_8 : i32
    %iota3A = tpu.iota {dimensions = array<i32: 1>} : vector<256x512xi32>
    %add3A = vector.broadcast %mul3A_9 : i32 to vector<256x512xi32>
    %add3A_10 = arith.addi %add3A, %iota3A : vector<256x512xi32>
    %lt3A = arith.constant 10000 : i32
    %lt3A_11 = vector.broadcast %lt3A : i32 to vector<256x512xi32>
    %lt3A_12 = arith.cmpi slt, %add3A_10, %lt3A_11 : vector<256x512xi32>
    %jit3A = arith.constant -1.000000e+30 : f32
    %broadcast_in_dim3A = vector.broadcast %jit3A : f32 to vector<256x512xf32>
    %select_n3A = arith.select %lt3A_12, %dot_general3A_7, %broadcast_in_dim3A : vector<256x512xi1>, vector<256x512xf32>
    %swap3A = arith.constant 0 : index
    %swap3A_13 = arith.constant 0 : index
    %swap3A_14 = vector.load %arg4[%swap3A, %swap3A_13] : memref<256x512xf32, #tpu.memory_space<vmem>>, vector<256x512xf32>
    tpu.vector_store %arg4[%swap3A, %swap3A_13], %select_n3A {strides = array<i32>} : memref<256x512xf32, #tpu.memory_space<vmem>>, vector<256x512xf32>,
    return
  }
  func.func @transform_0(%arg0: i32, %arg1: i32) -> (i32, i32) {
    %c0_i32 = arith.constant 0 : i32
    %c0_i32_0 = arith.constant 0 : i32
    return %arg0, %c0_i32 : i32, i32
  }
  func.func @transform_1(%arg0: i32, %arg1: i32) -> (i32, i32) {
    %c0_i32 = arith.constant 0 : i32
    %c0_i32_0 = arith.constant 0 : i32
    return %arg1, %c0_i32 : i32, i32
  }
  func.func @transform_2(%arg0: i32, %arg1: i32) -> (i32, i32) {
    %c0_i32 = arith.constant 0 : i32
    return %arg0, %arg1 : i32, i32
  }
}

module attributes {stable_mosaic.version = 14 : i64} {
  func.func @_mlp_body(%arg0: i32, %arg1: memref<512x1024xf32, #tpu.memory_space<vmem>>, %arg2: memref<1024x256xf32, #tpu.memory_space<vmem>>, %arg3: memref<1x256xf32, #tpu.memory_space<vmem>>, %arg4: memref<256x256xf32, #tpu.memory_space<vmem>>, %arg5: memref<1x256xf32, #tpu.memory_space<vmem>>, %arg6: memref<256x256xf32, #tpu.memory_space<vmem>>, %arg7: memref<1x256xf32, #tpu.memory_space<vmem>>, %arg8: memref<256x256xf32, #tpu.memory_space<vmem>>, %arg9: memref<1x256xf32, #tpu.memory_space<vmem>>, %arg10: memref<512x256xf32, #tpu.memory_space<vmem>>, %arg11: memref<512x256xf32, #tpu.memory_space<vmem>>) attributes {dimension_semantics = [#tpu.dimension_semantics<arbitrary>], iteration_bounds = array<i64: 20>, scalar_prefetch = 0 : i64, scratch_operands = 0 : i64, tpu.core_type = #tpu.core_type<tc>, window_params = [{transform_indices = @transform_0, window_bounds = array<i64: 512, 1024>}, {pipeline_mode = #tpu.pipeline_mode<synchronous>, transform_indices = @transform_1, window_bounds = array<i64: 1024, 256>}, {pipeline_mode = #tpu.pipeline_mode<synchronous>, transform_indices = @transform_2, window_bounds = array<i64: 1, 256>}, {pipeline_mode = #tpu.pipeline_mode<synchronous>, transform_indices = @transform_3, window_bounds = array<i64: 256, 256>}, {pipeline_mode = #tpu.pipeline_mode<synchronous>, transform_indices = @transform_4, window_bounds = array<i64: 1, 256>}, {pipeline_mode = #tpu.pipeline_mode<synchronous>, transform_indices = @transform_5, window_bounds = array<i64: 256, 256>}, {pipeline_mode = #tpu.pipeline_mode<synchronous>, transform_indices = @transform_6, window_bounds = array<i64: 1, 256>}, {pipeline_mode = #tpu.pipeline_mode<synchronous>, transform_indices = @transform_7, window_bounds = array<i64: 256, 256>}, {pipeline_mode = #tpu.pipeline_mode<synchronous>, transform_indices = @transform_8, window_bounds = array<i64: 1, 256>}, {transform_indices = @transform_9, window_bounds = array<i64: 512, 256>}, {transform_indices = @transform_10, window_bounds = array<i64: 512, 256>}]} {
    %get3A = arith.constant 0 : index
    %get3A_0 = arith.constant 0 : index
    %get3A_1 = vector.load %arg1[%get3A, %get3A_0] : memref<512x1024xf32, #tpu.memory_space<vmem>>, vector<512x1024xf32>
    %get3A_2 = arith.constant 0 : index
    %get3A_3 = arith.constant 0 : index
    %get3A_4 = vector.load %arg2[%get3A_2, %get3A_3] : memref<1024x256xf32, #tpu.memory_space<vmem>>, vector<1024x256xf32>
    %dot_general3A = arith.constant dense<0.000000e+00> : vector<512x256xf32>
    %dot_general3A_5 = tpu.matmul %get3A_1, %get3A_4, %dot_general3A {dimension_numbers = #tpu.dot_dimension_numbers<[1], [0], [0], [1], [0, 0, 1, 1], [], []>, transpose_lhs_hint = false} : vector<512x1024xf32>, vector<1024x256xf32>, vector<512x256xf32> -> vector<512x256xf32>
    %get3A_6 = arith.constant 0 : index
    %get3A_7 = arith.constant 0 : index
    %get3A_8 = vector.load %arg3[%get3A_6, %get3A_7] : memref<1x256xf32, #tpu.memory_space<vmem>>, vector<1x256xf32>
    %add3A = vector.broadcast %get3A_8 : vector<1x256xf32> to vector<512x256xf32>
    %add3A_9 = arith.addf %dot_general3A_5, %add3A : vector<512x256xf32>
    %max3A = arith.constant 0.000000e+00 : f32
    %max3A_10 = vector.broadcast %max3A : f32 to vector<512x256xf32>
    %max3A_11 = arith.maximumf %add3A_9, %max3A_10 : vector<512x256xf32>
    %get3A_12 = arith.constant 0 : index
    %get3A_13 = arith.constant 0 : index
    %get3A_14 = vector.load %arg4[%get3A_12, %get3A_13] : memref<256x256xf32, #tpu.memory_space<vmem>>, vector<256x256xf32>
    %dot_general3A_15 = arith.constant dense<0.000000e+00> : vector<512x256xf32>
    %dot_general3A_16 = tpu.matmul %max3A_11, %get3A_14, %dot_general3A_15 {dimension_numbers = #tpu.dot_dimension_numbers<[1], [0], [0], [1], [0, 0, 1, 1], [], []>, transpose_lhs_hint = false} : vector<512x256xf32>, vector<256x256xf32>, vector<512x256xf32> -> vector<512x256xf32>
    %get3A_17 = arith.constant 0 : index
    %get3A_18 = arith.constant 0 : index
    %get3A_19 = vector.load %arg5[%get3A_17, %get3A_18] : memref<1x256xf32, #tpu.memory_space<vmem>>, vector<1x256xf32>
    %add3A_20 = vector.broadcast %get3A_19 : vector<1x256xf32> to vector<512x256xf32>
    %add3A_21 = arith.addf %dot_general3A_16, %add3A_20 : vector<512x256xf32>
    %max3A_22 = arith.constant 0.000000e+00 : f32
    %max3A_23 = vector.broadcast %max3A_22 : f32 to vector<512x256xf32>
    %max3A_24 = arith.maximumf %add3A_21, %max3A_23 : vector<512x256xf32>
    %get3A_25 = arith.constant 0 : index
    %get3A_26 = arith.constant 0 : index
    %get3A_27 = vector.load %arg6[%get3A_25, %get3A_26] : memref<256x256xf32, #tpu.memory_space<vmem>>, vector<256x256xf32>
    %dot_general3A_28 = arith.constant dense<0.000000e+00> : vector<512x256xf32>
    %dot_general3A_29 = tpu.matmul %max3A_24, %get3A_27, %dot_general3A_28 {dimension_numbers = #tpu.dot_dimension_numbers<[1], [0], [0], [1], [0, 0, 1, 1], [], []>, transpose_lhs_hint = false} : vector<512x256xf32>, vector<256x256xf32>, vector<512x256xf32> -> vector<512x256xf32>
    %get3A_30 = arith.constant 0 : index
    %get3A_31 = arith.constant 0 : index
    %get3A_32 = vector.load %arg7[%get3A_30, %get3A_31] : memref<1x256xf32, #tpu.memory_space<vmem>>, vector<1x256xf32>
    %add3A_33 = vector.broadcast %get3A_32 : vector<1x256xf32> to vector<512x256xf32>
    %add3A_34 = arith.addf %dot_general3A_29, %add3A_33 : vector<512x256xf32>
    %swap3A = arith.constant 0 : index
    %swap3A_35 = arith.constant 0 : index
    %swap3A_36 = vector.load %arg10[%swap3A, %swap3A_35] : memref<512x256xf32, #tpu.memory_space<vmem>>, vector<512x256xf32>
    tpu.vector_store %arg10[%swap3A, %swap3A_35], %add3A_34 {strides = array<i32>} : memref<512x256xf32, #tpu.memory_space<vmem>>, vector<512x256xf32>,
    %get3A_37 = arith.constant 0 : index
    %get3A_38 = arith.constant 0 : index
    %get3A_39 = vector.load %arg8[%get3A_37, %get3A_38] : memref<256x256xf32, #tpu.memory_space<vmem>>, vector<256x256xf32>
    %dot_general3A_40 = arith.constant dense<0.000000e+00> : vector<512x256xf32>
    %dot_general3A_41 = tpu.matmul %max3A_24, %get3A_39, %dot_general3A_40 {dimension_numbers = #tpu.dot_dimension_numbers<[1], [0], [0], [1], [0, 0, 1, 1], [], []>, transpose_lhs_hint = false} : vector<512x256xf32>, vector<256x256xf32>, vector<512x256xf32> -> vector<512x256xf32>
    %get3A_42 = arith.constant 0 : index
    %get3A_43 = arith.constant 0 : index
    %get3A_44 = vector.load %arg9[%get3A_42, %get3A_43] : memref<1x256xf32, #tpu.memory_space<vmem>>, vector<1x256xf32>
    %add3A_45 = vector.broadcast %get3A_44 : vector<1x256xf32> to vector<512x256xf32>
    %add3A_46 = arith.addf %dot_general3A_41, %add3A_45 : vector<512x256xf32>
    %swap3A_47 = arith.constant 0 : index
    %swap3A_48 = arith.constant 0 : index
    %swap3A_49 = vector.load %arg11[%swap3A_47, %swap3A_48] : memref<512x256xf32, #tpu.memory_space<vmem>>, vector<512x256xf32>
    tpu.vector_store %arg11[%swap3A_47, %swap3A_48], %add3A_46 {strides = array<i32>} : memref<512x256xf32, #tpu.memory_space<vmem>>, vector<512x256xf32>,
    return
  }
  func.func @transform_0(%arg0: i32) -> (i32, i32) {
    %c0_i32 = arith.constant 0 : i32
    %c0_i32_0 = arith.constant 0 : i32
    return %arg0, %c0_i32 : i32, i32
  }
  func.func @transform_1(%arg0: i32) -> (i32, i32) {
    %c0_i32 = arith.constant 0 : i32
    %c0_i32_0 = arith.constant 0 : i32
    %c0_i32_1 = arith.constant 0 : i32
    return %c0_i32, %c0_i32_0 : i32, i32
  }
  func.func @transform_2(%arg0: i32) -> (i32, i32) {
    %c0_i32 = arith.constant 0 : i32
    %c0_i32_0 = arith.constant 0 : i32
    %c0_i32_1 = arith.constant 0 : i32
    return %c0_i32, %c0_i32_0 : i32, i32
  }
  func.func @transform_3(%arg0: i32) -> (i32, i32) {
    %c0_i32 = arith.constant 0 : i32
    %c0_i32_0 = arith.constant 0 : i32
    %c0_i32_1 = arith.constant 0 : i32
    return %c0_i32, %c0_i32_0 : i32, i32
  }
  func.func @transform_4(%arg0: i32) -> (i32, i32) {
    %c0_i32 = arith.constant 0 : i32
    %c0_i32_0 = arith.constant 0 : i32
    %c0_i32_1 = arith.constant 0 : i32
    return %c0_i32, %c0_i32_0 : i32, i32
  }
  func.func @transform_5(%arg0: i32) -> (i32, i32) {
    %c0_i32 = arith.constant 0 : i32
    %c0_i32_0 = arith.constant 0 : i32
    %c0_i32_1 = arith.constant 0 : i32
    return %c0_i32, %c0_i32_0 : i32, i32
  }
  func.func @transform_6(%arg0: i32) -> (i32, i32) {
    %c0_i32 = arith.constant 0 : i32
    %c0_i32_0 = arith.constant 0 : i32
    %c0_i32_1 = arith.constant 0 : i32
    return %c0_i32, %c0_i32_0 : i32, i32
  }
  func.func @transform_7(%arg0: i32) -> (i32, i32) {
    %c0_i32 = arith.constant 0 : i32
    %c0_i32_0 = arith.constant 0 : i32
    %c0_i32_1 = arith.constant 0 : i32
    return %c0_i32, %c0_i32_0 : i32, i32
  }
  func.func @transform_8(%arg0: i32) -> (i32, i32) {
    %c0_i32 = arith.constant 0 : i32
    %c0_i32_0 = arith.constant 0 : i32
    %c0_i32_1 = arith.constant 0 : i32
    return %c0_i32, %c0_i32_0 : i32, i32
  }
  func.func @transform_9(%arg0: i32) -> (i32, i32) {
    %c0_i32 = arith.constant 0 : i32
    %c0_i32_0 = arith.constant 0 : i32
    return %arg0, %c0_i32 : i32, i32
  }
  func.func @transform_10(%arg0: i32) -> (i32, i32) {
    %c0_i32 = arith.constant 0 : i32
    %c0_i32_0 = arith.constant 0 : i32
    return %arg0, %c0_i32 : i32, i32
  }
}

module attributes {stable_mosaic.version = 14 : i64} {
  func.func @_agg_body(%arg0: i32, %arg1: memref<256x256xf32, #tpu.memory_space<vmem>>, %arg2: memref<256x32xf32, #tpu.memory_space<vmem>>, %arg3: memref<256x32x256xf32, #tpu.memory_space<vmem>>, %arg4: memref<256x256xf32, #tpu.memory_space<vmem>>, %arg5: memref<1x256xf32, #tpu.memory_space<vmem>>, %arg6: memref<256x256xf32, #tpu.memory_space<vmem>>, %arg7: memref<1x256xf32, #tpu.memory_space<vmem>>, %arg8: memref<256x128xf32, #tpu.memory_space<vmem>>, %arg9: memref<1x128xf32, #tpu.memory_space<vmem>>, %arg10: memref<128x1xf32, #tpu.memory_space<vmem>>, %arg11: memref<1x1xf32, #tpu.memory_space<vmem>>, %arg12: memref<256x256xf32, #tpu.memory_space<vmem>>, %arg13: memref<256x1xf32, #tpu.memory_space<vmem>>) attributes {dimension_semantics = [#tpu.dimension_semantics<arbitrary>], iteration_bounds = array<i64: 40>, scalar_prefetch = 0 : i64, scratch_operands = 0 : i64, tpu.core_type = #tpu.core_type<tc>, window_params = [{transform_indices = @transform_0, window_bounds = array<i64: 256, 256>}, {transform_indices = @transform_1, window_bounds = array<i64: 256, 32>}, {transform_indices = @transform_2, window_bounds = array<i64: 256, 32, 256>}, {pipeline_mode = #tpu.pipeline_mode<synchronous>, transform_indices = @transform_3, window_bounds = array<i64: 256, 256>}, {pipeline_mode = #tpu.pipeline_mode<synchronous>, transform_indices = @transform_4, window_bounds = array<i64: 1, 256>}, {pipeline_mode = #tpu.pipeline_mode<synchronous>, transform_indices = @transform_5, window_bounds = array<i64: 256, 256>}, {pipeline_mode = #tpu.pipeline_mode<synchronous>, transform_indices = @transform_6, window_bounds = array<i64: 1, 256>}, {pipeline_mode = #tpu.pipeline_mode<synchronous>, transform_indices = @transform_7, window_bounds = array<i64: 256, 128>}, {pipeline_mode = #tpu.pipeline_mode<synchronous>, transform_indices = @transform_8, window_bounds = array<i64: 1, 128>}, {pipeline_mode = #tpu.pipeline_mode<synchronous>, transform_indices = @transform_9, window_bounds = array<i64: 128, 1>}, {pipeline_mode = #tpu.pipeline_mode<synchronous>, transform_indices = @transform_10, window_bounds = array<i64: 1, 1>}, {transform_indices = @transform_11, window_bounds = array<i64: 256, 256>}, {transform_indices = @transform_12, window_bounds = array<i64: 256, 1>}]} {
    %get3A = arith.constant 0 : index
    %get3A_0 = arith.constant 0 : index
    %get3A_1 = vector.load %arg1[%get3A, %get3A_0] : memref<256x256xf32, #tpu.memory_space<vmem>>, vector<256x256xf32>
    %get3A_2 = arith.constant 0 : index
    %get3A_3 = arith.constant 0 : index
    %get3A_4 = vector.load %arg2[%get3A_2, %get3A_3] : memref<256x32xf32, #tpu.memory_space<vmem>>, vector<256x32xf32>
    %get3A_5 = arith.constant 0 : index
    %get3A_6 = arith.constant 0 : index
    %get3A_7 = arith.constant 0 : index
    %get3A_8 = vector.load %arg3[%get3A_5, %get3A_6, %get3A_7] : memref<256x32x256xf32, #tpu.memory_space<vmem>>, vector<256x32x256xf32>
    %iota3A = tpu.iota {dimensions = array<i32: 1>} : vector<256x32xi32>
    %lt3A = arith.constant 30 : i32
    %lt3A_9 = vector.broadcast %lt3A : i32 to vector<256x32xi32>
    %lt3A_10 = arith.cmpi slt, %iota3A, %lt3A_9 : vector<256x32xi32>
    %jit3A = arith.constant -1.000000e+30 : f32
    %broadcast_in_dim3A = vector.broadcast %jit3A : f32 to vector<256x32xf32>
    %select_n3A = arith.select %lt3A_10, %get3A_4, %broadcast_in_dim3A : vector<256x32xi1>, vector<256x32xf32>
    %reduce_max3A = arith.constant dense<0xFF800000> : vector<256xf32>
    %reduce_max3A_11 = vector.multi_reduction <maximumf>, %select_n3A, %reduce_max3A [1] : vector<256x32xf32> to vector<256xf32>
    %max3A = arith.constant 0xFF800000 : f32
    %max3A_12 = vector.broadcast %max3A : f32 to vector<256xf32>
    %max3A_13 = arith.maximumf %max3A_12, %reduce_max3A_11 : vector<256xf32>
    %broadcast_in_dim3A_14 = vector.shape_cast %max3A_13 : vector<256xf32> to vector<256x1xf32>
    %sub3A = vector.broadcast %broadcast_in_dim3A_14 : vector<256x1xf32> to vector<256x32xf32>
    %sub3A_15 = arith.subf %select_n3A, %sub3A : vector<256x32xf32>
    %exp3A = math.exp %sub3A_15 : vector<256x32xf32>
    %reduce_sum3A = arith.constant dense<0.000000e+00> : vector<256xf32>
    %reduce_sum3A_16 = vector.multi_reduction <add>, %exp3A, %reduce_sum3A [1] : vector<256x32xf32> to vector<256xf32>
    %broadcast_in_dim3A_17 = vector.shape_cast %reduce_sum3A_16 : vector<256xf32> to vector<256x1xf32>
    %div3A = vector.broadcast %broadcast_in_dim3A_17 : vector<256x1xf32> to vector<256x32xf32>
    %div3A_18 = arith.divf %exp3A, %div3A : vector<256x32xf32>
    %reduce_sum3A_19 = arith.constant dense<0.000000e+00> : vector<256x32xf32>
    %reduce_sum3A_20 = vector.multi_reduction <add>, %get3A_8, %reduce_sum3A_19 [2] : vector<256x32x256xf32> to vector<256x32xf32>
    %sub3A_21 = arith.constant 2.000000e+00 : f32
    %sub3A_22 = vector.broadcast %sub3A_21 : f32 to vector<256x32xf32>
    %sub3A_23 = arith.subf %sub3A_22, %div3A_18 : vector<256x32xf32>
    %broadcast_in_dim3A_24 = vector.shape_cast %sub3A_23 : vector<256x32xf32> to vector<256x32x1xf32>
    %broadcast_in_dim3A_25 = vector.shape_cast %get3A_1 : vector<256x256xf32> to vector<256x1x256xf32>
    %mul3A = vector.broadcast %broadcast_in_dim3A_24 : vector<256x32x1xf32> to vector<256x32x256xf32>
    %mul3A_26 = vector.broadcast %broadcast_in_dim3A_25 : vector<256x1x256xf32> to vector<256x32x256xf32>
    %mul3A_27 = arith.mulf %mul3A, %mul3A_26 : vector<256x32x256xf32>
    %broadcast_in_dim3A_28 = vector.shape_cast %div3A_18 : vector<256x32xf32> to vector<256x32x1xf32>
    %mul3A_29 = vector.broadcast %broadcast_in_dim3A_28 : vector<256x32x1xf32> to vector<256x32x256xf32>
    %mul3A_30 = arith.mulf %mul3A_29, %get3A_8 : vector<256x32x256xf32>
    %add3A = arith.addf %mul3A_27, %mul3A_30 : vector<256x32x256xf32>
    %tanh3A = math.tanh %add3A : vector<256x32x256xf32>
    %reduce_sum3A_31 = arith.constant dense<0.000000e+00> : vector<256x32xf32>
    %reduce_sum3A_32 = vector.multi_reduction <add>, %tanh3A, %reduce_sum3A_31 [2] : vector<256x32x256xf32> to vector<256x32xf32>
    %mul3A_33 = arith.mulf %reduce_sum3A_20, %reduce_sum3A_32 : vector<256x32xf32>
    %jit3A_34 = arith.constant -1.000000e+30 : f32
    %broadcast_in_dim3A_35 = vector.broadcast %jit3A_34 : f32 to vector<256x32xf32>
    %select_n3A_36 = arith.select %lt3A_10, %mul3A_33, %broadcast_in_dim3A_35 : vector<256x32xi1>, vector<256x32xf32>
    %reduce_max3A_37 = arith.constant dense<0xFF800000> : vector<256xf32>
    %reduce_max3A_38 = vector.multi_reduction <maximumf>, %select_n3A_36, %reduce_max3A_37 [1] : vector<256x32xf32> to vector<256xf32>
    %max3A_39 = arith.constant 0xFF800000 : f32
    %max3A_40 = vector.broadcast %max3A_39 : f32 to vector<256xf32>
    %max3A_41 = arith.maximumf %max3A_40, %reduce_max3A_38 : vector<256xf32>
    %broadcast_in_dim3A_42 = vector.shape_cast %max3A_41 : vector<256xf32> to vector<256x1xf32>
    %sub3A_43 = vector.broadcast %broadcast_in_dim3A_42 : vector<256x1xf32> to vector<256x32xf32>
    %sub3A_44 = arith.subf %select_n3A_36, %sub3A_43 : vector<256x32xf32>
    %exp3A_45 = math.exp %sub3A_44 : vector<256x32xf32>
    %reduce_sum3A_46 = arith.constant dense<0.000000e+00> : vector<256xf32>
    %reduce_sum3A_47 = vector.multi_reduction <add>, %exp3A_45, %reduce_sum3A_46 [1] : vector<256x32xf32> to vector<256xf32>
    %broadcast_in_dim3A_48 = vector.shape_cast %reduce_sum3A_47 : vector<256xf32> to vector<256x1xf32>
    %div3A_49 = vector.broadcast %broadcast_in_dim3A_48 : vector<256x1xf32> to vector<256x32xf32>
    %div3A_50 = arith.divf %exp3A_45, %div3A_49 : vector<256x32xf32>
    %broadcast_in_dim3A_51 = vector.shape_cast %div3A_50 : vector<256x32xf32> to vector<256x32x1xf32>
    %mul3A_52 = vector.broadcast %broadcast_in_dim3A_51 : vector<256x32x1xf32> to vector<256x32x256xf32>
    %mul3A_53 = arith.mulf %mul3A_52, %get3A_8 : vector<256x32x256xf32>
    %reduce_sum3A_54 = arith.constant dense<0.000000e+00> : vector<256x256xf32>
    %reduce_sum3A_55 = vector.multi_reduction <add>, %mul3A_53, %reduce_sum3A_54 [1] : vector<256x32x256xf32> to vector<256x256xf32>
    %add3A_56 = arith.addf %get3A_1, %reduce_sum3A_55 : vector<256x256xf32>
    %get3A_57 = arith.constant 0 : index
    %get3A_58 = arith.constant 0 : index
    %get3A_59 = vector.load %arg4[%get3A_57, %get3A_58] : memref<256x256xf32, #tpu.memory_space<vmem>>, vector<256x256xf32>
    %dot_general3A = arith.constant dense<0.000000e+00> : vector<256x256xf32>
    %dot_general3A_60 = tpu.matmul %add3A_56, %get3A_59, %dot_general3A {dimension_numbers = #tpu.dot_dimension_numbers<[1], [0], [0], [1], [0, 0, 1, 1], [], []>, transpose_lhs_hint = false} : vector<256x256xf32>, vector<256x256xf32>, vector<256x256xf32> -> vector<256x256xf32>
    %get3A_61 = arith.constant 0 : index
    %get3A_62 = arith.constant 0 : index
    %get3A_63 = vector.load %arg5[%get3A_61, %get3A_62] : memref<1x256xf32, #tpu.memory_space<vmem>>, vector<1x256xf32>
    %add3A_64 = vector.broadcast %get3A_63 : vector<1x256xf32> to vector<256x256xf32>
    %add3A_65 = arith.addf %dot_general3A_60, %add3A_64 : vector<256x256xf32>
    %max3A_66 = arith.constant 0.000000e+00 : f32
    %max3A_67 = vector.broadcast %max3A_66 : f32 to vector<256x256xf32>
    %max3A_68 = arith.maximumf %add3A_65, %max3A_67 : vector<256x256xf32>
    %mul3A_69 = arith.mulf %get3A_1, %reduce_sum3A_55 : vector<256x256xf32>
    %get3A_70 = arith.constant 0 : index
    %get3A_71 = arith.constant 0 : index
    %get3A_72 = vector.load %arg6[%get3A_70, %get3A_71] : memref<256x256xf32, #tpu.memory_space<vmem>>, vector<256x256xf32>
    %dot_general3A_73 = arith.constant dense<0.000000e+00> : vector<256x256xf32>
    %dot_general3A_74 = tpu.matmul %mul3A_69, %get3A_72, %dot_general3A_73 {dimension_numbers = #tpu.dot_dimension_numbers<[1], [0], [0], [1], [0, 0, 1, 1], [], []>, transpose_lhs_hint = false} : vector<256x256xf32>, vector<256x256xf32>, vector<256x256xf32> -> vector<256x256xf32>
    %get3A_75 = arith.constant 0 : index
    %get3A_76 = arith.constant 0 : index
    %get3A_77 = vector.load %arg7[%get3A_75, %get3A_76] : memref<1x256xf32, #tpu.memory_space<vmem>>, vector<1x256xf32>
    %add3A_78 = vector.broadcast %get3A_77 : vector<1x256xf32> to vector<256x256xf32>
    %add3A_79 = arith.addf %dot_general3A_74, %add3A_78 : vector<256x256xf32>
    %max3A_80 = arith.constant 0.000000e+00 : f32
    %max3A_81 = vector.broadcast %max3A_80 : f32 to vector<256x256xf32>
    %max3A_82 = arith.maximumf %add3A_79, %max3A_81 : vector<256x256xf32>
    %add3A_83 = arith.addf %max3A_68, %max3A_82 : vector<256x256xf32>
    %get3A_84 = arith.constant 0 : index
    %get3A_85 = arith.constant 0 : index
    %get3A_86 = vector.load %arg8[%get3A_84, %get3A_85] : memref<256x128xf32, #tpu.memory_space<vmem>>, vector<256x128xf32>
    %dot_general3A_87 = arith.constant dense<0.000000e+00> : vector<256x128xf32>
    %dot_general3A_88 = tpu.matmul %add3A_83, %get3A_86, %dot_general3A_87 {dimension_numbers = #tpu.dot_dimension_numbers<[1], [0], [0], [1], [0, 0, 1, 1], [], []>, transpose_lhs_hint = false} : vector<256x256xf32>, vector<256x128xf32>, vector<256x128xf32> -> vector<256x128xf32>
    %get3A_89 = arith.constant 0 : index
    %get3A_90 = arith.constant 0 : index
    %get3A_91 = vector.load %arg9[%get3A_89, %get3A_90] : memref<1x128xf32, #tpu.memory_space<vmem>>, vector<1x128xf32>
    %add3A_92 = vector.broadcast %get3A_91 : vector<1x128xf32> to vector<256x128xf32>
    %add3A_93 = arith.addf %dot_general3A_88, %add3A_92 : vector<256x128xf32>
    %gt3A = arith.constant 0.000000e+00 : f32
    %gt3A_94 = vector.broadcast %gt3A : f32 to vector<256x128xf32>
    %gt3A_95 = arith.cmpf ogt, %add3A_93, %gt3A_94 : vector<256x128xf32>
    %mul3A_96 = arith.constant 0.00999999977 : f32
    %mul3A_97 = vector.broadcast %mul3A_96 : f32 to vector<256x128xf32>
    %mul3A_98 = arith.mulf %mul3A_97, %add3A_93 : vector<256x128xf32>
    %select_n3A_99 = arith.select %gt3A_95, %add3A_93, %mul3A_98 : vector<256x128xi1>, vector<256x128xf32>
    %get3A_100 = arith.constant 0 : index
    %get3A_101 = arith.constant 0 : index
    %get3A_102 = vector.load %arg10[%get3A_100, %get3A_101] : memref<128x1xf32, #tpu.memory_space<vmem>>, vector<128x1xf32>
    %dot_general3A_103 = arith.constant dense<0.000000e+00> : vector<256x1xf32>
    %dot_general3A_104 = tpu.matmul %select_n3A_99, %get3A_102, %dot_general3A_103 {dimension_numbers = #tpu.dot_dimension_numbers<[1], [0], [0], [1], [0, 0, 1, 1], [], []>, transpose_lhs_hint = false} : vector<256x128xf32>, vector<128x1xf32>, vector<256x1xf32> -> vector<256x1xf32>
    %get3A_105 = arith.constant 0 : index
    %get3A_106 = arith.constant 0 : index
    %get3A_107 = vector.load %arg11[%get3A_105, %get3A_106] : memref<1x1xf32, #tpu.memory_space<vmem>>, vector<1x1xf32>
    %add3A_108 = vector.broadcast %get3A_107 : vector<1x1xf32> to vector<256x1xf32>
    %add3A_109 = arith.addf %dot_general3A_104, %add3A_108 : vector<256x1xf32>
    %swap3A = arith.constant 0 : index
    %swap3A_110 = arith.constant 0 : index
    %swap3A_111 = vector.load %arg12[%swap3A, %swap3A_110] : memref<256x256xf32, #tpu.memory_space<vmem>>, vector<256x256xf32>
    tpu.vector_store %arg12[%swap3A, %swap3A_110], %add3A_83 {strides = array<i32>} : memref<256x256xf32, #tpu.memory_space<vmem>>, vector<256x256xf32>,
    %swap3A_112 = arith.constant 0 : index
    %swap3A_113 = arith.constant 0 : index
    %swap3A_114 = vector.load %arg13[%swap3A_112, %swap3A_113] : memref<256x1xf32, #tpu.memory_space<vmem>>, vector<256x1xf32>
    tpu.vector_store %arg13[%swap3A_112, %swap3A_113], %add3A_109 {strides = array<i32>} : memref<256x1xf32, #tpu.memory_space<vmem>>, vector<256x1xf32>,
    return
  }
  func.func @transform_0(%arg0: i32) -> (i32, i32) {
    %c0_i32 = arith.constant 0 : i32
    %c0_i32_0 = arith.constant 0 : i32
    return %arg0, %c0_i32 : i32, i32
  }
  func.func @transform_1(%arg0: i32) -> (i32, i32) {
    %c0_i32 = arith.constant 0 : i32
    %c0_i32_0 = arith.constant 0 : i32
    return %arg0, %c0_i32 : i32, i32
  }
  func.func @transform_2(%arg0: i32) -> (i32, i32, i32) {
    %c0_i32 = arith.constant 0 : i32
    %c0_i32_0 = arith.constant 0 : i32
    %c0_i32_1 = arith.constant 0 : i32
    return %arg0, %c0_i32, %c0_i32_0 : i32, i32, i32
  }
  func.func @transform_3(%arg0: i32) -> (i32, i32) {
    %c0_i32 = arith.constant 0 : i32
    %c0_i32_0 = arith.constant 0 : i32
    %c0_i32_1 = arith.constant 0 : i32
    return %c0_i32, %c0_i32_0 : i32, i32
  }
  func.func @transform_4(%arg0: i32) -> (i32, i32) {
    %c0_i32 = arith.constant 0 : i32
    %c0_i32_0 = arith.constant 0 : i32
    %c0_i32_1 = arith.constant 0 : i32
    return %c0_i32, %c0_i32_0 : i32, i32
  }
  func.func @transform_5(%arg0: i32) -> (i32, i32) {
    %c0_i32 = arith.constant 0 : i32
    %c0_i32_0 = arith.constant 0 : i32
    %c0_i32_1 = arith.constant 0 : i32
    return %c0_i32, %c0_i32_0 : i32, i32
  }
  func.func @transform_6(%arg0: i32) -> (i32, i32) {
    %c0_i32 = arith.constant 0 : i32
    %c0_i32_0 = arith.constant 0 : i32
    %c0_i32_1 = arith.constant 0 : i32
    return %c0_i32, %c0_i32_0 : i32, i32
  }
  func.func @transform_7(%arg0: i32) -> (i32, i32) {
    %c0_i32 = arith.constant 0 : i32
    %c0_i32_0 = arith.constant 0 : i32
    %c0_i32_1 = arith.constant 0 : i32
    return %c0_i32, %c0_i32_0 : i32, i32
  }
  func.func @transform_8(%arg0: i32) -> (i32, i32) {
    %c0_i32 = arith.constant 0 : i32
    %c0_i32_0 = arith.constant 0 : i32
    %c0_i32_1 = arith.constant 0 : i32
    return %c0_i32, %c0_i32_0 : i32, i32
  }
  func.func @transform_9(%arg0: i32) -> (i32, i32) {
    %c0_i32 = arith.constant 0 : i32
    %c0_i32_0 = arith.constant 0 : i32
    %c0_i32_1 = arith.constant 0 : i32
    return %c0_i32, %c0_i32_0 : i32, i32
  }
  func.func @transform_10(%arg0: i32) -> (i32, i32) {
    %c0_i32 = arith.constant 0 : i32
    %c0_i32_0 = arith.constant 0 : i32
    %c0_i32_1 = arith.constant 0 : i32
    return %c0_i32, %c0_i32_0 : i32, i32
  }
  func.func @transform_11(%arg0: i32) -> (i32, i32) {
    %c0_i32 = arith.constant 0 : i32
    %c0_i32_0 = arith.constant 0 : i32
    return %arg0, %c0_i32 : i32, i32
  }
  func.func @transform_12(%arg0: i32) -> (i32, i32) {
    %c0_i32 = arith.constant 0 : i32
    %c0_i32_0 = arith.constant 0 : i32
    return %arg0, %c0_i32 : i32, i32
  }
}

module attributes {stable_mosaic.version = 14 : i64} {
  func.func @_readout_body(%arg0: memref<10240x1xf32, #tpu.memory_space<vmem>>, %arg1: memref<10240x256xf32, #tpu.memory_space<vmem>>, %arg2: memref<1x256xf32, #tpu.memory_space<vmem>>) attributes {dimension_semantics = [], scalar_prefetch = 0 : i64, scratch_operands = 0 : i64, tpu.core_type = #tpu.core_type<tc>} {
    %iota3A = tpu.iota {dimensions = array<i32: 0>} : vector<10240x1xi32>
    %lt3A = arith.constant 10000 : i32
    %lt3A_0 = vector.broadcast %lt3A : i32 to vector<10240x1xi32>
    %lt3A_1 = arith.cmpi slt, %iota3A, %lt3A_0 : vector<10240x1xi32>
    %get3A = arith.constant 0 : index
    %get3A_2 = arith.constant 0 : index
    %get3A_3 = vector.load %arg0[%get3A, %get3A_2] : memref<10240x1xf32, #tpu.memory_space<vmem>>, vector<10240x1xf32>
    %jit3A = arith.constant -1.000000e+30 : f32
    %broadcast_in_dim3A = vector.broadcast %jit3A : f32 to vector<10240x1xf32>
    %select_n3A = arith.select %lt3A_1, %get3A_3, %broadcast_in_dim3A : vector<10240x1xi1>, vector<10240x1xf32>
    %reduce_max3A = vector.shape_cast %select_n3A : vector<10240x1xf32> to vector<1x10240x1xf32>
    %reduce_max3A_4 = arith.constant dense<0xFF800000> : vector<1xf32>
    %reduce_max3A_5 = vector.multi_reduction <maximumf>, %reduce_max3A, %reduce_max3A_4 [1, 2] : vector<1x10240x1xf32> to vector<1xf32>
    %reduce_max3A_6 = vector.shape_cast %reduce_max3A_5 : vector<1xf32> to vector<1x1x1xf32>
    %reduce_max3A_7 = vector.extract %reduce_max3A_6[0, 0, 0] : f32 from vector<1x1x1xf32>
    %sub3A = vector.broadcast %reduce_max3A_7 : f32 to vector<10240x1xf32>
    %sub3A_8 = arith.subf %select_n3A, %sub3A : vector<10240x1xf32>
    %exp3A = math.exp %sub3A_8 : vector<10240x1xf32>
    %reduce_sum3A = vector.shape_cast %exp3A : vector<10240x1xf32> to vector<1x10240x1xf32>
    %reduce_sum3A_9 = arith.constant dense<0.000000e+00> : vector<1xf32>
    %reduce_sum3A_10 = vector.multi_reduction <add>, %reduce_sum3A, %reduce_sum3A_9 [1, 2] : vector<1x10240x1xf32> to vector<1xf32>
    %reduce_sum3A_11 = vector.shape_cast %reduce_sum3A_10 : vector<1xf32> to vector<1x1x1xf32>
    %reduce_sum3A_12 = vector.extract %reduce_sum3A_11[0, 0, 0] : f32 from vector<1x1x1xf32>
    %div3A = vector.broadcast %reduce_sum3A_12 : f32 to vector<10240x1xf32>
    %div3A_13 = arith.divf %exp3A, %div3A : vector<10240x1xf32>
    %get3A_14 = arith.constant 0 : index
    %get3A_15 = arith.constant 0 : index
    %get3A_16 = vector.load %arg1[%get3A_14, %get3A_15] : memref<10240x256xf32, #tpu.memory_space<vmem>>, vector<10240x256xf32>
    %mul3A = vector.broadcast %div3A_13 : vector<10240x1xf32> to vector<10240x256xf32>
    %mul3A_17 = arith.mulf %mul3A, %get3A_16 : vector<10240x256xf32>
    %reduce_sum3A_18 = arith.constant dense<0.000000e+00> : vector<256xf32>
    %reduce_sum3A_19 = vector.multi_reduction <add>, %mul3A_17, %reduce_sum3A_18 [0] : vector<10240x256xf32> to vector<256xf32>
    %broadcast_in_dim3A_20 = vector.shape_cast %reduce_sum3A_19 : vector<256xf32> to vector<1x256xf32>
    %swap3A = arith.constant 0 : index
    %swap3A_21 = arith.constant 0 : index
    %swap3A_22 = vector.load %arg2[%swap3A, %swap3A_21] : memref<1x256xf32, #tpu.memory_space<vmem>>, vector<1x256xf32>
    tpu.vector_store %arg2[%swap3A, %swap3A_21], %broadcast_in_dim3A_20 {strides = array<i32>} : memref<1x256xf32, #tpu.memory_space<vmem>>, vector<1x256xf32>,
    return
  }
}

</mosaic_0001>

<sc_bundles>
// kernel: kernel.11.cloned.1.call-start
scs
__scs_entry_jumppad:
0x0: {  	(pc) =	sbr.rel $0x88, $3  }
0x1: {  	(tag) =	ssettag $0x0;
	lr =	simm.s32 $0x1  }
0x2: {  	[smem:$0x3F90] =	sst lr;
	_ =	strace $0xD0000000  }
0x3: {  	_ = 	snop  }
0x4: {  	_ = 	snop  }
0x5: {  	_ = 	snop  }
0x6: {  	_ = 	snop  }
0x7: {  	_ = 	snop  }
__scs_overlays_trampoline_lowered:
0x8: {  	[smem:$0x3F9F] =	sst s0  }
0x9: {  	[smem:$0x3FA0] =	sst s1  }
0xa: {  	[smem:$0x3FA1] =	sst s2  }
0xb: {  	[smem:$0x3FA2] =	sst s3  }
0xc: {  	[smem:$0x3FA3] =	sst s4  }
0xd: {  	[smem:$0x3FA4] =	sst s5  }
0xe: {  	[smem:$0x3FA5] =	sst s6  }
0xf: {  	[smem:$0x3FA6] =	sst s7  }
0x10: {  	[smem:$0x3FA7] =	sst s8  }
0x11: {  	[smem:$0x3FA8] =	sst s9;
	s0 =	simm.s32 @!p0 $0x0  }
0x12: {  	s1 =	sld [smem:$0x3F8E];
	s0 =	simm.s32 @p0 $0x1  }
0x13: {  	[smem:$0x3FA9] =	sst s0;
	s0 =	simm.s32 @!p1 $0x0  }
0x14: {  	s2 =	sld [smem:$0x3F8D];
	s0 =	simm.s32 @p1 $0x1  }
0x15: {  	[smem:$0x3FAA] =	sst s0;
	s0 =	simm.s32 @!p2 $0x0  }
0x16: {  	s3 =	sld [smem:$0x3FDB];
	s0 =	simm.s32 @p2 $0x1  }
0x17: {  	s4 =	simm.s32 $0x1BF5;
	[smem:$0x3FAC] =	sst s0  }
0x18: {  	s0 =	sld [smem:$0x3F8F];
	_ =	swait.ge [sflag:s4], $0x0  }
0x19: {  	s7 =	sld [smem:$0x3F90]  }
0x1a: {  	s8 =	sadd.s32 $0xFFFFE003, lr  }
0x1b: {  	s9 =	sadd.s32 $0xFFFFFEF7, lr;
	s5 =	simm.s32 $0xFFFFFFFF;
	p2 =	slt.u32 s8, $0xFFFFF086  }
0x1c: {  	p1 =	slt.u32 s9, $0xF7A;
	s5 =	simm.s32 @!p2 $0x0  }
0x1d: {  	s5 =	simm.s32 @p1 $0x1;
	p0 =	seq.s32 s7, s2  }
0x1e: {  	s7 =	smul.u32 @!p0 $0xF7A, s2;
	p2 =	seq.s32 @!p0 s5, $0x0  }
0x1f: {  	s9 =	smul.u32 $0xF7A, s1;
	s8 =	simm.s32 @!p0 $0x1BF5;
	p2 =	por !p2, p0  }
0x20: {  	[sflag:s8] =	ssyncset.s32 @!p0 $0xFFFFF086;
	s6 =	sadd.s32 @!p0 s3, s7;
	s7 =	simm.s32 @!p0 $0x108  }
0x21: {  	s3 =	sadd.s32 s3, s9;
	s6 =	sadd.s32 @!p0 $0x88, s6;
	s7 =	simm.s32 @p2 $0x1082  }
0x22: {  	[simem:s7], [sflag:s8] =	dma.local @!p0 [hbm:s6], $0xF7A  }
0x23: {  	s9 =	sor.u32 $0xD0000000, s2;
	s6 =	simm.s32 $0x108;
	_ =	swait.ge @!p0 [sflag:s8], $0x0  }
0x24: {  	s3 =	sadd.s32 $0x88, s3;
	s6 =	simm.s32 @!p1 $0x1082;
	[sflag:s4] =	ssyncset.s32 $0xFFFFF086  }
0x25: {  	[simem:s6], [sflag:s4] =	dma.local [hbm:s3], $0xF7A  }
0x26: {  	[smem:$0x3F90] =	sst s1;
	(tag) =	ssettag s2;
	_ =	strace s9  }
0x27: {  	s1 =	sld [smem:$0x3FA0]  }
0x28: {  	s2 =	sld [smem:$0x3FA1]  }
0x29: {  	s4 =	sld [smem:$0x3FA3]  }
0x2a: {  	p0 =	seq.s32 s5, $0x0;
	s5 =	sld [smem:$0x3FA4]  }
0x2b: {  	s6 =	sld [smem:$0x3FA5]  }
0x2c: {  	s7 =	sld [smem:$0x3FA6]  }
0x2d: {  	s3 =	simm.s32 $0x108;
	s8 =	sld [smem:$0x3FA7]  }
0x2e: {  	s3 =	simm.s32 @!p0 $0x1082;
	s9 =	sld [smem:$0x3FA8]  }
0x2f: {  	lr =	sadd.s32 s0, s3;
	s0 =	sld [smem:$0x3F9F]  }
0x30: {  	s3 =	sld [smem:$0x3FA2]  }
0x31: {  	[smem:$0x3FAB] =	sst s10  }
0x32: {  	s10 =	sld [smem:$0x3FA9];
	_ =	sdelay $0x3  }
0x33: {  	p0 =	seq.s32 s10, $0x1;
	s10 =	sld [smem:$0x3FAB];
	_ =	sdelay $0x3  }
0x34: {  	[smem:$0x3FAB] =	sst s10  }
0x35: {  	s10 =	sld [smem:$0x3FAA];
	_ =	sdelay $0x3  }
0x36: {  	p1 =	seq.s32 s10, $0x1;
	s10 =	sld [smem:$0x3FAB];
	_ =	sdelay $0x3  }
0x37: {  	[smem:$0x3FAB] =	sst s10  }
0x38: {  	s10 =	sld [smem:$0x3FAC]  }
0x39: {  	_ = 	snop;
	(pc) =	sbr.ind lr, $3  }
0x3a: {  	_ = 	snop  }
0x3b: {  	_ = 	snop  }
0x3c: {  	p2 =	seq.s32 s10, $0x1;
	s10 =	sld [smem:$0x3FAB]  }
0x3d: {  	_ =	shalt  }
0x3e: {  	_ =	shalt  }
0x3f: {  	_ =	shalt  }
0x40: {  	_ =	shalt  }
0x41: {  	_ =	shalt  }
0x42: {  	_ =	shalt  }
0x43: {  	_ =	shalt  }
0x44: {  	_ =	shalt  }
0x45: {  	_ =	shalt  }
0x46: {  	_ =	shalt  }
0x47: {  	_ =	shalt  }
0x48: {  	_ =	shalt  }
0x49: {  	_ =	shalt  }
0x4a: {  	_ =	shalt  }
0x4b: {  	_ =	shalt  }
0x4c: {  	_ =	shalt  }
0x4d: {  	_ =	shalt  }
0x4e: {  	_ =	shalt  }
0x4f: {  	_ =	shalt  }
0x50: {  	_ =	shalt  }
0x51: {  	_ =	shalt  }
0x52: {  	_ =	shalt  }
0x53: {  	_ =	shalt  }
0x54: {  	_ =	shalt  }
0x55: {  	_ =	shalt  }
0x56: {  	_ =	shalt  }
0x57: {  	_ =	shalt  }
0x58: {  	_ =	shalt  }
0x59: {  	_ =	shalt  }
0x5a: {  	_ =	shalt  }
0x5b: {  	_ =	shalt  }
0x5c: {  	_ =	shalt  }
0x5d: {  	_ =	shalt  }
0x5e: {  	_ =	shalt  }
0x5f: {  	_ =	shalt  }
0x60: {  	_ =	shalt  }
0x61: {  	_ =	shalt  }
0x62: {  	_ =	shalt  }
0x63: {  	_ =	shalt  }
0x64: {  	_ =	shalt  }
0x65: {  	_ =	shalt  }
0x66: {  	_ =	shalt  }
0x67: {  	_ =	shalt  }
0x68: {  	_ =	shalt  }
0x69: {  	_ =	shalt  }
0x6a: {  	_ =	shalt  }
0x6b: {  	_ =	shalt  }
0x6c: {  	_ =	shalt  }
0x6d: {  	_ =	shalt  }
0x6e: {  	_ =	shalt  }
0x6f: {  	_ =	shalt  }
0x70: {  	_ =	shalt  }
0x71: {  	_ =	shalt  }
0x72: {  	_ =	shalt  }
0x73: {  	_ =	shalt  }
0x74: {  	_ =	shalt  }
0x75: {  	_ =	shalt  }
0x76: {  	_ =	shalt  }
0x77: {  	_ =	shalt  }
0x78: {  	_ =	shalt  }
0x79: {  	_ =	shalt  }
0x7a: {  	_ =	shalt  }
0x7b: {  	_ =	shalt  }
0x7c: {  	_ =	shalt  }
0x7d: {  	_ =	shalt  }
0x7e: {  	_ =	shalt  }
0x7f: {  	_ =	shalt  }
0x80: {  	_ =	shalt  }
0x81: {  	_ =	shalt  }
0x82: {  	_ =	shalt  }
0x83: {  	_ =	shalt  }
0x84: {  	_ =	shalt  }
0x85: {  	_ =	shalt  }
0x86: {  	_ =	shalt  }
0x87: {  	_ =	shalt  }
.Lfunc_end0:
.L_simem_size_0:
called_computation.1_lowered:
.L_overlay_start_0:
0x88: {  	s2 =	sld [smem:$0x3FD9]  }
0x89: {  	s3 =	sld [smem:$0x3FFE];
	_ =	sdelay $0x1  }
0x8a: {  	s1 =	srdreg.scid  }
0x8b: {  	s0 =	sand.u32 $0x1, s1  }
0x8c: {  	s16 =	sshll.u32 s0, $0xA;
	s2 =	sadd.s32 s3, s2  }
0x8d: {  	s2 =	sadd.s32 s2, s16  }
0x8e: {  	[smem:$0x3FB7] =	sst s2  }
0x8f: {  	_ = 	snop  }
0x90: {  	(tm) =	ssettm $0x1  }
0x91: {  	s17 =	sld [smem:$0x3FFB];
	_ =	sdelay $0x3  }
0x92: {  	_ =	strace s17  }
0x93: {  	s2 =	sld [smem:$0x3FFC];
	_ =	sdelay $0x3  }
0x94: {  	_ =	strace s2  }
0x95: {  	s2 =	sld [smem:$0x3FFD];
	_ =	sdelay $0x3  }
0x96: {  	_ =	strace s2  }
0x97: {  	_ =	strace $0x8FFFFFFF  }
0x98: {  	s18 =	sld [smem:$0x3FDB];
	_ =	sdelay $0x1  }
0x99: {  	s19 =	simm.s32 $_scs_section_size  }
0x9a: {  	s4 =	simm.s32 $_size__tile_overlayer_lowered;
	s5 =	simm.s32 $_tile_overlayer_lowered  }
0x9b: {  	s22 =	simm.s32 $0x1BFF;
	s21 =	sshll.u32 s5, $0x1;
	s2 =	sadd.s32 s19, s18  }
0x9c: {  	s6 =	simm.s32 $0x0;
	s20 =	sshll.u32 s4, $0x1;
	s4 =	sadd.s32 s21, s2  }
0x9d: {  	[timem:s6], [sflag:s22] =	dma.local [hbm:s4], s20  }
0x9e: {  	_ =	swait.ge [sflag:s22], s20  }
0x9f: {  	s3 =	ssub.s32 $0x0, s20;
	[sflag:s22] =	ssyncset.done $0x0  }
0xa0: {  	[sflag:s22] =	ssyncadd.s32 s3;
	_ =	sdelay $0x1  }
0xa1: {  	s23 =	simm.s32 $0x1B8B  }
0xa2: {  	_ =	swait.ge [sflag:s23], $0x1  }
0xa3: {  	[sflag:s23] =	ssyncset.done $0x0  }
0xa4: {  	s25 =	simm.s32 $0x1B8E;
	s24 =	sld [smem:$0x3FFE];
	[sflag:s23] =	ssyncadd.s32 $0xFFFFFFFF  }
0xa5: {  	s26 =	simm.s32 $execute0_lowered;
	[smem:$0x3FD2] =	sst s25  }
0xa6: {  	s4 =	sshll.u32 s26, $0x1;
	_ =	strace $0x80000049;
	[dreg:$0x1] =	wrdreg $0xFFFFFFFF  }
0xa7: {  	s28 =	simm.s32 $_size_execute0_lowered;
	s2 =	sadd.s32 s2, s4;
	[dreg:$0x0] =	wrdreg $0x0  }
0xa8: {  	s4 =	sshll.u32 s28, $0x1;
	[dreg:$0x2] =	wrdreg s2  }
0xa9: {  	[dreg:$0x3] =	wrdreg s4  }
0xaa: {  	[dreg:$0x4] =	wrdreg $0xC0  }
0xab: {  	_ =	task [dreg:s6], $0x5FFFF  }
0xac: {  	[dreg:$0x1] =	wrdreg $0xFFFFFFFF  }
0xad: {  	[dreg:$0x0] =	wrdreg $0x60  }
0xae: {  	[dreg:$0x2] =	wrdreg s24  }
0xaf: {  	[dreg:$0x3] =	wrdreg $0x9  }
0xb0: {  	_ =	task.clear_ibuf [dreg:s6], $0x4FFFF;
	_ =	strace $0x90000049  }
0xb1: {  	s29 =	simm.s32 $0x9;
	_ =	strace $0x8000004B  }
0xb2: {  	_ =	swait.ge [sflag:s29], $0x1  }
0xb3: {  	[sflag:s29] =	ssyncadd.s32 $0xFFFFFFFF  }
0xb4: {  	_ =	strace $0x9000004B  }
0xb5: {  	_ =	sfence  }
0xb6: {  	s30 =	sld [smem:$0x0];
	_ =	sdelay $0x2  }
0xb7: {  	s31 =	sshll.u32 s1, $0xD;
	s1 =	sshrl.u32 s1, $0x2  }
0xb8: {  	s3 =	sand.u32 $0x4000, s31;
	s1 =	sadd.s32 s1, s30  }
0xb9: {  	s0 =	sor.u32 s3, s0;
	s1 =	sshll.u32 s1, $0x11  }
0xba: {  	s0 =	sor.u32 s1, s0  }
0xbb: {  	s0 =	sadd.s32 $0x8F2B, s0  }
0xbc: {  	[sflag:s0] =	ssyncadd.remote.s32 $0x1  }
0xbd: {  	_ =	sfence.sel $0xFFFF  }
0xbe: {  	[dreg:$0x0] =	wrdreg $0xFFFFFFFF;
	(pc) =	sbr.abs _section_cstart, $3  }
0xbf: {  	[dreg:$0x1] =	wrdreg $0xFFFFFFFF  }
0xc0: {  	_ =	task.clear_ibuf [dreg:s6], $0x2FFFF;
	_ =	strace $0x9FFFFFFF  }
0xc1: {  	(tm) =	ssettm $0x7FFFFFFF  }
tec
execute0_lowered:
.L_overlay_start_1:
0x0: {  	(tag) =	ssettag $0x1  }
0x1: {  	s4 =	rddreg [dreg:$0x0]  }
0x2: {  	s0 =	rddreg [dreg:$0x1];
	s2 =	simm.s32 $0x0;
	s3 =	srdreg.scid  }
0x3: {  	s1 =	stileid.u32;
	s10 =	simm.s32 $0x1080;
	s11 =	simm.s32 $0x1880  }
0x4: {  	s12 =	simm.s32 $0x2080;
	s13 =	simm.s32 $0x2880;
	s14 =	simm.s32 $0x3080  }
0x5: {  	s15 =	simm.s32 $0x3880;
	s16 =	simm.s32 $0x4080;
	s17 =	simm.s32 $0x4880  }
0x6: {  	s18 =	simm.s32 $0x5080;
	s19 =	simm.s32 $0x5880;
	s20 =	simm.s32 $0x6080  }
0x7: {  	s21 =	simm.s32 $0x6880;
	s22 =	simm.s32 $0x7080;
	s23 =	simm.s32 $0x7880  }
0x8: {  	s24 =	simm.s32 $0x1;
	s25 =	simm.s32 $0x0;
	s6 =	smul.u32 $0x5000, s1  }
0x9: {  	[smem:$0x7FF] =	sst s2;
	s5 =	sand.u32 $0x1, s3;
	s8 =	smul.u32 $0xA0000, s1  }
0xa: {  	s3 =	sadd.s32 $0x3400, s4;
	s7 =	smul.u32 $0x2800, s5;
	s9 =	ssub.s32 $0x2, s5  }
0xb: {  	_ =	strace $0x8000004A;
	s5 =	smul.u32 $0x50000, s5;
	s31 =	sshrl.u32 s9, $0x1  }
0xc: {  	s8 =	sadd.s32 s8, s4;
	s6 =	sadd.s32 s7, s6;
	s7 =	ssub.s32 s9, s31  }
0xd: {  	v2 =	vlaneseq.u32;
	s5 =	sadd.s32 s5, s8;
	s8 =	simm.s32 $0x80;
	s6 =	sshrl.u32 s6, $0x3  }
0xe: {  	vm0 =	vmmov $0xffff;
	v1 =	vshrl.u32 v2, $0x3;
	s9 =	simm.s32 $0x880;
	s5 =	sadd.s32 $0xAD400, s5;
	s6 =	sadd.s32 s6, s4  }
0xf: {  	v0 =	vand.u32 $0x7, v2;
	v2 =	vor.u32 $0x8, v2;
	v1 =	vmul.u32 $0x8, v1;
	s4 =	smax.u32 s7, $0x1;
	s7 =	simm.s32 $0x2;
	s6 =	sadd.s32 $0xA3400, s6  }
.LBB2_1:
0x10: {  	s26 =	smov.u32 s5;
	s28 =	simm.s32 $0x0  }
.LBB2_2:
0x11: {  	s29 =	sadd.s32 s28, s6  }
0x12: {  	[tilespmem:s2], [sflag:$0x2] =	stream.linear.gather [hbm4b:s29+s2], $0x80, $0x38;
	[tilespmem:$0x8080] =	vst v63  }
0x13: {  	_ =	swait.ge [sflag:s7], $0x80  }
0x14: {  	[sflag:s7] =	ssyncset.done $0x0  }
0x15: {  	[sflag:s7] =	ssyncadd.s32 $0xFFFFFF80  }
0x16: {  	v3 =	vld [tilespmem:$0x0];
	_ =	sdelay $0x4  }
0x17: {  	v4 =	vshll.u32 v3, $0x1  }
0x18: {  	v3 =	vand.u32 $0x7, v3;
	v4 =	vand.u32 $0xFFFFFFF0, v4  }
0x19: {  	v3 =	vor.u32 v3, v4  }
0x1a: {  	v4 =	vperm.xlane v3, v0;
	_ =	sdelay $0x1  }
0x1b: {  	v3 =	vperm.xlane v3, v2;
	v4 =	vadd.s32 v1, v4;
	_ =	sdelay $0x1  }
0x1c: {  	v3 =	vadd.s32 v1, v3;
	_ =	sdelay $0x2  }
0x1d: {  	[tilespmem:s8], [sflag:$0x1] =	stream.indirect_vreg.gather [hbm4b:s3+s2], $0x80, v4, vm0, $0xb8;
	[tilespmem:$0x8080] =	vst v63  }
0x1e: {  	_ = 	snop  }
0x1f: {  	[tilespmem:s9], [sflag:$0x1] =	stream.indirect_vreg.gather [hbm4b:s3+s2], $0x80, v3, vm0, $0xb8;
	[tilespmem:$0x8080] =	vst v63  }
0x20: {  	v3 =	vld [tilespmem:$0x10];
	_ =	sdelay $0x4  }
0x21: {  	v57 =	vshll.u32 v3, $0x1  }
0x22: {  	v3 =	vand.u32 $0x7, v3;
	v4 =	vand.u32 $0xFFFFFFF0, v57  }
0x23: {  	v3 =	vor.u32 v3, v4  }
0x24: {  	v4 =	vperm.xlane v3, v0;
	_ =	sdelay $0x1  }
0x25: {  	v3 =	vperm.xlane v3, v2;
	v4 =	vadd.s32 v1, v4;
	_ =	sdelay $0x1  }
0x26: {  	v3 =	vadd.s32 v1, v3;
	_ =	sdelay $0x2  }
0x27: {  	[tilespmem:s10], [sflag:$0x1] =	stream.indirect_vreg.gather [hbm4b:s3+s2], $0x80, v4, vm0, $0xb8;
	[tilespmem:$0x8080] =	vst v63  }
0x28: {  	_ = 	snop  }
0x29: {  	[tilespmem:s11], [sflag:$0x1] =	stream.indirect_vreg.gather [hbm4b:s3+s2], $0x80, v3, vm0, $0xb8;
	[tilespmem:$0x8080] =	vst v63  }
0x2a: {  	v3 =	vld [tilespmem:$0x20];
	_ =	sdelay $0x4  }
0x2b: {  	v58 =	vshll.u32 v3, $0x1  }
0x2c: {  	v3 =	vand.u32 $0x7, v3;
	v4 =	vand.u32 $0xFFFFFFF0, v58  }
0x2d: {  	v3 =	vor.u32 v3, v4  }
0x2e: {  	v4 =	vperm.xlane v3, v0;
	_ =	sdelay $0x1  }
0x2f: {  	v3 =	vperm.xlane v3, v2;
	v4 =	vadd.s32 v1, v4;
	_ =	sdelay $0x1  }
0x30: {  	v3 =	vadd.s32 v1, v3;
	_ =	sdelay $0x2  }
0x31: {  	[tilespmem:s12], [sflag:$0x1] =	stream.indirect_vreg.gather [hbm4b:s3+s2], $0x80, v4, vm0, $0xb8;
	[tilespmem:$0x8080] =	vst v63  }
0x32: {  	_ = 	snop  }
0x33: {  	[tilespmem:s13], [sflag:$0x1] =	stream.indirect_vreg.gather [hbm4b:s3+s2], $0x80, v3, vm0, $0xb8;
	[tilespmem:$0x8080] =	vst v63  }
0x34: {  	v3 =	vld [tilespmem:$0x30];
	_ =	sdelay $0x4  }
0x35: {  	v59 =	vshll.u32 v3, $0x1  }
0x36: {  	v3 =	vand.u32 $0x7, v3;
	v4 =	vand.u32 $0xFFFFFFF0, v59  }
0x37: {  	v3 =	vor.u32 v3, v4  }
0x38: {  	v4 =	vperm.xlane v3, v0;
	_ =	sdelay $0x1  }
0x39: {  	v3 =	vperm.xlane v3, v2;
	v4 =	vadd.s32 v1, v4;
	_ =	sdelay $0x1  }
0x3a: {  	v3 =	vadd.s32 v1, v3;
	_ =	sdelay $0x2  }
0x3b: {  	[tilespmem:s14], [sflag:$0x1] =	stream.indirect_vreg.gather [hbm4b:s3+s2], $0x80, v4, vm0, $0xb8;
	[tilespmem:$0x8080] =	vst v63  }
0x3c: {  	_ = 	snop  }
0x3d: {  	[tilespmem:s15], [sflag:$0x1] =	stream.indirect_vreg.gather [hbm4b:s3+s2], $0x80, v3, vm0, $0xb8;
	[tilespmem:$0x8080] =	vst v63  }
0x3e: {  	v3 =	vld [tilespmem:$0x40];
	_ =	sdelay $0x4  }
0x3f: {  	v60 =	vshll.u32 v3, $0x1  }
0x40: {  	v3 =	vand.u32 $0x7, v3;
	v4 =	vand.u32 $0xFFFFFFF0, v60  }
0x41: {  	v3 =	vor.u32 v3, v4  }
0x42: {  	v4 =	vperm.xlane v3, v0;
	_ =	sdelay $0x1  }
0x43: {  	v3 =	vperm.xlane v3, v2;
	v4 =	vadd.s32 v1, v4;
	_ =	sdelay $0x1  }
0x44: {  	v3 =	vadd.s32 v1, v3;
	_ =	sdelay $0x2  }
0x45: {  	[tilespmem:s16], [sflag:$0x1] =	stream.indirect_vreg.gather [hbm4b:s3+s2], $0x80, v4, vm0, $0xb8;
	[tilespmem:$0x8080] =	vst v63  }
0x46: {  	_ = 	snop  }
0x47: {  	[tilespmem:s17], [sflag:$0x1] =	stream.indirect_vreg.gather [hbm4b:s3+s2], $0x80, v3, vm0, $0xb8;
	[tilespmem:$0x8080] =	vst v63  }
0x48: {  	v3 =	vld [tilespmem:$0x50];
	_ =	sdelay $0x4  }
0x49: {  	v61 =	vshll.u32 v3, $0x1  }
0x4a: {  	v3 =	vand.u32 $0x7, v3;
	v4 =	vand.u32 $0xFFFFFFF0, v61  }
0x4b: {  	v3 =	vor.u32 v3, v4  }
0x4c: {  	v4 =	vperm.xlane v3, v0;
	_ =	sdelay $0x1  }
0x4d: {  	v3 =	vperm.xlane v3, v2;
	v4 =	vadd.s32 v1, v4;
	_ =	sdelay $0x1  }
0x4e: {  	v3 =	vadd.s32 v1, v3;
	_ =	sdelay $0x2  }
0x4f: {  	[tilespmem:s18], [sflag:$0x1] =	stream.indirect_vreg.gather [hbm4b:s3+s2], $0x80, v4, vm0, $0xb8;
	[tilespmem:$0x8080] =	vst v63  }
0x50: {  	_ = 	snop  }
0x51: {  	[tilespmem:s19], [sflag:$0x1] =	stream.indirect_vreg.gather [hbm4b:s3+s2], $0x80, v3, vm0, $0xb8;
	[tilespmem:$0x8080] =	vst v63  }
0x52: {  	v3 =	vld [tilespmem:$0x60];
	_ =	sdelay $0x4  }
0x53: {  	v62 =	vshll.u32 v3, $0x1  }
0x54: {  	v3 =	vand.u32 $0x7, v3;
	v4 =	vand.u32 $0xFFFFFFF0, v62  }
0x55: {  	v3 =	vor.u32 v3, v4  }
0x56: {  	v4 =	vperm.xlane v3, v0;
	_ =	sdelay $0x1  }
0x57: {  	v3 =	vperm.xlane v3, v2;
	v4 =	vadd.s32 v1, v4;
	_ =	sdelay $0x1  }
0x58: {  	v3 =	vadd.s32 v1, v3;
	_ =	sdelay $0x2  }
0x59: {  	[tilespmem:s20], [sflag:$0x1] =	stream.indirect_vreg.gather [hbm4b:s3+s2], $0x80, v4, vm0, $0xb8;
	[tilespmem:$0x8080] =	vst v63  }
0x5a: {  	_ = 	snop  }
0x5b: {  	[tilespmem:s21], [sflag:$0x1] =	stream.indirect_vreg.gather [hbm4b:s3+s2], $0x80, v3, vm0, $0xb8;
	[tilespmem:$0x8080] =	vst v63  }
0x5c: {  	v3 =	vld [tilespmem:$0x70];
	_ =	sdelay $0x4  }
0x5d: {  	v63 =	vshll.u32 v3, $0x1  }
0x5e: {  	v3 =	vand.u32 $0x7, v3;
	v4 =	vand.u32 $0xFFFFFFF0, v63  }
0x5f: {  	v3 =	vor.u32 v3, v4  }
0x60: {  	v4 =	vperm.xlane v3, v0;
	_ =	sdelay $0x1  }
0x61: {  	v3 =	vperm.xlane v3, v2;
	v4 =	vadd.s32 v1, v4;
	_ =	sdelay $0x1  }
0x62: {  	v3 =	vadd.s32 v1, v3;
	_ =	sdelay $0x2  }
0x63: {  	[tilespmem:s22], [sflag:$0x1] =	stream.indirect_vreg.gather [hbm4b:s3+s2], $0x80, v4, vm0, $0xb8;
	[tilespmem:$0x8080] =	vst v63  }
0x64: {  	_ = 	snop  }
0x65: {  	[tilespmem:s23], [sflag:$0x1] =	stream.indirect_vreg.gather [hbm4b:s3+s2], $0x80, v3, vm0, $0xb8;
	[tilespmem:$0x8080] =	vst v63  }
0x66: {  	_ =	swait.ge [sflag:s24], $0x8000  }
0x67: {  	p0 =	sne.s32 s28, $0x4F0;
	[sflag:s24] =	ssyncset.done $0x0  }
.Ltmp0:
0x68: {  	[sflag:s24] =	ssyncadd.s32 $0xFFFF8000;
	(pc) =	sbr.rel @p0 .LBB2_2-.Ltmp0, $4  }
0x69: {  	[hbm4b:s26+s2] =	stream.linear.scatter [tilespmem:s8], [sflag:$0x2], $0x8000, $0x38;
	[tilespmem:$0x8080] =	vst v63  }
0x6a: {  	_ =	swait.ge [sflag:s7], $0x8000  }
0x6b: {  	[sflag:s7] =	ssyncset.done $0x0  }
0x6c: {  	s28 =	sadd.s32 $0x10, s28;
	s26 =	sadd.s32 $0x1000, s26;
	[sflag:s7] =	ssyncadd.s32 $0xFFFF8000  }
0x6d: {  	s25 =	sadd.s32 $0x1, s25  }
0x6e: {  	p0 =	sne.s32 s25, s4  }
.Ltmp1:
0x6f: {  	_ = 	snop;
	(pc) =	sbr.rel @p0 .LBB2_1-.Ltmp1, $1  }
0x70: {  	_ =	sdelay $0x3  }
0x71: {  	_ =	sfence.sel $0x180000  }
0x72: {  	[bflag:$0x0] =	sbarrier.arrive $0xFFFF  }
0x73: {  	p0 =	sne.s32 s1, $0x0;
	_ =	strace $0x9000004A  }
0x74: {  	s0 =	sadd.s32 @!p0 $0x100000, s0;
	[bflag:$0x2] =	sbarrier.arrive $0xFFFF  }
0x75: {  	[sflag:s0] =	ssyncadd.tile.s32 @!p0 $0x1;
	_ =	shalt  }
.Lfunc_end2:
_tile_overlayer_lowered:
.L_overlay_start_2:
0x76: {  	(tag) =	ssettag $0x2  }
0x77: {  	s0 =	rddreg [dreg:$0x0];
	s2 =	stileid.u32  }
0x78: {  	s1 =	rddreg [dreg:$0x1];
	p0 =	sne.s32 s2, $0x0  }
0x79: {  	s3 =	rddreg [dreg:$0x2];
	[bflag:$0x3] =	sbarrier.arrive $0xFFFF;
	s2 =	simm.s32 @!p0 $0x1C02  }
0x7a: {  	[timem:s3], [sflag:s2] =	dma.local @!p0 [hbm:s0], s1  }
0x7b: {  	s0 =	simm.s32 @!p0 $0x2  }
0x7c: {  	_ =	swait.ge @!p0 [sflag:s0], s1  }
0x7d: {  	s1 =	ssub.s32 @!p0 $0x0, s1;
	[sflag:s0] =	ssyncset.done @!p0 $0x0  }
0x7e: {  	[sflag:s0] =	ssyncadd.s32 @!p0 s1  }
0x7f: {  	[bflag:$0x3] =	sbarrier.arrive $0xFFFF  }
0x80: {  	_ =	shalt  }

// kernel: kernel.8.cloned.1.call-start
scs
__scs_entry_jumppad:
0x0: {  	(pc) =	sbr.rel $0x88, $3  }
0x1: {  	(tag) =	ssettag $0x0;
	lr =	simm.s32 $0x1  }
0x2: {  	[smem:$0x3F90] =	sst lr;
	_ =	strace $0xD0000000  }
0x3: {  	_ = 	snop  }
0x4: {  	_ = 	snop  }
0x5: {  	_ = 	snop  }
0x6: {  	_ = 	snop  }
0x7: {  	_ = 	snop  }
__scs_overlays_trampoline_lowered:
0x8: {  	[smem:$0x3F9F] =	sst s0  }
0x9: {  	[smem:$0x3FA0] =	sst s1  }
0xa: {  	[smem:$0x3FA1] =	sst s2  }
0xb: {  	[smem:$0x3FA2] =	sst s3  }
0xc: {  	[smem:$0x3FA3] =	sst s4  }
0xd: {  	[smem:$0x3FA4] =	sst s5  }
0xe: {  	[smem:$0x3FA5] =	sst s6  }
0xf: {  	[smem:$0x3FA6] =	sst s7  }
0x10: {  	[smem:$0x3FA7] =	sst s8  }
0x11: {  	[smem:$0x3FA8] =	sst s9;
	s0 =	simm.s32 @!p0 $0x0  }
0x12: {  	s1 =	sld [smem:$0x3F8E];
	s0 =	simm.s32 @p0 $0x1  }
0x13: {  	[smem:$0x3FA9] =	sst s0;
	s0 =	simm.s32 @!p1 $0x0  }
0x14: {  	s2 =	sld [smem:$0x3F8D];
	s0 =	simm.s32 @p1 $0x1  }
0x15: {  	[smem:$0x3FAA] =	sst s0;
	s0 =	simm.s32 @!p2 $0x0  }
0x16: {  	s3 =	sld [smem:$0x3FDB];
	s0 =	simm.s32 @p2 $0x1  }
0x17: {  	s4 =	simm.s32 $0x1BF5;
	[smem:$0x3FAC] =	sst s0  }
0x18: {  	s0 =	sld [smem:$0x3F8F];
	_ =	swait.ge [sflag:s4], $0x0  }
0x19: {  	s7 =	sld [smem:$0x3F90]  }
0x1a: {  	s8 =	sadd.s32 $0xFFFFE003, lr  }
0x1b: {  	s9 =	sadd.s32 $0xFFFFFEF7, lr;
	s5 =	simm.s32 $0xFFFFFFFF;
	p2 =	slt.u32 s8, $0xFFFFF086  }
0x1c: {  	p1 =	slt.u32 s9, $0xF7A;
	s5 =	simm.s32 @!p2 $0x0  }
0x1d: {  	s5 =	simm.s32 @p1 $0x1;
	p0 =	seq.s32 s7, s2  }
0x1e: {  	s7 =	smul.u32 @!p0 $0xF7A, s2;
	p2 =	seq.s32 @!p0 s5, $0x0  }
0x1f: {  	s9 =	smul.u32 $0xF7A, s1;
	s8 =	simm.s32 @!p0 $0x1BF5;
	p2 =	por !p2, p0  }
0x20: {  	[sflag:s8] =	ssyncset.s32 @!p0 $0xFFFFF086;
	s6 =	sadd.s32 @!p0 s3, s7;
	s7 =	simm.s32 @!p0 $0x108  }
0x21: {  	s3 =	sadd.s32 s3, s9;
	s6 =	sadd.s32 @!p0 $0x88, s6;
	s7 =	simm.s32 @p2 $0x1082  }
0x22: {  	[simem:s7], [sflag:s8] =	dma.local @!p0 [hbm:s6], $0xF7A  }
0x23: {  	s9 =	sor.u32 $0xD0000000, s2;
	s6 =	simm.s32 $0x108;
	_ =	swait.ge @!p0 [sflag:s8], $0x0  }
0x24: {  	s3 =	sadd.s32 $0x88, s3;
	s6 =	simm.s32 @!p1 $0x1082;
	[sflag:s4] =	ssyncset.s32 $0xFFFFF086  }
0x25: {  	[simem:s6], [sflag:s4] =	dma.local [hbm:s3], $0xF7A  }
0x26: {  	[smem:$0x3F90] =	sst s1;
	(tag) =	ssettag s2;
	_ =	strace s9  }
0x27: {  	s1 =	sld [smem:$0x3FA0]  }
0x28: {  	s2 =	sld [smem:$0x3FA1]  }
0x29: {  	s4 =	sld [smem:$0x3FA3]  }
0x2a: {  	p0 =	seq.s32 s5, $0x0;
	s5 =	sld [smem:$0x3FA4]  }
0x2b: {  	s6 =	sld [smem:$0x3FA5]  }
0x2c: {  	s7 =	sld [smem:$0x3FA6]  }
0x2d: {  	s3 =	simm.s32 $0x108;
	s8 =	sld [smem:$0x3FA7]  }
0x2e: {  	s3 =	simm.s32 @!p0 $0x1082;
	s9 =	sld [smem:$0x3FA8]  }
0x2f: {  	lr =	sadd.s32 s0, s3;
	s0 =	sld [smem:$0x3F9F]  }
0x30: {  	s3 =	sld [smem:$0x3FA2]  }
0x31: {  	[smem:$0x3FAB] =	sst s10  }
0x32: {  	s10 =	sld [smem:$0x3FA9];
	_ =	sdelay $0x3  }
0x33: {  	p0 =	seq.s32 s10, $0x1;
	s10 =	sld [smem:$0x3FAB];
	_ =	sdelay $0x3  }
0x34: {  	[smem:$0x3FAB] =	sst s10  }
0x35: {  	s10 =	sld [smem:$0x3FAA];
	_ =	sdelay $0x3  }
0x36: {  	p1 =	seq.s32 s10, $0x1;
	s10 =	sld [smem:$0x3FAB];
	_ =	sdelay $0x3  }
0x37: {  	[smem:$0x3FAB] =	sst s10  }
0x38: {  	s10 =	sld [smem:$0x3FAC]  }
0x39: {  	_ = 	snop;
	(pc) =	sbr.ind lr, $3  }
0x3a: {  	_ = 	snop  }
0x3b: {  	_ = 	snop  }
0x3c: {  	p2 =	seq.s32 s10, $0x1;
	s10 =	sld [smem:$0x3FAB]  }
0x3d: {  	_ =	shalt  }
0x3e: {  	_ =	shalt  }
0x3f: {  	_ =	shalt  }
0x40: {  	_ =	shalt  }
0x41: {  	_ =	shalt  }
0x42: {  	_ =	shalt  }
0x43: {  	_ =	shalt  }
0x44: {  	_ =	shalt  }
0x45: {  	_ =	shalt  }
0x46: {  	_ =	shalt  }
0x47: {  	_ =	shalt  }
0x48: {  	_ =	shalt  }
0x49: {  	_ =	shalt  }
0x4a: {  	_ =	shalt  }
0x4b: {  	_ =	shalt  }
0x4c: {  	_ =	shalt  }
0x4d: {  	_ =	shalt  }
0x4e: {  	_ =	shalt  }
0x4f: {  	_ =	shalt  }
0x50: {  	_ =	shalt  }
0x51: {  	_ =	shalt  }
0x52: {  	_ =	shalt  }
0x53: {  	_ =	shalt  }
0x54: {  	_ =	shalt  }
0x55: {  	_ =	shalt  }
0x56: {  	_ =	shalt  }
0x57: {  	_ =	shalt  }
0x58: {  	_ =	shalt  }
0x59: {  	_ =	shalt  }
0x5a: {  	_ =	shalt  }
0x5b: {  	_ =	shalt  }
0x5c: {  	_ =	shalt  }
0x5d: {  	_ =	shalt  }
0x5e: {  	_ =	shalt  }
0x5f: {  	_ =	shalt  }
0x60: {  	_ =	shalt  }
0x61: {  	_ =	shalt  }
0x62: {  	_ =	shalt  }
0x63: {  	_ =	shalt  }
0x64: {  	_ =	shalt  }
0x65: {  	_ =	shalt  }
0x66: {  	_ =	shalt  }
0x67: {  	_ =	shalt  }
0x68: {  	_ =	shalt  }
0x69: {  	_ =	shalt  }
0x6a: {  	_ =	shalt  }
0x6b: {  	_ =	shalt  }
0x6c: {  	_ =	shalt  }
0x6d: {  	_ =	shalt  }
0x6e: {  	_ =	shalt  }
0x6f: {  	_ =	shalt  }
0x70: {  	_ =	shalt  }
0x71: {  	_ =	shalt  }
0x72: {  	_ =	shalt  }
0x73: {  	_ =	shalt  }
0x74: {  	_ =	shalt  }
0x75: {  	_ =	shalt  }
0x76: {  	_ =	shalt  }
0x77: {  	_ =	shalt  }
0x78: {  	_ =	shalt  }
0x79: {  	_ =	shalt  }
0x7a: {  	_ =	shalt  }
0x7b: {  	_ =	shalt  }
0x7c: {  	_ =	shalt  }
0x7d: {  	_ =	shalt  }
0x7e: {  	_ =	shalt  }
0x7f: {  	_ =	shalt  }
0x80: {  	_ =	shalt  }
0x81: {  	_ =	shalt  }
0x82: {  	_ =	shalt  }
0x83: {  	_ =	shalt  }
0x84: {  	_ =	shalt  }
0x85: {  	_ =	shalt  }
0x86: {  	_ =	shalt  }
0x87: {  	_ =	shalt  }
.Lfunc_end0:
.L_simem_size_0:
called_computation_lowered:
.L_overlay_start_0:
0x88: {  	s2 =	sld [smem:$0x3FD9]  }
0x89: {  	s3 =	sld [smem:$0x3FFE];
	_ =	sdelay $0x1  }
0x8a: {  	s1 =	srdreg.scid  }
0x8b: {  	s0 =	sand.u32 $0x1, s1  }
0x8c: {  	s16 =	sshll.u32 s0, $0xA;
	s2 =	sadd.s32 s3, s2  }
0x8d: {  	s2 =	sadd.s32 s2, s16  }
0x8e: {  	[smem:$0x3FB7] =	sst s2  }
0x8f: {  	_ = 	snop  }
0x90: {  	(tm) =	ssettm $0x1  }
0x91: {  	s17 =	sld [smem:$0x3FFB];
	_ =	sdelay $0x3  }
0x92: {  	_ =	strace s17  }
0x93: {  	s2 =	sld [smem:$0x3FFC];
	_ =	sdelay $0x3  }
0x94: {  	_ =	strace s2  }
0x95: {  	s2 =	sld [smem:$0x3FFD];
	_ =	sdelay $0x3  }
0x96: {  	_ =	strace s2  }
0x97: {  	_ =	strace $0x8FFFFFFF  }
0x98: {  	s18 =	sld [smem:$0x3FDB];
	_ =	sdelay $0x1  }
0x99: {  	s19 =	simm.s32 $_scs_section_size  }
0x9a: {  	s4 =	simm.s32 $_size__tile_overlayer_lowered;
	s5 =	simm.s32 $_tile_overlayer_lowered  }
0x9b: {  	s22 =	simm.s32 $0x1BFF;
	s21 =	sshll.u32 s5, $0x1;
	s2 =	sadd.s32 s19, s18  }
0x9c: {  	s6 =	simm.s32 $0x0;
	s20 =	sshll.u32 s4, $0x1;
	s4 =	sadd.s32 s21, s2  }
0x9d: {  	[timem:s6], [sflag:s22] =	dma.local [hbm:s4], s20  }
0x9e: {  	_ =	swait.ge [sflag:s22], s20  }
0x9f: {  	s3 =	ssub.s32 $0x0, s20;
	[sflag:s22] =	ssyncset.done $0x0  }
0xa0: {  	[sflag:s22] =	ssyncadd.s32 s3;
	_ =	sdelay $0x1  }
0xa1: {  	s23 =	simm.s32 $0x1B8B  }
0xa2: {  	_ =	swait.ge [sflag:s23], $0x1  }
0xa3: {  	[sflag:s23] =	ssyncset.done $0x0  }
0xa4: {  	s25 =	simm.s32 $0x1B8E;
	s24 =	sld [smem:$0x3FFE];
	[sflag:s23] =	ssyncadd.s32 $0xFFFFFFFF  }
0xa5: {  	s26 =	simm.s32 $execute0_lowered;
	[smem:$0x3FD2] =	sst s25  }
0xa6: {  	s4 =	sshll.u32 s26, $0x1;
	_ =	strace $0x80000046;
	[dreg:$0x1] =	wrdreg $0xFFFFFFFF  }
0xa7: {  	s28 =	simm.s32 $_size_execute0_lowered;
	s2 =	sadd.s32 s2, s4;
	[dreg:$0x0] =	wrdreg $0x0  }
0xa8: {  	s4 =	sshll.u32 s28, $0x1;
	[dreg:$0x2] =	wrdreg s2  }
0xa9: {  	[dreg:$0x3] =	wrdreg s4  }
0xaa: {  	[dreg:$0x4] =	wrdreg $0xC0  }
0xab: {  	_ =	task [dreg:s6], $0x5FFFF  }
0xac: {  	[dreg:$0x1] =	wrdreg $0xFFFFFFFF  }
0xad: {  	[dreg:$0x0] =	wrdreg $0x60  }
0xae: {  	[dreg:$0x2] =	wrdreg s24  }
0xaf: {  	[dreg:$0x3] =	wrdreg $0x9  }
0xb0: {  	_ =	task.clear_ibuf [dreg:s6], $0x4FFFF;
	_ =	strace $0x90000046  }
0xb1: {  	s29 =	simm.s32 $0x9;
	_ =	strace $0x80000048  }
0xb2: {  	_ =	swait.ge [sflag:s29], $0x1  }
0xb3: {  	[sflag:s29] =	ssyncadd.s32 $0xFFFFFFFF  }
0xb4: {  	_ =	strace $0x90000048  }
0xb5: {  	_ =	sfence  }
0xb6: {  	s30 =	sld [smem:$0x0];
	_ =	sdelay $0x2  }
0xb7: {  	s31 =	sshll.u32 s1, $0xD;
	s1 =	sshrl.u32 s1, $0x2  }
0xb8: {  	s3 =	sand.u32 $0x4000, s31;
	s1 =	sadd.s32 s1, s30  }
0xb9: {  	s0 =	sor.u32 s3, s0;
	s1 =	sshll.u32 s1, $0x11  }
0xba: {  	s0 =	sor.u32 s1, s0  }
0xbb: {  	s0 =	sadd.s32 $0x8F2B, s0  }
0xbc: {  	[sflag:s0] =	ssyncadd.remote.s32 $0x1  }
0xbd: {  	_ =	sfence.sel $0xFFFF  }
0xbe: {  	[dreg:$0x0] =	wrdreg $0xFFFFFFFF;
	(pc) =	sbr.abs _section_cstart, $3  }
0xbf: {  	[dreg:$0x1] =	wrdreg $0xFFFFFFFF  }
0xc0: {  	_ =	task.clear_ibuf [dreg:s6], $0x2FFFF;
	_ =	strace $0x9FFFFFFF  }
0xc1: {  	(tm) =	ssettm $0x7FFFFFFF  }
tec
execute0_lowered:
.L_overlay_start_1:
0x0: {  	(tag) =	ssettag $0x1  }
0x1: {  	s5 =	rddreg [dreg:$0x0]  }
0x2: {  	s0 =	rddreg [dreg:$0x1]  }
0x3: {  	s1 =	simm.s32 $0x0;
	s2 =	srdreg.scid;
	s10 =	simm.s32 $0x14600  }
0x4: {  	s11 =	simm.s32 $0x0;
	[smem:$0x7FF] =	sst s1;
	s6 =	sand.u32 $0x1, s2  }
.Ltmp0:
0x5: {  	s3 =	sadd.s32 $0xA3400, s5;
	s2 =	stileid.u32;
	(pc) =	sbr.rel .LBB2_1-.Ltmp0, $4  }
0x6: {  	v0 =	vlaneseq.u32;
	s4 =	sadd.s32 $0xD4B400, s5;
	s5 =	sadd.s32 $0xD23400, s5;
	s7 =	ssub.s32 $0x2, s6  }
0x7: {  	v2 =	vmul.u32 $0xFFFFFFFF, v0;
	v1 =	vor.u32 $0x10, v0;
	v3 =	vor.u32 $0x20, v0;
	_ =	strace $0x80000047;
	s9 =	sshll.u32 s2, $0x1;
	s8 =	sshrl.u32 s7, $0x1  }
0x8: {  	v4 =	vor.u32 $0x30, v0;
	v5 =	vor.u32 $0x40, v0;
	v6 =	vor.u32 $0x50, v0;
	s6 =	sor.u32 s6, s9;
	s9 =	simm.s32 $0x14200;
	s7 =	ssub.s32 s7, s8  }
0x9: {  	v7 =	vor.u32 $0x60, v0;
	v8 =	vor.u32 $0x70, v0;
	v2 =	vadd.s32 $0xF, v2;
	s6 =	smul.u32 $0x28, s6;
	s8 =	simm.s32 $0x1;
	s7 =	smax.u32 s7, $0x1  }
.LBB2_9:
0xa: {  	s11 =	sadd.s32 $0x1, s11  }
0xb: {  	p0 =	sne.s32 s11, s7  }
.Ltmp1:
0xc: {  	_ = 	snop;
	(pc) =	sbr.rel @!p0 .LBB2_10-.Ltmp1, $1  }
0xd: {  	_ =	sdelay $0x3  }
.LBB2_1:
.Ltmp2:
0xe: {  	(pc) =	sbr.rel .LBB2_2-.Ltmp2, $2  }
0xf: {  	_ =	sdelay $0x2  }
0x10: {  	s12 =	simm.s32 $0x0  }
.LBB2_8:
0x11: {  	s13 =	sshll.u32 s13, $0x7  }
0x12: {  	s14 =	sadd.s32 s4, s13  }
0x13: {  	[hbm4b:s14+s1] =	stream.linear.scatter [tilespmem:s9], [sflag:$0x1], $0x400, $0x38;
	[tilespmem:$0x14A00] =	vst v63  }
0x14: {  	s12 =	sadd.s32 $0x1, s12;
	_ =	swait.ge [sflag:s8], $0x400  }
0x15: {  	p0 =	sne.s32 s12, $0x28;
	[sflag:s8] =	ssyncset.done $0x0  }
.Ltmp3:
0x16: {  	s13 =	sadd.s32 s5, s13;
	[sflag:s8] =	ssyncadd.s32 $0xFFFFFC00;
	(pc) =	sbr.rel @!p0 .LBB2_9-.Ltmp3, $4  }
0x17: {  	[hbm4b:s13+s1] =	stream.linear.scatter [tilespmem:s10], [sflag:$0x1], $0x400, $0x38;
	[tilespmem:$0x14A00] =	vst v63  }
0x18: {  	_ =	swait.ge [sflag:s8], $0x400  }
0x19: {  	[sflag:s8] =	ssyncset.done $0x0  }
0x1a: {  	[sflag:s8] =	ssyncadd.s32 $0xFFFFFC00  }
.LBB2_2:
0x1b: {  	s13 =	sadd.s32 s6, s12  }
0x1c: {  	s14 =	smul.u32 $0x2800, s13;
	_ =	sdelay $0x1  }
.Ltmp4:
0x1d: {  	s15 =	sadd.s32 s3, s14;
	s14 =	simm.s32 $0x0;
	(pc) =	sbr.rel .LBB2_3-.Ltmp4, $4  }
0x1e: {  	[tilespmem:s14], [sflag:$0x1] =	stream.linear.gather [hbm4b:s15+s14], $0x14000, $0x38;
	[tilespmem:$0x14A00] =	vst v63  }
0x1f: {  	_ =	swait.ge [sflag:s8], $0x14000  }
0x20: {  	[sflag:s8] =	ssyncset.done $0x0  }
0x21: {  	s15 =	simm.s32 $0x470;
	[sflag:s8] =	ssyncadd.s32 $0xFFFEC000  }
.LBB2_7:
0x22: {  	v9 =	vld [tilespmem:$0x14000];
	_ =	sdelay $0x4  }
0x23: {  	[tilespmem:s16+$0x14200] =	vst v9  }
0x24: {  	v9 =	vld [tilespmem:$0x14080];
	_ =	sdelay $0x4  }
0x25: {  	[tilespmem:s16+$0x14210] =	vst v9  }
0x26: {  	v9 =	vld [tilespmem:$0x14100];
	_ =	sdelay $0x4  }
0x27: {  	s14 =	sadd.s32 $0x1, s14;
	[tilespmem:s16+$0x14600] =	vst v9  }
0x28: {  	p0 =	sne.s32 s14, $0x8;
	v9 =	vld [tilespmem:$0x14180]  }
.Ltmp5:
0x29: {  	_ = 	snop;
	(pc) =	sbr.rel @!p0 .LBB2_8-.Ltmp5, $2  }
0x2a: {  	_ =	sdelay $0x2  }
0x2b: {  	s15 =	sadd.s32 $0x80, s15;
	[tilespmem:s16+$0x14610] =	vst v9  }
.LBB2_3:
0x2c: {  	s16 =	sshll.u32 s14, $0x7  }
0x2d: {  	v9 =	vld [tilespmem:s16+$0x0]  }
0x2e: {  	v10 =	vld [tilespmem:s16+$0x10];
	_ =	sdelay $0x3  }
0x2f: {  	(xrf1) =	vsort.dscd.msk.f32 $0xffff, v9, v0  }
0x30: {  	(xrf1) =	vsort.dscd.msk.f32 $0xffff, v10, v1;
	_ =	sdelay $0xc  }
0x31: {  	v9, v10, _ =	vpop (xrf1)  }
0x32: {  	v11, v12, _ =	vpop (xrf1)  }
0x33: {  	v11 =	vperm.xlane v11, v2  }
0x34: {  	v13 =	vld [tilespmem:s16+$0x20];
	v12 =	vperm.xlane v12, v2  }
0x35: {  	vm0 =	vge.f32 v9, v11  }
0x36: {  	v14 =	vsel vm0, v9, v11;
	v15 =	vsel vm0, v10, v12  }
0x37: {  	v9 =	vsel vm0, v11, v9;
	v10 =	vsel vm0, v12, v10;
	(xrf1) =	vsort.dscd.msk.f32 $0xffff, v14, v15  }
0x38: {  	(xrf1) =	vsort.dscd.msk.f32 $0xffff, v9, v10  }
0x39: {  	(xrf1) =	vsort.dscd.msk.f32 $0xffff, v13, v3;
	_ =	sdelay $0xb  }
0x3a: {  	v9, v10, _ =	vpop (xrf1)  }
0x3b: {  	v11, v28, _ =	vpop (xrf1);
	v9 =	vperm.xlane v9, v2  }
0x3c: {  	v10 =	vperm.xlane v10, v2;
	v13, v29, _ =	vpop (xrf1)  }
0x3d: {  	vm4 =	vge.f32 v13, v9  }
0x3e: {  	v30 =	vsel vm4, v13, v9;
	v16 =	vsel vm4, v29, v10  }
0x3f: {  	v9 =	vsel vm4, v9, v13;
	v10 =	vsel vm4, v10, v29;
	(xrf1) =	vsort.dscd.msk.f32 $0xffff, v30, v16  }
0x40: {  	(xrf1) =	vsort.dscd.msk.f32 $0xffff, v9, v10;
	_ =	sdelay $0xc  }
0x41: {  	v31 =	vld [tilespmem:s16+$0x30];
	v11 =	vperm.xlane v11, v2;
	v9, v10, _ =	vpop (xrf1)  }
0x42: {  	v12 =	vperm.xlane v28, v2;
	v32, v33, _ =	vpop (xrf1)  }
0x43: {  	vm5 =	vge.f32 v32, v11  }
0x44: {  	v11 =	vsel vm5, v32, v11;
	v12 =	vsel vm5, v33, v12  }
0x45: {  	(xrf1) =	vsort.dscd.msk.f32 $0xffff, v11, v12  }
0x46: {  	(xrf1) =	vsort.dscd.msk.f32 $0xffff, v31, v4;
	_ =	sdelay $0xc  }
0x47: {  	v9 =	vperm.xlane v9, v2;
	v11, v12, _ =	vpop (xrf1)  }
0x48: {  	v10 =	vperm.xlane v10, v2;
	v13, v34, _ =	vpop (xrf1)  }
0x49: {  	vm6 =	vge.f32 v13, v9  }
0x4a: {  	v35 =	vsel vm6, v13, v9;
	v36 =	vsel vm6, v34, v10  }
0x4b: {  	v9 =	vsel vm6, v9, v13;
	v10 =	vsel vm6, v10, v34;
	(xrf1) =	vsort.dscd.msk.f32 $0xffff, v35, v36  }
0x4c: {  	(xrf1) =	vsort.dscd.msk.f32 $0xffff, v9, v10;
	_ =	sdelay $0xc  }
0x4d: {  	v37 =	vld [tilespmem:s16+$0x40];
	v11 =	vperm.xlane v11, v2;
	v9, v10, _ =	vpop (xrf1)  }
0x4e: {  	v12 =	vperm.xlane v12, v2;
	v38, v39, _ =	vpop (xrf1)  }
0x4f: {  	vm7 =	vge.f32 v38, v11  }
0x50: {  	v11 =	vsel vm7, v38, v11;
	v12 =	vsel vm7, v39, v12  }
0x51: {  	(xrf1) =	vsort.dscd.msk.f32 $0xffff, v11, v12  }
0x52: {  	(xrf1) =	vsort.dscd.msk.f32 $0xffff, v37, v5;
	_ =	sdelay $0xc  }
0x53: {  	v9 =	vperm.xlane v9, v2;
	v11, v12, _ =	vpop (xrf1)  }
0x54: {  	v10 =	vperm.xlane v10, v2;
	v13, v40, _ =	vpop (xrf1)  }
0x55: {  	vm8 =	vge.f32 v13, v9  }
0x56: {  	v41 =	vsel vm8, v13, v9;
	v42 =	vsel vm8, v40, v10  }
0x57: {  	v9 =	vsel vm8, v9, v13;
	v10 =	vsel vm8, v10, v40;
	(xrf1) =	vsort.dscd.msk.f32 $0xffff, v41, v42  }
0x58: {  	(xrf1) =	vsort.dscd.msk.f32 $0xffff, v9, v10;
	_ =	sdelay $0xc  }
0x59: {  	v43 =	vld [tilespmem:s16+$0x50];
	v11 =	vperm.xlane v11, v2;
	v9, v10, _ =	vpop (xrf1)  }
0x5a: {  	v12 =	vperm.xlane v12, v2;
	v44, v45, _ =	vpop (xrf1)  }
0x5b: {  	vm9 =	vge.f32 v44, v11  }
0x5c: {  	v11 =	vsel vm9, v44, v11;
	v12 =	vsel vm9, v45, v12  }
0x5d: {  	(xrf1) =	vsort.dscd.msk.f32 $0xffff, v11, v12  }
0x5e: {  	(xrf1) =	vsort.dscd.msk.f32 $0xffff, v43, v6;
	_ =	sdelay $0xc  }
0x5f: {  	v9 =	vperm.xlane v9, v2;
	v11, v12, _ =	vpop (xrf1)  }
0x60: {  	v10 =	vperm.xlane v10, v2;
	v13, v46, _ =	vpop (xrf1)  }
0x61: {  	vm10 =	vge.f32 v13, v9  }
0x62: {  	v47 =	vsel vm10, v13, v9;
	v48 =	vsel vm10, v46, v10  }
0x63: {  	v9 =	vsel vm10, v9, v13;
	v10 =	vsel vm10, v10, v46;
	(xrf1) =	vsort.dscd.msk.f32 $0xffff, v47, v48  }
0x64: {  	(xrf1) =	vsort.dscd.msk.f32 $0xffff, v9, v10;
	_ =	sdelay $0xc  }
0x65: {  	v49 =	vld [tilespmem:s16+$0x60];
	v11 =	vperm.xlane v11, v2;
	v9, v10, _ =	vpop (xrf1)  }
0x66: {  	v12 =	vperm.xlane v12, v2;
	v50, v51, _ =	vpop (xrf1)  }
0x67: {  	vm11 =	vge.f32 v50, v11  }
0x68: {  	v11 =	vsel vm11, v50, v11;
	v12 =	vsel vm11, v51, v12  }
0x69: {  	(xrf1) =	vsort.dscd.msk.f32 $0xffff, v11, v12  }
0x6a: {  	(xrf1) =	vsort.dscd.msk.f32 $0xffff, v49, v7;
	_ =	sdelay $0xc  }
0x6b: {  	v9 =	vperm.xlane v9, v2;
	v11, v12, _ =	vpop (xrf1)  }
0x6c: {  	v10 =	vperm.xlane v10, v2;
	v13, v52, _ =	vpop (xrf1)  }
0x6d: {  	vm12 =	vge.f32 v13, v9  }
0x6e: {  	v53 =	vsel vm12, v13, v9;
	v54 =	vsel vm12, v52, v10  }
0x6f: {  	v9 =	vsel vm12, v9, v13;
	v10 =	vsel vm12, v10, v52;
	(xrf1) =	vsort.dscd.msk.f32 $0xffff, v53, v54  }
0x70: {  	(xrf1) =	vsort.dscd.msk.f32 $0xffff, v9, v10;
	_ =	sdelay $0xc  }
0x71: {  	v55 =	vld [tilespmem:s16+$0x70];
	v11 =	vperm.xlane v11, v2;
	v9, v10, _ =	vpop (xrf1)  }
0x72: {  	v12 =	vperm.xlane v12, v2;
	v56, v57, _ =	vpop (xrf1)  }
0x73: {  	vm13 =	vge.f32 v56, v11  }
0x74: {  	v11 =	vsel vm13, v56, v11;
	v12 =	vsel vm13, v57, v12  }
0x75: {  	(xrf1) =	vsort.dscd.msk.f32 $0xffff, v11, v12  }
0x76: {  	(xrf1) =	vsort.dscd.msk.f32 $0xffff, v55, v8;
	_ =	sdelay $0xc  }
0x77: {  	v9 =	vperm.xlane v9, v2;
	v11, v12, _ =	vpop (xrf1)  }
0x78: {  	v10 =	vperm.xlane v10, v2;
	v13, v58, _ =	vpop (xrf1)  }
0x79: {  	vm14 =	vge.f32 v13, v9  }
0x7a: {  	v59 =	vsel vm14, v13, v9;
	v60 =	vsel vm14, v58, v10  }
0x7b: {  	v9 =	vsel vm14, v9, v13;
	v10 =	vsel vm14, v10, v58;
	(xrf1) =	vsort.dscd.msk.f32 $0xffff, v59, v60  }
0x7c: {  	(xrf1) =	vsort.dscd.msk.f32 $0xffff, v9, v10;
	_ =	sdelay $0xc  }
0x7d: {  	v9 =	vperm.xlane v11, v2;
	v10, v61, _ =	vpop (xrf1)  }
0x7e: {  	v12 =	vperm.xlane v12, v2;
	v11, v62, _ =	vpop (xrf1)  }
0x7f: {  	vm15 =	vge.f32 v11, v9  }
0x80: {  	v9 =	vsel vm15, v11, v9;
	v11 =	vsel vm15, v62, v12  }
0x81: {  	(xrf1) =	vsort.dscd.msk.f32 $0xffff, v9, v11;
	_ =	sdelay $0xd  }
0x82: {  	v11, v9, _ =	vpop (xrf1)  }
0x83: {  	(xrf0) =	vmin.scan.msk.f32 $0xffff, v11;
	_ =	sdelay $0x5  }
0x84: {  	v63, _, _ =	vpop (xrf0)  }
0x85: {  	(v2sf) =	vpush v63, $0xF;
	_ =	sdelay $0xb  }
.Ltmp6:
0x86: {  	_ = 	snop;
	(pc) =	sbr.rel .LBB2_4-.Ltmp6, $4  }
0x87: {  	[tilespmem:$0x14000] =	vst v10  }
0x88: {  	[tilespmem:$0x14100] =	vst v61  }
0x89: {  	[tilespmem:$0x14080] =	vst v11;
	s17 =	spop (v2sf)  }
0x8a: {  	s18 =	simm.s32 $0xF0;
	s19 =	smov.u32 s15;
	[tilespmem:$0x14180] =	vst v9;
	[smem:$0x0] =	sst s17  }
.LBB2_6:
0x8b: {  	s18 =	sadd.s32 $0x80, s18  }
0x8c: {  	p0 =	sne.s32 s18, $0x2870  }
.Ltmp7:
0x8d: {  	_ = 	snop;
	(pc) =	sbr.rel @!p0 .LBB2_7-.Ltmp7, $2  }
0x8e: {  	_ =	sdelay $0x2  }
0x8f: {  	s19 =	sadd.s32 $0x400, s19  }
.LBB2_4:
0x90: {  	v10 =	vld [tilespmem:s19+$0xFFFFFF90]  }
0x91: {  	v11 =	vld [tilespmem:s19+$0xFFFFFFA0]  }
0x92: {  	v12 =	vld [tilespmem:s19+$0xFFFFFFB0]  }
0x93: {  	v13 =	vld [tilespmem:s19+$0xFFFFFFC0]  }
0x94: {  	v14 =	vld [tilespmem:s19+$0xFFFFFFD0]  }
0x95: {  	v15 =	vld [tilespmem:s19+$0xFFFFFFE0]  }
0x96: {  	v16 =	vld [tilespmem:s19+$0xFFFFFFF0];
	v11 =	vmax.f32 v10, v11  }
0x97: {  	v63 =	vld [tilespmem:s19+$0x0];
	v11 =	vmax.f32 v11, v12  }
0x98: {  	v11 =	vmax.f32 v11, v13  }
0x99: {  	v11 =	vmax.f32 v11, v14  }
0x9a: {  	v11 =	vmax.f32 v11, v15  }
0x9b: {  	v11 =	vmax.f32 v11, v16  }
0x9c: {  	v11 =	vmax.f32 v11, v63  }
0x9d: {  	(xrf0) =	vmax.scan.msk.f32 $0xffff, v11;
	_ =	sdelay $0x5  }
0x9e: {  	v11, _, _ =	vpop (xrf0)  }
0x9f: {  	(v2sf) =	vpush v11, $0xF;
	_ =	sdelay $0xe  }
0xa0: {  	s20 =	spop (v2sf)  }
0xa1: {  	p0 =	sgt.f32 s20, s17  }
.Ltmp8:
0xa2: {  	_ = 	snop;
	(pc) =	sbr.rel @!p0 .LBB2_6-.Ltmp8, $1  }
0xa3: {  	_ =	sdelay $0x3  }
0xa4: {  	(xrf0) =	vmax.scan.msk.f32 $0xffff, v10;
	_ =	sdelay $0x5  }
0xa5: {  	v11, _, _ =	vpop (xrf0)  }
0xa6: {  	(v2sf) =	vpush v11, $0xF;
	_ =	sdelay $0xe  }
0xa7: {  	s20 =	spop (v2sf)  }
0xa8: {  	p0 =	sgt.f32 s20, s17;
	_ =	sdelay $0x1  }
0xa9: {  	s20 =	sadd.s32 $0xFFFFFF90, s18;
	v11 =	vlaneseq.u32 @p0  }
0xaa: {  	v12 =	vor.u32 @p0 s20, v11  }
0xab: {  	(xrf1) =	vsort.dscd.msk.f32 @p0 $0xffff, v10, v12;
	_ =	sdelay $0x7  }
0xac: {  	v10 =	vld @p0 [tilespmem:$0x14000]  }
0xad: {  	v12 =	vld @p0 [tilespmem:$0x14100]  }
0xae: {  	v11 =	vmul.u32 @p0 $0xFFFFFFFF, v11;
	_ =	sdelay $0x1  }
0xaf: {  	v11 =	vadd.s32 @p0 $0xF, v11  }
0xb0: {  	v10 =	vperm.xlane @p0 v10, v11  }
0xb1: {  	v12 =	vperm.xlane @p0 v12, v11;
	v13, v14, _ =	vpop @p0 (xrf1)  }
0xb2: {  	vm0 =	vge.f32 @p0 v13, v10  }
0xb3: {  	v15 =	vsel @p0 vm0, v13, v10;
	v16 =	vsel @p0 vm0, v14, v12  }
0xb4: {  	v10 =	vsel @p0 vm0, v10, v13;
	v12 =	vsel @p0 vm0, v12, v14;
	(xrf1) =	vsort.dscd.msk.f32 @p0 $0xffff, v15, v16  }
0xb5: {  	(xrf1) =	vsort.dscd.msk.f32 @p0 $0xffff, v10, v12;
	_ =	sdelay $0x7  }
0xb6: {  	v10 =	vld @p0 [tilespmem:$0x14080];
	_ =	sdelay $0x4  }
0xb7: {  	v10 =	vperm.xlane @p0 v10, v11;
	v12, v13, _ =	vpop @p0 (xrf1)  }
0xb8: {  	v11 =	vperm.xlane @p0 v9, v11;
	v14, v15, _ =	vpop @p0 (xrf1)  }
0xb9: {  	vm0 =	vge.f32 @p0 v14, v10  }
0xba: {  	v10 =	vsel @p0 vm0, v14, v10;
	v11 =	vsel @p0 vm0, v15, v11  }
0xbb: {  	(xrf1) =	vsort.dscd.msk.f32 @p0 $0xffff, v10, v11;
	_ =	sdelay $0xc  }
0xbc: {  	[tilespmem:$0x14000] =	vst @p0 v12  }
0xbd: {  	[tilespmem:$0x14100] =	vst @p0 v13;
	v11, v10, _ =	vpop @p0 (xrf1)  }
0xbe: {  	[tilespmem:$0x14080] =	vst @p0 v11  }
0xbf: {  	[tilespmem:$0x14180] =	vst @p0 v10  }
0xc0: {  	v12 =	vld [tilespmem:s19+$0xFFFFFFA0];
	_ =	sdelay $0x3  }
0xc1: {  	(xrf0) =	vmin.scan.msk.f32 @p0 $0xffff, v11  }
0xc2: {  	(xrf0) =	vmax.scan.msk.f32 $0xffff, v12;
	_ =	sdelay $0x4  }
0xc3: {  	v11, _, _ =	vpop @p0 (xrf0)  }
0xc4: {  	(v2sf) =	vpush @p0 v11, $0xF;
	v11, _, _ =	vpop (xrf0)  }
0xc5: {  	(v2sf) =	vpush v11, $0xF;
	_ =	sdelay $0xd  }
0xc6: {  	s20 =	spop @p0 (v2sf)  }
0xc7: {  	s17 =	smov.u32 @p0 s20;
	s28 =	spop (v2sf)  }
0xc8: {  	s21 =	simm.s32 @!p0 $0x0;
	p1 =	sgt.f32 s28, s17  }
0xc9: {  	s21 =	simm.s32 @p0 $0x1  }
0xca: {  	[smem:$0x7FC] =	sst s21;
	s21 =	sadd.s32 $0xFFFFFFA0, s18;
	v11 =	vlaneseq.u32 @p1  }
0xcb: {  	v13 =	vor.u32 @p1 s21, v11  }
0xcc: {  	(xrf1) =	vsort.dscd.msk.f32 @p1 $0xffff, v12, v13;
	_ =	sdelay $0x7  }
0xcd: {  	v12 =	vld @p1 [tilespmem:$0x14000]  }
0xce: {  	v13 =	vld @p1 [tilespmem:$0x14100]  }
0xcf: {  	v11 =	vmul.u32 @p1 $0xFFFFFFFF, v11;
	_ =	sdelay $0x1  }
0xd0: {  	v11 =	vadd.s32 @p1 $0xF, v11  }
0xd1: {  	v12 =	vperm.xlane @p1 v12, v11  }
0xd2: {  	v13 =	vperm.xlane @p1 v13, v11;
	v14, v15, _ =	vpop @p1 (xrf1)  }
0xd3: {  	vm0 =	vge.f32 @p1 v14, v12  }
0xd4: {  	v16 =	vsel @p1 vm0, v14, v12;
	v17 =	vsel @p1 vm0, v15, v13  }
0xd5: {  	v12 =	vsel @p1 vm0, v12, v14;
	v13 =	vsel @p1 vm0, v13, v15;
	(xrf1) =	vsort.dscd.msk.f32 @p1 $0xffff, v16, v17  }
0xd6: {  	(xrf1) =	vsort.dscd.msk.f32 @p1 $0xffff, v12, v13;
	_ =	sdelay $0x7  }
0xd7: {  	v12 =	vld @p1 [tilespmem:$0x14080];
	_ =	sdelay $0x4  }
0xd8: {  	v9 =	vpsel p0, v10, v9;
	v12 =	vperm.xlane @p1 v12, v11;
	v10, v13, _ =	vpop @p1 (xrf1)  }
0xd9: {  	v11 =	vperm.xlane @p1 v9, v11;
	v14, v15, _ =	vpop @p1 (xrf1)  }
0xda: {  	vm0 =	vge.f32 @p1 v14, v12  }
0xdb: {  	v12 =	vsel @p1 vm0, v14, v12;
	v11 =	vsel @p1 vm0, v15, v11  }
0xdc: {  	(xrf1) =	vsort.dscd.msk.f32 @p1 $0xffff, v12, v11;
	_ =	sdelay $0xc  }
0xdd: {  	[tilespmem:$0x14000] =	vst @p1 v10  }
0xde: {  	[tilespmem:$0x14100] =	vst @p1 v13;
	v11, v10, _ =	vpop @p1 (xrf1)  }
0xdf: {  	[tilespmem:$0x14080] =	vst @p1 v11  }
0xe0: {  	[tilespmem:$0x14180] =	vst @p1 v10  }
0xe1: {  	v12 =	vld [tilespmem:s19+$0xFFFFFFB0];
	_ =	sdelay $0x3  }
0xe2: {  	(xrf0) =	vmin.scan.msk.f32 @p1 $0xffff, v11  }
0xe3: {  	(xrf0) =	vmax.scan.msk.f32 $0xffff, v12;
	_ =	sdelay $0x4  }
0xe4: {  	v11, _, _ =	vpop @p1 (xrf0)  }
0xe5: {  	(v2sf) =	vpush @p1 v11, $0xF;
	v11, _, _ =	vpop (xrf0)  }
0xe6: {  	(v2sf) =	vpush v11, $0xF;
	_ =	sdelay $0xd  }
0xe7: {  	s21 =	spop @p1 (v2sf)  }
0xe8: {  	s17 =	smov.u32 @p1 s21;
	s29 =	spop (v2sf)  }
0xe9: {  	s22 =	simm.s32 @!p1 $0x0;
	p2 =	sgt.f32 s29, s17  }
0xea: {  	s22 =	simm.s32 @p1 $0x1  }
0xeb: {  	[smem:$0x7FD] =	sst s22;
	s22 =	sadd.s32 $0xFFFFFFB0, s18;
	v11 =	vlaneseq.u32 @p2  }
0xec: {  	v13 =	vor.u32 @p2 s22, v11  }
0xed: {  	(xrf1) =	vsort.dscd.msk.f32 @p2 $0xffff, v12, v13;
	_ =	sdelay $0x7  }
0xee: {  	v12 =	vld @p2 [tilespmem:$0x14000]  }
0xef: {  	v13 =	vld @p2 [tilespmem:$0x14100]  }
0xf0: {  	v11 =	vmul.u32 @p2 $0xFFFFFFFF, v11;
	_ =	sdelay $0x1  }
0xf1: {  	v11 =	vadd.s32 @p2 $0xF, v11  }
0xf2: {  	v12 =	vperm.xlane @p2 v12, v11  }
0xf3: {  	v13 =	vperm.xlane @p2 v13, v11;
	v14, v15, _ =	vpop @p2 (xrf1)  }
0xf4: {  	vm0 =	vge.f32 @p2 v14, v12  }
0xf5: {  	v16 =	vsel @p2 vm0, v14, v12;
	v17 =	vsel @p2 vm0, v15, v13  }
0xf6: {  	v12 =	vsel @p2 vm0, v12, v14;
	v13 =	vsel @p2 vm0, v13, v15;
	(xrf1) =	vsort.dscd.msk.f32 @p2 $0xffff, v16, v17  }
0xf7: {  	(xrf1) =	vsort.dscd.msk.f32 @p2 $0xffff, v12, v13;
	_ =	sdelay $0x7  }
0xf8: {  	v12 =	vld @p2 [tilespmem:$0x14080];
	_ =	sdelay $0x4  }
0xf9: {  	v9 =	vpsel p1, v10, v9;
	v12 =	vperm.xlane @p2 v12, v11;
	v10, v13, _ =	vpop @p2 (xrf1)  }
0xfa: {  	v11 =	vperm.xlane @p2 v9, v11;
	v14, v15, _ =	vpop @p2 (xrf1)  }
0xfb: {  	vm0 =	vge.f32 @p2 v14, v12  }
0xfc: {  	v12 =	vsel @p2 vm0, v14, v12;
	v11 =	vsel @p2 vm0, v15, v11  }
0xfd: {  	(xrf1) =	vsort.dscd.msk.f32 @p2 $0xffff, v12, v11;
	_ =	sdelay $0xc  }
0xfe: {  	[tilespmem:$0x14000] =	vst @p2 v10  }
0xff: {  	[tilespmem:$0x14100] =	vst @p2 v13;
	v11, v10, _ =	vpop @p2 (xrf1)  }
0x100: {  	[tilespmem:$0x14080] =	vst @p2 v11  }
0x101: {  	[tilespmem:$0x14180] =	vst @p2 v10  }
0x102: {  	v12 =	vld [tilespmem:s19+$0xFFFFFFC0];
	_ =	sdelay $0x3  }
0x103: {  	(xrf0) =	vmin.scan.msk.f32 @p2 $0xffff, v11  }
0x104: {  	(xrf0) =	vmax.scan.msk.f32 $0xffff, v12;
	_ =	sdelay $0x4  }
0x105: {  	v11, _, _ =	vpop @p2 (xrf0)  }
0x106: {  	(v2sf) =	vpush @p2 v11, $0xF;
	v11, _, _ =	vpop (xrf0)  }
0x107: {  	(v2sf) =	vpush v11, $0xF;
	_ =	sdelay $0xd  }
0x108: {  	s22 =	spop @p2 (v2sf)  }
0x109: {  	s17 =	smov.u32 @p2 s22;
	s23 =	spop (v2sf)  }
0x10a: {  	p3 =	sgt.f32 s23, s17;
	_ =	sdelay $0x1  }
0x10b: {  	s23 =	sadd.s32 $0xFFFFFFC0, s18;
	v11 =	vlaneseq.u32 @p3  }
0x10c: {  	v13 =	vor.u32 @p3 s23, v11  }
0x10d: {  	(xrf1) =	vsort.dscd.msk.f32 @p3 $0xffff, v12, v13;
	_ =	sdelay $0x7  }
0x10e: {  	v12 =	vld @p3 [tilespmem:$0x14000]  }
0x10f: {  	v13 =	vld @p3 [tilespmem:$0x14100]  }
0x110: {  	v11 =	vmul.u32 @p3 $0xFFFFFFFF, v11;
	_ =	sdelay $0x1  }
0x111: {  	v11 =	vadd.s32 @p3 $0xF, v11  }
0x112: {  	v12 =	vperm.xlane @p3 v12, v11  }
0x113: {  	v13 =	vperm.xlane @p3 v13, v11;
	v14, v15, _ =	vpop @p3 (xrf1)  }
0x114: {  	vm0 =	vge.f32 @p3 v14, v12  }
0x115: {  	v16 =	vsel @p3 vm0, v14, v12;
	v17 =	vsel @p3 vm0, v15, v13  }
0x116: {  	v12 =	vsel @p3 vm0, v12, v14;
	v13 =	vsel @p3 vm0, v13, v15;
	(xrf1) =	vsort.dscd.msk.f32 @p3 $0xffff, v16, v17  }
0x117: {  	(xrf1) =	vsort.dscd.msk.f32 @p3 $0xffff, v12, v13;
	_ =	sdelay $0x7  }
0x118: {  	v12 =	vld @p3 [tilespmem:$0x14080];
	_ =	sdelay $0x4  }
0x119: {  	v9 =	vpsel p2, v10, v9;
	v12 =	vperm.xlane @p3 v12, v11;
	v10, v13, _ =	vpop @p3 (xrf1)  }
0x11a: {  	v11 =	vperm.xlane @p3 v9, v11;
	v14, v15, _ =	vpop @p3 (xrf1)  }
0x11b: {  	vm0 =	vge.f32 @p3 v14, v12  }
0x11c: {  	v12 =	vsel @p3 vm0, v14, v12;
	v11 =	vsel @p3 vm0, v15, v11  }
0x11d: {  	(xrf1) =	vsort.dscd.msk.f32 @p3 $0xffff, v12, v11;
	_ =	sdelay $0xc  }
0x11e: {  	[tilespmem:$0x14000] =	vst @p3 v10  }
0x11f: {  	[tilespmem:$0x14100] =	vst @p3 v13;
	v11, v10, _ =	vpop @p3 (xrf1)  }
0x120: {  	[tilespmem:$0x14080] =	vst @p3 v11  }
0x121: {  	[tilespmem:$0x14180] =	vst @p3 v10  }
0x122: {  	v12 =	vld [tilespmem:s19+$0xFFFFFFD0];
	_ =	sdelay $0x3  }
0x123: {  	(xrf0) =	vmin.scan.msk.f32 @p3 $0xffff, v11  }
0x124: {  	(xrf0) =	vmax.scan.msk.f32 $0xffff, v12;
	_ =	sdelay $0x4  }
0x125: {  	v11, _, _ =	vpop @p3 (xrf0)  }
0x126: {  	(v2sf) =	vpush @p3 v11, $0xF;
	v11, _, _ =	vpop (xrf0)  }
0x127: {  	(v2sf) =	vpush v11, $0xF;
	_ =	sdelay $0xd  }
0x128: {  	s23 =	spop @p3 (v2sf)  }
0x129: {  	s17 =	smov.u32 @p3 s23;
	s24 =	spop (v2sf)  }
0x12a: {  	p4 =	sgt.f32 s24, s17;
	_ =	sdelay $0x1  }
0x12b: {  	s24 =	sadd.s32 $0xFFFFFFD0, s18;
	v11 =	vlaneseq.u32 @p4  }
0x12c: {  	v13 =	vor.u32 @p4 s24, v11  }
0x12d: {  	(xrf1) =	vsort.dscd.msk.f32 @p4 $0xffff, v12, v13;
	_ =	sdelay $0x7  }
0x12e: {  	v12 =	vld @p4 [tilespmem:$0x14000]  }
0x12f: {  	v13 =	vld @p4 [tilespmem:$0x14100]  }
0x130: {  	v11 =	vmul.u32 @p4 $0xFFFFFFFF, v11;
	_ =	sdelay $0x1  }
0x131: {  	v11 =	vadd.s32 @p4 $0xF, v11  }
0x132: {  	v12 =	vperm.xlane @p4 v12, v11  }
0x133: {  	v13 =	vperm.xlane @p4 v13, v11;
	v14, v15, _ =	vpop @p4 (xrf1)  }
0x134: {  	vm0 =	vge.f32 @p4 v14, v12  }
0x135: {  	v16 =	vsel @p4 vm0, v14, v12;
	v17 =	vsel @p4 vm0, v15, v13  }
0x136: {  	v12 =	vsel @p4 vm0, v12, v14;
	v13 =	vsel @p4 vm0, v13, v15;
	(xrf1) =	vsort.dscd.msk.f32 @p4 $0xffff, v16, v17  }
0x137: {  	(xrf1) =	vsort.dscd.msk.f32 @p4 $0xffff, v12, v13;
	_ =	sdelay $0x7  }
0x138: {  	v12 =	vld @p4 [tilespmem:$0x14080];
	_ =	sdelay $0x4  }
0x139: {  	v9 =	vpsel p3, v10, v9;
	v12 =	vperm.xlane @p4 v12, v11;
	v10, v13, _ =	vpop @p4 (xrf1)  }
0x13a: {  	v11 =	vperm.xlane @p4 v9, v11;
	v14, v15, _ =	vpop @p4 (xrf1)  }
0x13b: {  	vm0 =	vge.f32 @p4 v14, v12  }
0x13c: {  	v12 =	vsel @p4 vm0, v14, v12;
	v11 =	vsel @p4 vm0, v15, v11  }
0x13d: {  	(xrf1) =	vsort.dscd.msk.f32 @p4 $0xffff, v12, v11;
	_ =	sdelay $0xc  }
0x13e: {  	[tilespmem:$0x14000] =	vst @p4 v10  }
0x13f: {  	[tilespmem:$0x14100] =	vst @p4 v13;
	v11, v10, _ =	vpop @p4 (xrf1)  }
0x140: {  	[tilespmem:$0x14080] =	vst @p4 v11  }
0x141: {  	[tilespmem:$0x14180] =	vst @p4 v10  }
0x142: {  	v12 =	vld [tilespmem:s19+$0xFFFFFFE0];
	_ =	sdelay $0x3  }
0x143: {  	(xrf0) =	vmin.scan.msk.f32 @p4 $0xffff, v11  }
0x144: {  	(xrf0) =	vmax.scan.msk.f32 $0xffff, v12;
	_ =	sdelay $0x4  }
0x145: {  	v11, _, _ =	vpop @p4 (xrf0)  }
0x146: {  	(v2sf) =	vpush @p4 v11, $0xF;
	v11, _, _ =	vpop (xrf0)  }
0x147: {  	(v2sf) =	vpush v11, $0xF;
	_ =	sdelay $0xd  }
0x148: {  	s24 =	spop @p4 (v2sf)  }
0x149: {  	s17 =	smov.u32 @p4 s24;
	s25 =	spop (v2sf)  }
0x14a: {  	p5 =	sgt.f32 s25, s17;
	_ =	sdelay $0x1  }
0x14b: {  	s25 =	sadd.s32 $0xFFFFFFE0, s18;
	v11 =	vlaneseq.u32 @p5  }
0x14c: {  	v13 =	vor.u32 @p5 s25, v11  }
0x14d: {  	(xrf1) =	vsort.dscd.msk.f32 @p5 $0xffff, v12, v13;
	_ =	sdelay $0x7  }
0x14e: {  	v12 =	vld @p5 [tilespmem:$0x14000]  }
0x14f: {  	v13 =	vld @p5 [tilespmem:$0x14100]  }
0x150: {  	v11 =	vmul.u32 @p5 $0xFFFFFFFF, v11;
	_ =	sdelay $0x1  }
0x151: {  	v11 =	vadd.s32 @p5 $0xF, v11  }
0x152: {  	v12 =	vperm.xlane @p5 v12, v11  }
0x153: {  	v13 =	vperm.xlane @p5 v13, v11;
	v14, v15, _ =	vpop @p5 (xrf1)  }
0x154: {  	vm0 =	vge.f32 @p5 v14, v12  }
0x155: {  	v16 =	vsel @p5 vm0, v14, v12;
	v17 =	vsel @p5 vm0, v15, v13  }
0x156: {  	v12 =	vsel @p5 vm0, v12, v14;
	v13 =	vsel @p5 vm0, v13, v15;
	(xrf1) =	vsort.dscd.msk.f32 @p5 $0xffff, v16, v17  }
0x157: {  	(xrf1) =	vsort.dscd.msk.f32 @p5 $0xffff, v12, v13;
	_ =	sdelay $0x7  }
0x158: {  	v12 =	vld @p5 [tilespmem:$0x14080];
	_ =	sdelay $0x4  }
0x159: {  	v9 =	vpsel p4, v10, v9;
	v12 =	vperm.xlane @p5 v12, v11;
	v10, v13, _ =	vpop @p5 (xrf1)  }
0x15a: {  	v11 =	vperm.xlane @p5 v9, v11;
	v14, v15, _ =	vpop @p5 (xrf1)  }
0x15b: {  	vm0 =	vge.f32 @p5 v14, v12  }
0x15c: {  	v12 =	vsel @p5 vm0, v14, v12;
	v11 =	vsel @p5 vm0, v15, v11  }
0x15d: {  	(xrf1) =	vsort.dscd.msk.f32 @p5 $0xffff, v12, v11;
	_ =	sdelay $0xc  }
0x15e: {  	[tilespmem:$0x14000] =	vst @p5 v10  }
0x15f: {  	[tilespmem:$0x14100] =	vst @p5 v13;
	v11, v10, _ =	vpop @p5 (xrf1)  }
0x160: {  	[tilespmem:$0x14080] =	vst @p5 v11  }
0x161: {  	[tilespmem:$0x14180] =	vst @p5 v10  }
0x162: {  	v12 =	vld [tilespmem:s19+$0xFFFFFFF0];
	_ =	sdelay $0x3  }
0x163: {  	(xrf0) =	vmin.scan.msk.f32 @p5 $0xffff, v11  }
0x164: {  	(xrf0) =	vmax.scan.msk.f32 $0xffff, v12;
	_ =	sdelay $0x4  }
0x165: {  	v11, _, _ =	vpop @p5 (xrf0)  }
0x166: {  	(v2sf) =	vpush @p5 v11, $0xF;
	v11, _, _ =	vpop (xrf0)  }
0x167: {  	(v2sf) =	vpush v11, $0xF;
	_ =	sdelay $0xd  }
0x168: {  	s25 =	spop @p5 (v2sf)  }
0x169: {  	s17 =	smov.u32 @p5 s25;
	s26 =	spop (v2sf)  }
0x16a: {  	p6 =	sgt.f32 s26, s17;
	_ =	sdelay $0x1  }
0x16b: {  	s26 =	sadd.s32 $0xFFFFFFF0, s18;
	v11 =	vlaneseq.u32 @p6  }
0x16c: {  	v13 =	vor.u32 @p6 s26, v11  }
0x16d: {  	(xrf1) =	vsort.dscd.msk.f32 @p6 $0xffff, v12, v13;
	_ =	sdelay $0x7  }
0x16e: {  	v12 =	vld @p6 [tilespmem:$0x14000]  }
0x16f: {  	v13 =	vld @p6 [tilespmem:$0x14100]  }
0x170: {  	v11 =	vmul.u32 @p6 $0xFFFFFFFF, v11;
	_ =	sdelay $0x1  }
0x171: {  	v11 =	vadd.s32 @p6 $0xF, v11  }
0x172: {  	v12 =	vperm.xlane @p6 v12, v11  }
0x173: {  	v13 =	vperm.xlane @p6 v13, v11;
	v14, v15, _ =	vpop @p6 (xrf1)  }
0x174: {  	vm0 =	vge.f32 @p6 v14, v12  }
0x175: {  	v16 =	vsel @p6 vm0, v14, v12;
	v17 =	vsel @p6 vm0, v15, v13  }
0x176: {  	v12 =	vsel @p6 vm0, v12, v14;
	v13 =	vsel @p6 vm0, v13, v15;
	(xrf1) =	vsort.dscd.msk.f32 @p6 $0xffff, v16, v17  }
0x177: {  	(xrf1) =	vsort.dscd.msk.f32 @p6 $0xffff, v12, v13;
	_ =	sdelay $0x7  }
0x178: {  	v12 =	vld @p6 [tilespmem:$0x14080];
	_ =	sdelay $0x4  }
0x179: {  	v9 =	vpsel p5, v10, v9;
	v12 =	vperm.xlane @p6 v12, v11;
	v10, v13, _ =	vpop @p6 (xrf1)  }
0x17a: {  	v11 =	vperm.xlane @p6 v9, v11;
	v14, v15, _ =	vpop @p6 (xrf1)  }
0x17b: {  	vm0 =	vge.f32 @p6 v14, v12  }
0x17c: {  	v12 =	vsel @p6 vm0, v14, v12;
	v11 =	vsel @p6 vm0, v15, v11  }
0x17d: {  	(xrf1) =	vsort.dscd.msk.f32 @p6 $0xffff, v12, v11;
	_ =	sdelay $0xc  }
0x17e: {  	[tilespmem:$0x14000] =	vst @p6 v10  }
0x17f: {  	[tilespmem:$0x14100] =	vst @p6 v13;
	v11, v10, _ =	vpop @p6 (xrf1)  }
0x180: {  	[tilespmem:$0x14080] =	vst @p6 v11  }
0x181: {  	[tilespmem:$0x14180] =	vst @p6 v10  }
0x182: {  	v12 =	vld [tilespmem:s19+$0x0];
	_ =	sdelay $0x3  }
0x183: {  	(xrf0) =	vmin.scan.msk.f32 @p6 $0xffff, v11  }
0x184: {  	(xrf0) =	vmax.scan.msk.f32 $0xffff, v12;
	_ =	sdelay $0x4  }
0x185: {  	v11, _, _ =	vpop @p6 (xrf0)  }
0x186: {  	(v2sf) =	vpush @p6 v11, $0xF;
	v11, _, _ =	vpop (xrf0)  }
0x187: {  	(v2sf) =	vpush v11, $0xF;
	_ =	sdelay $0xd  }
0x188: {  	s26 =	spop @p6 (v2sf)  }
0x189: {  	s17 =	smov.u32 @p6 s26;
	s28 =	spop (v2sf)  }
0x18a: {  	p0 =	sgt.f32 s28, s17;
	_ =	sdelay $0x1  }
0x18b: {  	v11 =	vlaneseq.u32 @p0  }
0x18c: {  	v13 =	vor.u32 @p0 s18, v11  }
0x18d: {  	(xrf1) =	vsort.dscd.msk.f32 @p0 $0xffff, v12, v13;
	_ =	sdelay $0x7  }
0x18e: {  	v12 =	vld @p0 [tilespmem:$0x14000]  }
0x18f: {  	v13 =	vld @p0 [tilespmem:$0x14100]  }
0x190: {  	v11 =	vmul.u32 @p0 $0xFFFFFFFF, v11;
	_ =	sdelay $0x1  }
0x191: {  	v11 =	vadd.s32 @p0 $0xF, v11  }
0x192: {  	v12 =	vperm.xlane @p0 v12, v11  }
0x193: {  	v13 =	vperm.xlane @p0 v13, v11;
	v14, v15, _ =	vpop @p0 (xrf1)  }
0x194: {  	vm0 =	vge.f32 @p0 v14, v12  }
0x195: {  	v16 =	vsel @p0 vm0, v14, v12;
	v17 =	vsel @p0 vm0, v15, v13  }
0x196: {  	v12 =	vsel @p0 vm0, v12, v14;
	v13 =	vsel @p0 vm0, v13, v15;
	(xrf1) =	vsort.dscd.msk.f32 @p0 $0xffff, v16, v17  }
0x197: {  	(xrf1) =	vsort.dscd.msk.f32 @p0 $0xffff, v12, v13;
	_ =	sdelay $0x7  }
0x198: {  	v12 =	vld @p0 [tilespmem:$0x14080];
	_ =	sdelay $0x4  }
0x199: {  	v9 =	vpsel p6, v10, v9;
	v10 =	vperm.xlane @p0 v12, v11;
	v13, v14, _ =	vpop @p0 (xrf1)  }
0x19a: {  	v11 =	vperm.xlane @p0 v9, v11;
	v12, v15, _ =	vpop @p0 (xrf1)  }
0x19b: {  	vm0 =	vge.f32 @p0 v12, v10  }
0x19c: {  	v10 =	vsel @p0 vm0, v12, v10;
	v11 =	vsel @p0 vm0, v15, v11  }
0x19d: {  	(xrf1) =	vsort.dscd.msk.f32 @p0 $0xffff, v10, v11;
	_ =	sdelay $0xd  }
0x19e: {  	v11, v10, _ =	vpop @p0 (xrf1)  }
0x19f: {  	(xrf0) =	vmin.scan.msk.f32 @p0 $0xffff, v11;
	_ =	sdelay $0x5  }
0x1a0: {  	v12, _, _ =	vpop @p0 (xrf0)  }
0x1a1: {  	(v2sf) =	vpush @p0 v12, $0xF;
	_ =	sdelay $0x4  }
0x1a2: {  	s30 =	sld [smem:$0x7FC]  }
0x1a3: {  	s31 =	sld [smem:$0x7FD];
	_ =	sdelay $0x1  }
0x1a4: {  	p1 =	seq.s32 s30, $0x1  }
0x1a5: {  	[smem:$0x0] =	sst @p1 s20;
	p1 =	seq.s32 s31, $0x1  }
0x1a6: {  	[smem:$0x0] =	sst @p1 s21  }
0x1a7: {  	[smem:$0x0] =	sst @p2 s22  }
.Ltmp9:
0x1a8: {  	[smem:$0x0] =	sst @p3 s23;
	(pc) =	sbr.rel .LBB2_6-.Ltmp9, $4  }
0x1a9: {  	[smem:$0x0] =	sst @p4 s24;
	[tilespmem:$0x14000] =	vst @p0 v13  }
0x1aa: {  	[smem:$0x0] =	sst @p5 s25;
	[tilespmem:$0x14100] =	vst @p0 v14  }
0x1ab: {  	[smem:$0x0] =	sst @p6 s26;
	[tilespmem:$0x14080] =	vst @p0 v11;
	s20 =	spop @p0 (v2sf)  }
0x1ac: {  	[tilespmem:$0x14180] =	vst @p0 v10;
	v9 =	vpsel p0, v10, v9;
	[smem:$0x0] =	sst @p0 s20;
	s17 =	smov.u32 @p0 s20  }
.LBB2_10:
0x1ad: {  	_ =	sfence.sel $0x180000  }
0x1ae: {  	[bflag:$0x0] =	sbarrier.arrive $0xFFFF  }
0x1af: {  	p0 =	sne.s32 s2, $0x0;
	_ =	strace $0x90000047  }
0x1b0: {  	s0 =	sadd.s32 @!p0 $0x100000, s0;
	[bflag:$0x2] =	sbarrier.arrive $0xFFFF  }
0x1b1: {  	[sflag:s0] =	ssyncadd.tile.s32 @!p0 $0x1;
	_ =	shalt  }
.Lfunc_end2:
_tile_overlayer_lowered:
.L_overlay_start_2:
0x1b2: {  	(tag) =	ssettag $0x2  }
0x1b3: {  	s0 =	rddreg [dreg:$0x0];
	s2 =	stileid.u32  }
0x1b4: {  	s1 =	rddreg [dreg:$0x1];
	p0 =	sne.s32 s2, $0x0  }
0x1b5: {  	s3 =	rddreg [dreg:$0x2];
	[bflag:$0x3] =	sbarrier.arrive $0xFFFF;
	s2 =	simm.s32 @!p0 $0x1C01  }
0x1b6: {  	[timem:s3], [sflag:s2] =	dma.local @!p0 [hbm:s0], s1  }
0x1b7: {  	s0 =	simm.s32 @!p0 $0x1  }
0x1b8: {  	_ =	swait.ge @!p0 [sflag:s0], s1  }
0x1b9: {  	s1 =	ssub.s32 @!p0 $0x0, s1;
	[sflag:s0] =	ssyncset.done @!p0 $0x0  }
0x1ba: {  	[sflag:s0] =	ssyncadd.s32 @!p0 s1  }
0x1bb: {  	[bflag:$0x3] =	sbarrier.arrive $0xFFFF  }
0x1bc: {  	_ =	shalt  }

</sc_bundles>
